<compile_context>
chip_gen: v7x
topology: tpu7x:2x2x1
jax: 0.10.2.dev20260603
libtpu: 0.0.44.dev20260713+nightly
codegen_flags: <defaults>
</compile_context>

<pallas_src>
import functools

import jax
import jax.numpy as jnp
from jax import lax
from jax.experimental import pallas as pl
from jax.experimental.pallas import tpu as pltpu
from jax.experimental.pallas import tpu_sc as plsc

NC = 2
NS = 16
NW = NC * NS
K = 128
ITW = 80
EP = NW * ITW * K
NB = EP // K
HB = 40
T0 = 80
T1 = 80
NP = 10240
NPA = 10112

_MESH = dict(core_axis_name="c", subcore_axis_name="s",
             num_cores=NC, num_subcores=NS)

assert NS * (T0 + T1) == NB and T0 % HB == 0 and T1 % HB == 0


def _deg_kernel():
    nchunks = NP // K

    @functools.partial(
        pl.kernel,
        out_type=jax.ShapeDtypeStruct((NC * NP,), jnp.float32),
        mesh=plsc.VectorSubcoreMesh(**_MESH),
        scratch_types=[
            pltpu.VMEM((ITW, K), jnp.int32),
            pltpu.VMEM((K,), jnp.int32),
            pltpu.VMEM((K,), jnp.float32),
            pltpu.VMEM((K,), jnp.float32),
            pltpu.VMEM_SHARED((NP,), jnp.float32),
        ],
    )
    def deg(row2_hbm, out_hbm, idx_v, cur0, ones_v, zb_v, deg_sh):
        c = lax.axis_index("c")
        s = lax.axis_index("s")
        w = s * NC + c
        for j in range(K // 16):
            ones_v[pl.ds(j * 16, 16)] = jnp.ones((16,), jnp.float32)
            zb_v[pl.ds(j * 16, 16)] = jnp.zeros((16,), jnp.float32)

        def zbody(i, carry):
            off = pl.multiple_of((s + i * NS) * K, 8)
            pltpu.sync_copy(zb_v, deg_sh.at[pl.ds(off, K)])
            return carry

        lax.fori_loop(0, nchunks // NS, zbody, 0)
        pltpu.sync_copy(row2_hbm.at[pl.ds(w * ITW, ITW)], idx_v)
        plsc.subcore_barrier()

        def stage(i, dst):
            for j in range(K // 16):
                dst[pl.ds(j * 16, 16)] = idx_v[i, pl.ds(j * 16, 16)]

        def body(i, carry):
            stage(i, cur0)
            pltpu.sync_copy(ones_v, deg_sh.at[cur0], add=True)
            return carry

        lax.fori_loop(0, ITW, body, 0)
        plsc.subcore_barrier()

        def obody(i, carry):
            off = pl.multiple_of((s + i * NS) * K, 8)
            pltpu.sync_copy(deg_sh.at[pl.ds(off, K)], zb_v)
            oo = pl.multiple_of(c * NP + (s + i * NS) * K, 8)
            pltpu.sync_copy(zb_v, out_hbm.at[pl.ds(oo, K)])
            return carry

        lax.fori_loop(0, nchunks // NS, obody, 0)

    return deg


def _aggr_kernel(d: int):
    nca = NPA // K

    @functools.partial(
        pl.kernel,
        out_type=jax.ShapeDtypeStruct((NC, NPA, d), jnp.float32),
        mesh=plsc.VectorSubcoreMesh(**_MESH),
        scratch_types=[
            pltpu.VMEM((HB, K), jnp.int32),
            pltpu.VMEM((HB, K), jnp.int32),
            pltpu.VMEM((K,), jnp.int32),
            pltpu.VMEM((K, d), jnp.float32),
            pltpu.VMEM((K, d), jnp.float32),
            pltpu.VMEM_SHARED((NPA, d), jnp.float32),
            pltpu.SemaphoreType.DMA,
            pltpu.SemaphoreType.DMA,
        ],
    )
    def aggr(col2_hbm, row2_hbm, g_hbm, out_hbm,
             col_v, row_v, cur_v, buf0, buf1, acc_sh, sem0, sem1):
        c = lax.axis_index("c")
        s = lax.axis_index("s")

        def zrow(i, carry):
            for j in range(d // 16):
                buf0[i, pl.ds(j * 16, 16)] = jnp.zeros((16,), jnp.float32)
            return carry

        lax.fori_loop(0, K, zrow, 0)

        def zbody(i, carry):
            off = pl.multiple_of((s + i * NS) * K, 8)
            pltpu.sync_copy(buf0, acc_sh.at[pl.ds(off, K)])
            return carry

        lax.fori_loop(0, (nca - s + NS - 1) // NS, zbody, 0)
        plsc.subcore_barrier()

        def wait_gat(sem, buf):
            pltpu.make_async_copy(g_hbm.at[pl.ds(0, K)], buf, sem).wait()

        def sca(i, buf):
            for j in range(K // 16):
                cur_v[pl.ds(j * 16, 16)] = row_v[i, pl.ds(j * 16, 16)]
            pltpu.sync_copy(buf, acc_sh.at[cur_v], add=True)

        def run_phase(po):
            pltpu.sync_copy(col2_hbm.at[pl.ds(po, HB)], col_v)
            pltpu.sync_copy(row2_hbm.at[pl.ds(po, HB)], row_v)
            pltpu.async_copy(g_hbm.at[col_v.at[0]], buf0, sem0)
            pltpu.async_copy(g_hbm.at[col_v.at[1]], buf1, sem1)

            def pair(i2, carry):
                i = 2 * i2
                wait_gat(sem0, buf0)
                sca(i, buf0)
                pltpu.async_copy(g_hbm.at[col_v.at[i + 2]], buf0, sem0)
                wait_gat(sem1, buf1)
                sca(i + 1, buf1)
                pltpu.async_copy(g_hbm.at[col_v.at[i + 3]], buf1, sem1)
                return carry

            lax.fori_loop(0, HB // 2 - 1, pair, 0)
            wait_gat(sem0, buf0)
            sca(HB - 2, buf0)
            wait_gat(sem1, buf1)
            sca(HB - 1, buf1)

        @pl.when(c == 0)
        def _():
            for ph in range(T0 // HB):
                run_phase(pl.multiple_of(s * T0 + ph * HB, 8))

        @pl.when(c == 1)
        def _():
            for ph in range(T1 // HB):
                run_phase(pl.multiple_of(NS * T0 + s * T1 + ph * HB, 8))

        plsc.subcore_barrier()

        def obody(i, carry):
            off = pl.multiple_of((s + i * NS) * K, 8)
            pltpu.sync_copy(acc_sh.at[pl.ds(off, K)], buf0)
            pltpu.sync_copy(buf0, out_hbm.at[c, pl.ds(off, K)])
            return carry

        lax.fori_loop(0, (nca - s + NS - 1) // NS, obody, 0)

    return aggr


def _tch_call(x, wt, b2):
    n, d_in = x.shape
    d_out = wt.shape[1]
    br = 2000
    grid = (n // br,)

    def tch(x_ref, wt_ref, b_ref, h_ref):
        h_ref[...] = jnp.dot(x_ref[...], wt_ref[...],
                             preferred_element_type=jnp.float32) + b_ref[...]

    return pl.pallas_call(
        tch,
        grid=grid,
        in_specs=[
            pl.BlockSpec((br, d_in), lambda i: (i, 0)),
            pl.BlockSpec((d_in, d_out), lambda i: (0, 0)),
            pl.BlockSpec((1, d_out), lambda i: (0, 0)),
        ],
        out_specs=pl.BlockSpec((br, d_out), lambda i: (i, 0)),
        out_shape=jax.ShapeDtypeStruct((n, d_out), jnp.float32),
    )(x, wt, b2)


def _tc1_call(h, degt):
    n, d_out = h.shape
    br = 2000
    grid = (n // br,)

    def tc1(h_ref, degt_ref, g_ref, dis_ref):
        deg = degt_ref[:, 0] + degt_ref[:, 1] + 1.0
        dis = lax.rsqrt(deg)
        g_ref[...] = h_ref[...] * dis[:, None]
        dis_ref[...] = dis[:, None]

    return pl.pallas_call(
        tc1,
        grid=grid,
        in_specs=[
            pl.BlockSpec((br, d_out), lambda i: (i, 0)),
            pl.BlockSpec((br, 2), lambda i: (i, 0)),
        ],
        out_specs=[
            pl.BlockSpec((br, d_out), lambda i: (i, 0)),
            pl.BlockSpec((br, 1), lambda i: (i, 0)),
        ],
        out_shape=[
            jax.ShapeDtypeStruct((n, d_out), jnp.float32),
            jax.ShapeDtypeStruct((n, 1), jnp.float32),
        ],
    )(h, degt)


def _tc2_call(part, g, dis):
    n, d = g.shape
    br = 2000
    grid = (n // br,)

    def tc2(p_ref, g_ref, dis_ref, out_ref):
        out_ref[...] = dis_ref[...] * (p_ref[0] + p_ref[1] + g_ref[...])

    return pl.pallas_call(
        tc2,
        grid=grid,
        in_specs=[
            pl.BlockSpec((NC, br, d), lambda i: (0, i, 0)),
            pl.BlockSpec((br, d), lambda i: (i, 0)),
            pl.BlockSpec((br, 1), lambda i: (i, 0)),
        ],
        out_specs=pl.BlockSpec((br, d), lambda i: (i, 0)),
        out_shape=jax.ShapeDtypeStruct((n, d), jnp.float32),
    )(part, g, dis)


def kernel(x, edge_index, W, b):
    n, d_in = x.shape
    d_out = W.shape[0]
    e = edge_index.shape[1]
    assert e <= EP and n < NPA

    npad = EP - e
    idt = edge_index.dtype
    pad = jnp.arange(npad, dtype=idt)
    pad_rows = (n + pad % (NPA - n)).astype(idt)
    pad_cols = (pad % n).astype(idt)
    row2 = jnp.concatenate([edge_index[0], pad_rows]).reshape(EP // K, K)
    col2 = jnp.concatenate([edge_index[1], pad_cols]).reshape(EP // K, K)

    degp = _deg_kernel()(row2)
    degt = degp.reshape(NC, NP).T
    h = _tch_call(x, W.T, b.reshape(1, -1))
    g, dis = _tc1_call(h, degt)
    part = _aggr_kernel(d_out)(col2, row2, g)
    return _tc2_call(part, g, dis)

# --- scband reference (transcript-rebuilt; emitter-appended) ---
"""Pipeline reference for scband-gcnconv-6846177869848 (READ-ONLY COPY).

The authoritative reference and input builder live on the scoring server;
editing this copy changes nothing except your own understanding.
"""

import jax, jax.numpy as jnp
import numpy as np

N = 10000
E = 320000
D_IN = 128
D_OUT = 128


def setup_inputs(seed: int = 0) -> dict:
    key = jax.random.key(seed)
    k1, k2, k3, k4 = jax.random.split(key, 4)
    x = jax.random.normal(k1, (N, D_IN), dtype=jnp.float32)
    edge_index = jax.random.randint(k2, (2, E), 0, N)
    # nn.Linear parameters: weight [out, in], bias [out]
    W = jax.random.normal(k3, (D_OUT, D_IN), dtype=jnp.float32) * (1.0 / np.sqrt(D_IN))
    b = jax.random.normal(k4, (D_OUT,), dtype=jnp.float32) * 0.01
    return {"x": x, "edge_index": edge_index, "W": W, "b": b}


def reference(x, edge_index, W, b):
    num_nodes = x.shape[0]
    # addSelfConnect: append self-loop edges
    selfconn = jnp.stack([jnp.arange(num_nodes, dtype=edge_index.dtype)] * 2, axis=0)
    ei = jnp.concatenate([edge_index, selfconn], axis=1)
    # linear
    h = x @ W.T + b
    row = ei[0]
    col = ei[1]
    # calDegree: degree counted over row indices (unique+counts == bincount)
    deg = jnp.bincount(row, length=num_nodes).astype(jnp.float32)
    deg_sqrt = deg ** (-0.5)
    norm = deg_sqrt[row] * deg_sqrt[col]
    # gather target node features and scale
    tar = jnp.take(h, col, axis=0)
    tar = norm[:, None] * tar
    # AggrSum: one-hot mask matmul == scatter-add (segment_sum) over row
    aggr = jax.ops.segment_sum(tar, row, num_segments=num_nodes)
    return aggr

if __name__ == "__main__":
    import jax
    _d = setup_inputs()
    print(jax.jit(kernel)(*tuple(_d.values())))

</pallas_src>

<mosaic_0001>
#map = affine_map<(d0, d1) -> (0, 0)>
#map1 = affine_map<(d0, d1) -> (0)>
module attributes {stable_mosaic.version = 14 : i64} {
  func.func @deg(%arg0: i32, %arg1: i32, %arg2: memref<2560x128xi32, #tpu.memory_space<hbm>>, %arg3: memref<20480xf32, #tpu.memory_space<hbm>>, %arg4: memref<80x128xi32, #tpu.memory_space<vmem>>, %arg5: memref<128xi32, #tpu.memory_space<vmem>>, %arg6: memref<128xf32, #tpu.memory_space<vmem>>, %arg7: memref<128xf32, #tpu.memory_space<vmem>>, %arg8: memref<10240xf32, #tpu.memory_space<vmem_shared>>) attributes {dimension_semantics = [#tpu.dimension_semantics<core_parallel>, #tpu.dimension_semantics<subcore_parallel>], iteration_bounds = array<i64: 2, 16>, scalar_prefetch = 0 : i64, scratch_operands = 5 : i64, tpu.core_type = #tpu.core_type<sc_vector_subcore>, window_params = [{transform_indices = #map}, {transform_indices = #map1}]} {
    %mul3A = arith.constant 2 : i32
    %mul3A_0 = arith.muli %arg1, %mul3A : i32
    %add3A = arith.addi %mul3A_0, %arg0 : i32
    %broadcast_in_dim3A = arith.constant 1.000000e+00 : f32
    %broadcast_in_dim3A_1 = vector.broadcast %broadcast_in_dim3A : f32 to vector<16xf32>
    %swap3A = arith.constant 0 : index
    %swap3A_2 = tpu.vector_load %arg6[%swap3A] {strides = array<i32>} : memref<128xf32, #tpu.memory_space<vmem>>, vector<16xf32>,
    %swap3A_3 = vector.shape_cast %swap3A_2 : vector<16xf32> to vector<16xf32>
    %swap3A_4 = vector.shape_cast %broadcast_in_dim3A_1 : vector<16xf32> to vector<16xf32>
    tpu.vector_store %arg6[%swap3A], %swap3A_4 {strides = array<i32>} : memref<128xf32, #tpu.memory_space<vmem>>, vector<16xf32>,
    %broadcast_in_dim3A_5 = arith.constant 0.000000e+00 : f32
    %broadcast_in_dim3A_6 = vector.broadcast %broadcast_in_dim3A_5 : f32 to vector<16xf32>
    %swap3A_7 = arith.constant 0 : index
    %swap3A_8 = tpu.vector_load %arg7[%swap3A_7] {strides = array<i32>} : memref<128xf32, #tpu.memory_space<vmem>>, vector<16xf32>,
    %swap3A_9 = vector.shape_cast %swap3A_8 : vector<16xf32> to vector<16xf32>
    %swap3A_10 = vector.shape_cast %broadcast_in_dim3A_6 : vector<16xf32> to vector<16xf32>
    tpu.vector_store %arg7[%swap3A_7], %swap3A_10 {strides = array<i32>} : memref<128xf32, #tpu.memory_space<vmem>>, vector<16xf32>,
    %broadcast_in_dim3A_11 = arith.constant 1.000000e+00 : f32
    %broadcast_in_dim3A_12 = vector.broadcast %broadcast_in_dim3A_11 : f32 to vector<16xf32>
    %swap3A_13 = arith.constant 16 : index
    %swap3A_14 = tpu.vector_load %arg6[%swap3A_13] {strides = array<i32>} : memref<128xf32, #tpu.memory_space<vmem>>, vector<16xf32>,
    %swap3A_15 = vector.shape_cast %swap3A_14 : vector<16xf32> to vector<16xf32>
    %swap3A_16 = vector.shape_cast %broadcast_in_dim3A_12 : vector<16xf32> to vector<16xf32>
    tpu.vector_store %arg6[%swap3A_13], %swap3A_16 {strides = array<i32>} : memref<128xf32, #tpu.memory_space<vmem>>, vector<16xf32>,
    %broadcast_in_dim3A_17 = arith.constant 0.000000e+00 : f32
    %broadcast_in_dim3A_18 = vector.broadcast %broadcast_in_dim3A_17 : f32 to vector<16xf32>
    %swap3A_19 = arith.constant 16 : index
    %swap3A_20 = tpu.vector_load %arg7[%swap3A_19] {strides = array<i32>} : memref<128xf32, #tpu.memory_space<vmem>>, vector<16xf32>,
    %swap3A_21 = vector.shape_cast %swap3A_20 : vector<16xf32> to vector<16xf32>
    %swap3A_22 = vector.shape_cast %broadcast_in_dim3A_18 : vector<16xf32> to vector<16xf32>
    tpu.vector_store %arg7[%swap3A_19], %swap3A_22 {strides = array<i32>} : memref<128xf32, #tpu.memory_space<vmem>>, vector<16xf32>,
    %broadcast_in_dim3A_23 = arith.constant 1.000000e+00 : f32
    %broadcast_in_dim3A_24 = vector.broadcast %broadcast_in_dim3A_23 : f32 to vector<16xf32>
    %swap3A_25 = arith.constant 32 : index
    %swap3A_26 = tpu.vector_load %arg6[%swap3A_25] {strides = array<i32>} : memref<128xf32, #tpu.memory_space<vmem>>, vector<16xf32>,
    %swap3A_27 = vector.shape_cast %swap3A_26 : vector<16xf32> to vector<16xf32>
    %swap3A_28 = vector.shape_cast %broadcast_in_dim3A_24 : vector<16xf32> to vector<16xf32>
    tpu.vector_store %arg6[%swap3A_25], %swap3A_28 {strides = array<i32>} : memref<128xf32, #tpu.memory_space<vmem>>, vector<16xf32>,
    %broadcast_in_dim3A_29 = arith.constant 0.000000e+00 : f32
    %broadcast_in_dim3A_30 = vector.broadcast %broadcast_in_dim3A_29 : f32 to vector<16xf32>
    %swap3A_31 = arith.constant 32 : index
    %swap3A_32 = tpu.vector_load %arg7[%swap3A_31] {strides = array<i32>} : memref<128xf32, #tpu.memory_space<vmem>>, vector<16xf32>,
    %swap3A_33 = vector.shape_cast %swap3A_32 : vector<16xf32> to vector<16xf32>
    %swap3A_34 = vector.shape_cast %broadcast_in_dim3A_30 : vector<16xf32> to vector<16xf32>
    tpu.vector_store %arg7[%swap3A_31], %swap3A_34 {strides = array<i32>} : memref<128xf32, #tpu.memory_space<vmem>>, vector<16xf32>,
    %broadcast_in_dim3A_35 = arith.constant 1.000000e+00 : f32
    %broadcast_in_dim3A_36 = vector.broadcast %broadcast_in_dim3A_35 : f32 to vector<16xf32>
    %swap3A_37 = arith.constant 48 : index
    %swap3A_38 = tpu.vector_load %arg6[%swap3A_37] {strides = array<i32>} : memref<128xf32, #tpu.memory_space<vmem>>, vector<16xf32>,
    %swap3A_39 = vector.shape_cast %swap3A_38 : vector<16xf32> to vector<16xf32>
    %swap3A_40 = vector.shape_cast %broadcast_in_dim3A_36 : vector<16xf32> to vector<16xf32>
    tpu.vector_store %arg6[%swap3A_37], %swap3A_40 {strides = array<i32>} : memref<128xf32, #tpu.memory_space<vmem>>, vector<16xf32>,
    %broadcast_in_dim3A_41 = arith.constant 0.000000e+00 : f32
    %broadcast_in_dim3A_42 = vector.broadcast %broadcast_in_dim3A_41 : f32 to vector<16xf32>
    %swap3A_43 = arith.constant 48 : index
    %swap3A_44 = tpu.vector_load %arg7[%swap3A_43] {strides = array<i32>} : memref<128xf32, #tpu.memory_space<vmem>>, vector<16xf32>,
    %swap3A_45 = vector.shape_cast %swap3A_44 : vector<16xf32> to vector<16xf32>
    %swap3A_46 = vector.shape_cast %broadcast_in_dim3A_42 : vector<16xf32> to vector<16xf32>
    tpu.vector_store %arg7[%swap3A_43], %swap3A_46 {strides = array<i32>} : memref<128xf32, #tpu.memory_space<vmem>>, vector<16xf32>,
    %broadcast_in_dim3A_47 = arith.constant 1.000000e+00 : f32
    %broadcast_in_dim3A_48 = vector.broadcast %broadcast_in_dim3A_47 : f32 to vector<16xf32>
    %swap3A_49 = arith.constant 64 : index
    %swap3A_50 = tpu.vector_load %arg6[%swap3A_49] {strides = array<i32>} : memref<128xf32, #tpu.memory_space<vmem>>, vector<16xf32>,
    %swap3A_51 = vector.shape_cast %swap3A_50 : vector<16xf32> to vector<16xf32>
    %swap3A_52 = vector.shape_cast %broadcast_in_dim3A_48 : vector<16xf32> to vector<16xf32>
    tpu.vector_store %arg6[%swap3A_49], %swap3A_52 {strides = array<i32>} : memref<128xf32, #tpu.memory_space<vmem>>, vector<16xf32>,
    %broadcast_in_dim3A_53 = arith.constant 0.000000e+00 : f32
    %broadcast_in_dim3A_54 = vector.broadcast %broadcast_in_dim3A_53 : f32 to vector<16xf32>
    %swap3A_55 = arith.constant 64 : index
    %swap3A_56 = tpu.vector_load %arg7[%swap3A_55] {strides = array<i32>} : memref<128xf32, #tpu.memory_space<vmem>>, vector<16xf32>,
    %swap3A_57 = vector.shape_cast %swap3A_56 : vector<16xf32> to vector<16xf32>
    %swap3A_58 = vector.shape_cast %broadcast_in_dim3A_54 : vector<16xf32> to vector<16xf32>
    tpu.vector_store %arg7[%swap3A_55], %swap3A_58 {strides = array<i32>} : memref<128xf32, #tpu.memory_space<vmem>>, vector<16xf32>,
    %broadcast_in_dim3A_59 = arith.constant 1.000000e+00 : f32
    %broadcast_in_dim3A_60 = vector.broadcast %broadcast_in_dim3A_59 : f32 to vector<16xf32>
    %swap3A_61 = arith.constant 80 : index
    %swap3A_62 = tpu.vector_load %arg6[%swap3A_61] {strides = array<i32>} : memref<128xf32, #tpu.memory_space<vmem>>, vector<16xf32>,
    %swap3A_63 = vector.shape_cast %swap3A_62 : vector<16xf32> to vector<16xf32>
    %swap3A_64 = vector.shape_cast %broadcast_in_dim3A_60 : vector<16xf32> to vector<16xf32>
    tpu.vector_store %arg6[%swap3A_61], %swap3A_64 {strides = array<i32>} : memref<128xf32, #tpu.memory_space<vmem>>, vector<16xf32>,
    %broadcast_in_dim3A_65 = arith.constant 0.000000e+00 : f32
    %broadcast_in_dim3A_66 = vector.broadcast %broadcast_in_dim3A_65 : f32 to vector<16xf32>
    %swap3A_67 = arith.constant 80 : index
    %swap3A_68 = tpu.vector_load %arg7[%swap3A_67] {strides = array<i32>} : memref<128xf32, #tpu.memory_space<vmem>>, vector<16xf32>,
    %swap3A_69 = vector.shape_cast %swap3A_68 : vector<16xf32> to vector<16xf32>
    %swap3A_70 = vector.shape_cast %broadcast_in_dim3A_66 : vector<16xf32> to vector<16xf32>
    tpu.vector_store %arg7[%swap3A_67], %swap3A_70 {strides = array<i32>} : memref<128xf32, #tpu.memory_space<vmem>>, vector<16xf32>,
    %broadcast_in_dim3A_71 = arith.constant 1.000000e+00 : f32
    %broadcast_in_dim3A_72 = vector.broadcast %broadcast_in_dim3A_71 : f32 to vector<16xf32>
    %swap3A_73 = arith.constant 96 : index
    %swap3A_74 = tpu.vector_load %arg6[%swap3A_73] {strides = array<i32>} : memref<128xf32, #tpu.memory_space<vmem>>, vector<16xf32>,
    %swap3A_75 = vector.shape_cast %swap3A_74 : vector<16xf32> to vector<16xf32>
    %swap3A_76 = vector.shape_cast %broadcast_in_dim3A_72 : vector<16xf32> to vector<16xf32>
    tpu.vector_store %arg6[%swap3A_73], %swap3A_76 {strides = array<i32>} : memref<128xf32, #tpu.memory_space<vmem>>, vector<16xf32>,
    %broadcast_in_dim3A_77 = arith.constant 0.000000e+00 : f32
    %broadcast_in_dim3A_78 = vector.broadcast %broadcast_in_dim3A_77 : f32 to vector<16xf32>
    %swap3A_79 = arith.constant 96 : index
    %swap3A_80 = tpu.vector_load %arg7[%swap3A_79] {strides = array<i32>} : memref<128xf32, #tpu.memory_space<vmem>>, vector<16xf32>,
    %swap3A_81 = vector.shape_cast %swap3A_80 : vector<16xf32> to vector<16xf32>
    %swap3A_82 = vector.shape_cast %broadcast_in_dim3A_78 : vector<16xf32> to vector<16xf32>
    tpu.vector_store %arg7[%swap3A_79], %swap3A_82 {strides = array<i32>} : memref<128xf32, #tpu.memory_space<vmem>>, vector<16xf32>,
    %broadcast_in_dim3A_83 = arith.constant 1.000000e+00 : f32
    %broadcast_in_dim3A_84 = vector.broadcast %broadcast_in_dim3A_83 : f32 to vector<16xf32>
    %swap3A_85 = arith.constant 112 : index
    %swap3A_86 = tpu.vector_load %arg6[%swap3A_85] {strides = array<i32>} : memref<128xf32, #tpu.memory_space<vmem>>, vector<16xf32>,
    %swap3A_87 = vector.shape_cast %swap3A_86 : vector<16xf32> to vector<16xf32>
    %swap3A_88 = vector.shape_cast %broadcast_in_dim3A_84 : vector<16xf32> to vector<16xf32>
    tpu.vector_store %arg6[%swap3A_85], %swap3A_88 {strides = array<i32>} : memref<128xf32, #tpu.memory_space<vmem>>, vector<16xf32>,
    %broadcast_in_dim3A_89 = arith.constant 0.000000e+00 : f32
    %broadcast_in_dim3A_90 = vector.broadcast %broadcast_in_dim3A_89 : f32 to vector<16xf32>
    %swap3A_91 = arith.constant 112 : index
    %swap3A_92 = tpu.vector_load %arg7[%swap3A_91] {strides = array<i32>} : memref<128xf32, #tpu.memory_space<vmem>>, vector<16xf32>,
    %swap3A_93 = vector.shape_cast %swap3A_92 : vector<16xf32> to vector<16xf32>
    %swap3A_94 = vector.shape_cast %broadcast_in_dim3A_90 : vector<16xf32> to vector<16xf32>
    tpu.vector_store %arg7[%swap3A_91], %swap3A_94 {strides = array<i32>} : memref<128xf32, #tpu.memory_space<vmem>>, vector<16xf32>,
    %scan3A = arith.constant 0 : i32
    %scan3A_95 = arith.constant 0 : i32
    %scan3A_96 = arith.constant 5 : i32
    %scan3A_97 = arith.addi %scan3A_95, %scan3A_96 : i32
    %scan3A_98 = arith.constant 1 : i32
    scf.for %scan3A_115 = %scan3A_95 to %scan3A_97 step %scan3A_98  : i32 {
      %mul3A_116 = arith.constant 16 : i32
      %mul3A_117 = arith.muli %scan3A_115, %mul3A_116 : i32
      %add3A_118 = arith.addi %arg1, %mul3A_117 : i32
      %mul3A_119 = arith.constant 128 : i32
      %mul3A_120 = arith.muli %add3A_118, %mul3A_119 : i32
      %multiple_of3A = tpu.assume_multiple %mul3A_120, 8 : i32
      "tpu.region"() ({
        %run_scoped3A = tpu.sem_alloc : memref<!tpu.dma_semaphore, #tpu.memory_space<semaphore_mem>>
        %dma_start3A = tpu.memref_slice %arg8[%multiple_of3A] : memref<10240xf32, #tpu.memory_space<vmem_shared>> -> memref<128xf32, #tpu.memory_space<vmem_shared>>
        %dma_start3A_121 = tpu.memref_slice %arg8[%multiple_of3A] : memref<10240xf32, #tpu.memory_space<vmem_shared>> -> memref<128xf32, #tpu.memory_space<vmem_shared>>
        tpu.enqueue_dma source(%arg7 : memref<128xf32, #tpu.memory_space<vmem>>) target(%dma_start3A_121 : memref<128xf32, #tpu.memory_space<vmem_shared>>) target_semaphore(%run_scoped3A : memref<!tpu.dma_semaphore, #tpu.memory_space<semaphore_mem>>)
        %dma_wait3A = tpu.memref_slice %arg8[%multiple_of3A] : memref<10240xf32, #tpu.memory_space<vmem_shared>> -> memref<128xf32, #tpu.memory_space<vmem_shared>>
        %dma_wait3A_122 = tpu.memref_slice %arg8[%multiple_of3A] : memref<10240xf32, #tpu.memory_space<vmem_shared>> -> memref<128xf32, #tpu.memory_space<vmem_shared>>
        tpu.wait_dma2 semaphore(%run_scoped3A : memref<!tpu.dma_semaphore, #tpu.memory_space<semaphore_mem>>) src(%arg7 : memref<128xf32, #tpu.memory_space<vmem>>) dst(%dma_wait3A_122 : memref<128xf32, #tpu.memory_space<vmem_shared>>)
        tpu.yield
      }) : () -> ()
    }
    %scan3A_99 = arith.constant 5 : i32
    %mul3A_100 = arith.constant 80 : i32
    %mul3A_101 = arith.muli %add3A, %mul3A_100 : i32
    "tpu.region"() ({
      %run_scoped3A = tpu.sem_alloc : memref<!tpu.dma_semaphore, #tpu.memory_space<semaphore_mem>>
      %dma_start3A = arith.constant 0 : i32
      %dma_start3A_115 = tpu.memref_slice %arg2[%mul3A_101, %dma_start3A] : memref<2560x128xi32, #tpu.memory_space<hbm>> -> memref<80x128xi32, #tpu.memory_space<hbm>>
      %dma_start3A_116 = arith.constant 0 : i32
      %dma_start3A_117 = tpu.memref_slice %arg2[%mul3A_101, %dma_start3A_116] : memref<2560x128xi32, #tpu.memory_space<hbm>> -> memref<80x128xi32, #tpu.memory_space<hbm>>
      tpu.enqueue_dma source(%dma_start3A_117 : memref<80x128xi32, #tpu.memory_space<hbm>>) target(%arg4 : memref<80x128xi32, #tpu.memory_space<vmem>>) target_semaphore(%run_scoped3A : memref<!tpu.dma_semaphore, #tpu.memory_space<semaphore_mem>>)
      %dma_wait3A = arith.constant 0 : i32
      %dma_wait3A_118 = tpu.memref_slice %arg2[%mul3A_101, %dma_wait3A] : memref<2560x128xi32, #tpu.memory_space<hbm>> -> memref<80x128xi32, #tpu.memory_space<hbm>>
      %dma_wait3A_119 = arith.constant 0 : i32
      %dma_wait3A_120 = tpu.memref_slice %arg2[%mul3A_101, %dma_wait3A_119] : memref<2560x128xi32, #tpu.memory_space<hbm>> -> memref<80x128xi32, #tpu.memory_space<hbm>>
      tpu.wait_dma2 semaphore(%run_scoped3A : memref<!tpu.dma_semaphore, #tpu.memory_space<semaphore_mem>>) src(%dma_wait3A_120 : memref<80x128xi32, #tpu.memory_space<hbm>>) dst(%arg4 : memref<80x128xi32, #tpu.memory_space<vmem>>)
      tpu.yield
    }) : () -> ()
    %barrier3A = arith.constant 0 : index
    tpu.barrier barrier_id(%barrier3A)
    %scan3A_102 = arith.constant 0 : i32
    %scan3A_103 = arith.constant 0 : i32
    %scan3A_104 = arith.constant 80 : i32
    %scan3A_105 = arith.addi %scan3A_103, %scan3A_104 : i32
    %scan3A_106 = arith.constant 1 : i32
    scf.for %scan3A_115 = %scan3A_103 to %scan3A_105 step %scan3A_106  : i32 {
      %get3A = arith.index_cast %scan3A_115 : i32 to index
      %get3A_116 = arith.constant 0 : index
      %get3A_117 = tpu.vector_load %arg4[%get3A, %get3A_116] {strides = array<i32>} : memref<80x128xi32, #tpu.memory_space<vmem>>, vector<1x16xi32>,
      %get3A_118 = vector.shape_cast %get3A_117 : vector<1x16xi32> to vector<16xi32>
      %swap3A_119 = arith.constant 0 : index
      %swap3A_120 = tpu.vector_load %arg5[%swap3A_119] {strides = array<i32>} : memref<128xi32, #tpu.memory_space<vmem>>, vector<16xi32>,
      %swap3A_121 = vector.shape_cast %swap3A_120 : vector<16xi32> to vector<16xi32>
      %swap3A_122 = vector.shape_cast %get3A_118 : vector<16xi32> to vector<16xi32>
      tpu.vector_store %arg5[%swap3A_119], %swap3A_122 {strides = array<i32>} : memref<128xi32, #tpu.memory_space<vmem>>, vector<16xi32>,
      %get3A_123 = arith.index_cast %scan3A_115 : i32 to index
      %get3A_124 = arith.constant 16 : index
      %get3A_125 = tpu.vector_load %arg4[%get3A_123, %get3A_124] {strides = array<i32>} : memref<80x128xi32, #tpu.memory_space<vmem>>, vector<1x16xi32>,
      %get3A_126 = vector.shape_cast %get3A_125 : vector<1x16xi32> to vector<16xi32>
      %swap3A_127 = arith.constant 16 : index
      %swap3A_128 = tpu.vector_load %arg5[%swap3A_127] {strides = array<i32>} : memref<128xi32, #tpu.memory_space<vmem>>, vector<16xi32>,
      %swap3A_129 = vector.shape_cast %swap3A_128 : vector<16xi32> to vector<16xi32>
      %swap3A_130 = vector.shape_cast %get3A_126 : vector<16xi32> to vector<16xi32>
      tpu.vector_store %arg5[%swap3A_127], %swap3A_130 {strides = array<i32>} : memref<128xi32, #tpu.memory_space<vmem>>, vector<16xi32>,
      %get3A_131 = arith.index_cast %scan3A_115 : i32 to index
      %get3A_132 = arith.constant 32 : index
      %get3A_133 = tpu.vector_load %arg4[%get3A_131, %get3A_132] {strides = array<i32>} : memref<80x128xi32, #tpu.memory_space<vmem>>, vector<1x16xi32>,
      %get3A_134 = vector.shape_cast %get3A_133 : vector<1x16xi32> to vector<16xi32>
      %swap3A_135 = arith.constant 32 : index
      %swap3A_136 = tpu.vector_load %arg5[%swap3A_135] {strides = array<i32>} : memref<128xi32, #tpu.memory_space<vmem>>, vector<16xi32>,
      %swap3A_137 = vector.shape_cast %swap3A_136 : vector<16xi32> to vector<16xi32>
      %swap3A_138 = vector.shape_cast %get3A_134 : vector<16xi32> to vector<16xi32>
      tpu.vector_store %arg5[%swap3A_135], %swap3A_138 {strides = array<i32>} : memref<128xi32, #tpu.memory_space<vmem>>, vector<16xi32>,
      %get3A_139 = arith.index_cast %scan3A_115 : i32 to index
      %get3A_140 = arith.constant 48 : index
      %get3A_141 = tpu.vector_load %arg4[%get3A_139, %get3A_140] {strides = array<i32>} : memref<80x128xi32, #tpu.memory_space<vmem>>, vector<1x16xi32>,
      %get3A_142 = vector.shape_cast %get3A_141 : vector<1x16xi32> to vector<16xi32>
      %swap3A_143 = arith.constant 48 : index
      %swap3A_144 = tpu.vector_load %arg5[%swap3A_143] {strides = array<i32>} : memref<128xi32, #tpu.memory_space<vmem>>, vector<16xi32>,
      %swap3A_145 = vector.shape_cast %swap3A_144 : vector<16xi32> to vector<16xi32>
      %swap3A_146 = vector.shape_cast %get3A_142 : vector<16xi32> to vector<16xi32>
      tpu.vector_store %arg5[%swap3A_143], %swap3A_146 {strides = array<i32>} : memref<128xi32, #tpu.memory_space<vmem>>, vector<16xi32>,
      %get3A_147 = arith.index_cast %scan3A_115 : i32 to index
      %get3A_148 = arith.constant 64 : index
      %get3A_149 = tpu.vector_load %arg4[%get3A_147, %get3A_148] {strides = array<i32>} : memref<80x128xi32, #tpu.memory_space<vmem>>, vector<1x16xi32>,
      %get3A_150 = vector.shape_cast %get3A_149 : vector<1x16xi32> to vector<16xi32>
      %swap3A_151 = arith.constant 64 : index
      %swap3A_152 = tpu.vector_load %arg5[%swap3A_151] {strides = array<i32>} : memref<128xi32, #tpu.memory_space<vmem>>, vector<16xi32>,
      %swap3A_153 = vector.shape_cast %swap3A_152 : vector<16xi32> to vector<16xi32>
      %swap3A_154 = vector.shape_cast %get3A_150 : vector<16xi32> to vector<16xi32>
      tpu.vector_store %arg5[%swap3A_151], %swap3A_154 {strides = array<i32>} : memref<128xi32, #tpu.memory_space<vmem>>, vector<16xi32>,
      %get3A_155 = arith.index_cast %scan3A_115 : i32 to index
      %get3A_156 = arith.constant 80 : index
      %get3A_157 = tpu.vector_load %arg4[%get3A_155, %get3A_156] {strides = array<i32>} : memref<80x128xi32, #tpu.memory_space<vmem>>, vector<1x16xi32>,
      %get3A_158 = vector.shape_cast %get3A_157 : vector<1x16xi32> to vector<16xi32>
      %swap3A_159 = arith.constant 80 : index
      %swap3A_160 = tpu.vector_load %arg5[%swap3A_159] {strides = array<i32>} : memref<128xi32, #tpu.memory_space<vmem>>, vector<16xi32>,
      %swap3A_161 = vector.shape_cast %swap3A_160 : vector<16xi32> to vector<16xi32>
      %swap3A_162 = vector.shape_cast %get3A_158 : vector<16xi32> to vector<16xi32>
      tpu.vector_store %arg5[%swap3A_159], %swap3A_162 {strides = array<i32>} : memref<128xi32, #tpu.memory_space<vmem>>, vector<16xi32>,
      %get3A_163 = arith.index_cast %scan3A_115 : i32 to index
      %get3A_164 = arith.constant 96 : index
      %get3A_165 = tpu.vector_load %arg4[%get3A_163, %get3A_164] {strides = array<i32>} : memref<80x128xi32, #tpu.memory_space<vmem>>, vector<1x16xi32>,
      %get3A_166 = vector.shape_cast %get3A_165 : vector<1x16xi32> to vector<16xi32>
      %swap3A_167 = arith.constant 96 : index
      %swap3A_168 = tpu.vector_load %arg5[%swap3A_167] {strides = array<i32>} : memref<128xi32, #tpu.memory_space<vmem>>, vector<16xi32>,
      %swap3A_169 = vector.shape_cast %swap3A_168 : vector<16xi32> to vector<16xi32>
      %swap3A_170 = vector.shape_cast %get3A_166 : vector<16xi32> to vector<16xi32>
      tpu.vector_store %arg5[%swap3A_167], %swap3A_170 {strides = array<i32>} : memref<128xi32, #tpu.memory_space<vmem>>, vector<16xi32>,
      %get3A_171 = arith.index_cast %scan3A_115 : i32 to index
      %get3A_172 = arith.constant 112 : index
      %get3A_173 = tpu.vector_load %arg4[%get3A_171, %get3A_172] {strides = array<i32>} : memref<80x128xi32, #tpu.memory_space<vmem>>, vector<1x16xi32>,
      %get3A_174 = vector.shape_cast %get3A_173 : vector<1x16xi32> to vector<16xi32>
      %swap3A_175 = arith.constant 112 : index
      %swap3A_176 = tpu.vector_load %arg5[%swap3A_175] {strides = array<i32>} : memref<128xi32, #tpu.memory_space<vmem>>, vector<16xi32>,
      %swap3A_177 = vector.shape_cast %swap3A_176 : vector<16xi32> to vector<16xi32>
      %swap3A_178 = vector.shape_cast %get3A_174 : vector<16xi32> to vector<16xi32>
      tpu.vector_store %arg5[%swap3A_175], %swap3A_178 {strides = array<i32>} : memref<128xi32, #tpu.memory_space<vmem>>, vector<16xi32>,
      "tpu.region"() ({
        %run_scoped3A = tpu.sem_alloc : memref<!tpu.dma_semaphore, #tpu.memory_space<semaphore_mem>>
        %dma_start3A = arith.constant 0 : i32
        %dma_start3A_179 = tpu.memref_slice %arg8[%dma_start3A] : memref<10240xf32, #tpu.memory_space<vmem_shared>> -> memref<10240xf32, #tpu.memory_space<vmem_shared>>
        tpu.enqueue_indirect_dma source(%arg6 : memref<128xf32, #tpu.memory_space<vmem>>) target(%dma_start3A_179 : memref<10240xf32, #tpu.memory_space<vmem_shared>>) offsets(%arg5 : memref<128xi32, #tpu.memory_space<vmem>>) semaphore(%run_scoped3A : memref<!tpu.dma_semaphore, #tpu.memory_space<semaphore_mem>>) {add = true}
        %dma_wait3A = arith.constant 0 : i32
        %dma_wait3A_180 = tpu.memref_slice %arg8[%dma_wait3A] : memref<10240xf32, #tpu.memory_space<vmem_shared>> -> memref<10240xf32, #tpu.memory_space<vmem_shared>>
        tpu.wait_indirect_dma semaphore(%run_scoped3A : memref<!tpu.dma_semaphore, #tpu.memory_space<semaphore_mem>>) src(%arg6 : memref<128xf32, #tpu.memory_space<vmem>>) dst(%dma_wait3A_180 : memref<10240xf32, #tpu.memory_space<vmem_shared>>)
        tpu.yield
      }) : () -> ()
    }
    %scan3A_107 = arith.constant 80 : i32
    %barrier3A_108 = arith.constant 0 : index
    tpu.barrier barrier_id(%barrier3A_108)
    %scan3A_109 = arith.constant 0 : i32
    %scan3A_110 = arith.constant 0 : i32
    %scan3A_111 = arith.constant 5 : i32
    %scan3A_112 = arith.addi %scan3A_110, %scan3A_111 : i32
    %scan3A_113 = arith.constant 1 : i32
    scf.for %scan3A_115 = %scan3A_110 to %scan3A_112 step %scan3A_113  : i32 {
      %mul3A_116 = arith.constant 16 : i32
      %mul3A_117 = arith.muli %scan3A_115, %mul3A_116 : i32
      %add3A_118 = arith.addi %arg1, %mul3A_117 : i32
      %mul3A_119 = arith.constant 128 : i32
      %mul3A_120 = arith.muli %add3A_118, %mul3A_119 : i32
      %multiple_of3A = tpu.assume_multiple %mul3A_120, 8 : i32
      "tpu.region"() ({
        %run_scoped3A = tpu.sem_alloc : memref<!tpu.dma_semaphore, #tpu.memory_space<semaphore_mem>>
        %dma_start3A = tpu.memref_slice %arg8[%multiple_of3A] : memref<10240xf32, #tpu.memory_space<vmem_shared>> -> memref<128xf32, #tpu.memory_space<vmem_shared>>
        %dma_start3A_130 = tpu.memref_slice %arg8[%multiple_of3A] : memref<10240xf32, #tpu.memory_space<vmem_shared>> -> memref<128xf32, #tpu.memory_space<vmem_shared>>
        tpu.enqueue_dma source(%dma_start3A_130 : memref<128xf32, #tpu.memory_space<vmem_shared>>) target(%arg7 : memref<128xf32, #tpu.memory_space<vmem>>) target_semaphore(%run_scoped3A : memref<!tpu.dma_semaphore, #tpu.memory_space<semaphore_mem>>)
        %dma_wait3A = tpu.memref_slice %arg8[%multiple_of3A] : memref<10240xf32, #tpu.memory_space<vmem_shared>> -> memref<128xf32, #tpu.memory_space<vmem_shared>>
        %dma_wait3A_131 = tpu.memref_slice %arg8[%multiple_of3A] : memref<10240xf32, #tpu.memory_space<vmem_shared>> -> memref<128xf32, #tpu.memory_space<vmem_shared>>
        tpu.wait_dma2 semaphore(%run_scoped3A : memref<!tpu.dma_semaphore, #tpu.memory_space<semaphore_mem>>) src(%dma_wait3A_131 : memref<128xf32, #tpu.memory_space<vmem_shared>>) dst(%arg7 : memref<128xf32, #tpu.memory_space<vmem>>)
        tpu.yield
      }) : () -> ()
      %mul3A_121 = arith.constant 10240 : i32
      %mul3A_122 = arith.muli %arg0, %mul3A_121 : i32
      %mul3A_123 = arith.constant 16 : i32
      %mul3A_124 = arith.muli %scan3A_115, %mul3A_123 : i32
      %add3A_125 = arith.addi %arg1, %mul3A_124 : i32
      %mul3A_126 = arith.constant 128 : i32
      %mul3A_127 = arith.muli %add3A_125, %mul3A_126 : i32
      %add3A_128 = arith.addi %mul3A_122, %mul3A_127 : i32
      %multiple_of3A_129 = tpu.assume_multiple %add3A_128, 8 : i32
      "tpu.region"() ({
        %run_scoped3A = tpu.sem_alloc : memref<!tpu.dma_semaphore, #tpu.memory_space<semaphore_mem>>
        %dma_start3A = tpu.memref_slice %arg3[%multiple_of3A_129] : memref<20480xf32, #tpu.memory_space<hbm>> -> memref<128xf32, #tpu.memory_space<hbm>>
        %dma_start3A_130 = tpu.memref_slice %arg3[%multiple_of3A_129] : memref<20480xf32, #tpu.memory_space<hbm>> -> memref<128xf32, #tpu.memory_space<hbm>>
        tpu.enqueue_dma source(%arg7 : memref<128xf32, #tpu.memory_space<vmem>>) target(%dma_start3A_130 : memref<128xf32, #tpu.memory_space<hbm>>) target_semaphore(%run_scoped3A : memref<!tpu.dma_semaphore, #tpu.memory_space<semaphore_mem>>)
        %dma_wait3A = tpu.memref_slice %arg3[%multiple_of3A_129] : memref<20480xf32, #tpu.memory_space<hbm>> -> memref<128xf32, #tpu.memory_space<hbm>>
        %dma_wait3A_131 = tpu.memref_slice %arg3[%multiple_of3A_129] : memref<20480xf32, #tpu.memory_space<hbm>> -> memref<128xf32, #tpu.memory_space<hbm>>
        tpu.wait_dma2 semaphore(%run_scoped3A : memref<!tpu.dma_semaphore, #tpu.memory_space<semaphore_mem>>) src(%arg7 : memref<128xf32, #tpu.memory_space<vmem>>) dst(%dma_wait3A_131 : memref<128xf32, #tpu.memory_space<hbm>>)
        tpu.yield
      }) : () -> ()
    }
    %scan3A_114 = arith.constant 5 : i32
    return
  }
}

#map = affine_map<(d0, d1) -> (0, 0)>
#map1 = affine_map<(d0, d1) -> (0, 0, 0)>
module attributes {stable_mosaic.version = 14 : i64} {
  func.func @aggr(%arg0: i32, %arg1: i32, %arg2: memref<2560x128xi32, #tpu.memory_space<hbm>>, %arg3: memref<2560x128xi32, #tpu.memory_space<hbm>>, %arg4: memref<10000x128xf32, #tpu.memory_space<hbm>>, %arg5: memref<2x10112x128xf32, #tpu.memory_space<hbm>>, %arg6: memref<40x128xi32, #tpu.memory_space<vmem>>, %arg7: memref<40x128xi32, #tpu.memory_space<vmem>>, %arg8: memref<128xi32, #tpu.memory_space<vmem>>, %arg9: memref<128x128xf32, #tpu.memory_space<vmem>>, %arg10: memref<128x128xf32, #tpu.memory_space<vmem>>, %arg11: memref<10112x128xf32, #tpu.memory_space<vmem_shared>>, %arg12: memref<!tpu.dma_semaphore, #tpu.memory_space<semaphore_mem>>, %arg13: memref<!tpu.dma_semaphore, #tpu.memory_space<semaphore_mem>>) attributes {dimension_semantics = [#tpu.dimension_semantics<core_parallel>, #tpu.dimension_semantics<subcore_parallel>], iteration_bounds = array<i64: 2, 16>, scalar_prefetch = 0 : i64, scratch_operands = 8 : i64, tpu.core_type = #tpu.core_type<sc_vector_subcore>, window_params = [{transform_indices = #map}, {transform_indices = #map}, {transform_indices = #map}, {transform_indices = #map1}]} {
    %scan3A = arith.constant 0 : i32
    %scan3A_0 = arith.constant 0 : i32
    %scan3A_1 = arith.constant 128 : i32
    %scan3A_2 = arith.addi %scan3A_0, %scan3A_1 : i32
    %scan3A_3 = arith.constant 1 : i32
    scf.for %scan3A_83 = %scan3A_0 to %scan3A_2 step %scan3A_3  : i32 {
      %broadcast_in_dim3A = arith.constant 0.000000e+00 : f32
      %broadcast_in_dim3A_84 = vector.broadcast %broadcast_in_dim3A : f32 to vector<16xf32>
      %swap3A = arith.index_cast %scan3A_83 : i32 to index
      %swap3A_85 = arith.constant 0 : index
      %swap3A_86 = tpu.vector_load %arg9[%swap3A, %swap3A_85] {strides = array<i32>} : memref<128x128xf32, #tpu.memory_space<vmem>>, vector<1x16xf32>,
      %swap3A_87 = vector.shape_cast %swap3A_86 : vector<1x16xf32> to vector<16xf32>
      %swap3A_88 = vector.shape_cast %broadcast_in_dim3A_84 : vector<16xf32> to vector<1x16xf32>
      tpu.vector_store %arg9[%swap3A, %swap3A_85], %swap3A_88 {strides = array<i32>} : memref<128x128xf32, #tpu.memory_space<vmem>>, vector<1x16xf32>,
      %broadcast_in_dim3A_89 = arith.constant 0.000000e+00 : f32
      %broadcast_in_dim3A_90 = vector.broadcast %broadcast_in_dim3A_89 : f32 to vector<16xf32>
      %swap3A_91 = arith.index_cast %scan3A_83 : i32 to index
      %swap3A_92 = arith.constant 16 : index
      %swap3A_93 = tpu.vector_load %arg9[%swap3A_91, %swap3A_92] {strides = array<i32>} : memref<128x128xf32, #tpu.memory_space<vmem>>, vector<1x16xf32>,
      %swap3A_94 = vector.shape_cast %swap3A_93 : vector<1x16xf32> to vector<16xf32>
      %swap3A_95 = vector.shape_cast %broadcast_in_dim3A_90 : vector<16xf32> to vector<1x16xf32>
      tpu.vector_store %arg9[%swap3A_91, %swap3A_92], %swap3A_95 {strides = array<i32>} : memref<128x128xf32, #tpu.memory_space<vmem>>, vector<1x16xf32>,
      %broadcast_in_dim3A_96 = arith.constant 0.000000e+00 : f32
      %broadcast_in_dim3A_97 = vector.broadcast %broadcast_in_dim3A_96 : f32 to vector<16xf32>
      %swap3A_98 = arith.index_cast %scan3A_83 : i32 to index
      %swap3A_99 = arith.constant 32 : index
      %swap3A_100 = tpu.vector_load %arg9[%swap3A_98, %swap3A_99] {strides = array<i32>} : memref<128x128xf32, #tpu.memory_space<vmem>>, vector<1x16xf32>,
      %swap3A_101 = vector.shape_cast %swap3A_100 : vector<1x16xf32> to vector<16xf32>
      %swap3A_102 = vector.shape_cast %broadcast_in_dim3A_97 : vector<16xf32> to vector<1x16xf32>
      tpu.vector_store %arg9[%swap3A_98, %swap3A_99], %swap3A_102 {strides = array<i32>} : memref<128x128xf32, #tpu.memory_space<vmem>>, vector<1x16xf32>,
      %broadcast_in_dim3A_103 = arith.constant 0.000000e+00 : f32
      %broadcast_in_dim3A_104 = vector.broadcast %broadcast_in_dim3A_103 : f32 to vector<16xf32>
      %swap3A_105 = arith.index_cast %scan3A_83 : i32 to index
      %swap3A_106 = arith.constant 48 : index
      %swap3A_107 = tpu.vector_load %arg9[%swap3A_105, %swap3A_106] {strides = array<i32>} : memref<128x128xf32, #tpu.memory_space<vmem>>, vector<1x16xf32>,
      %swap3A_108 = vector.shape_cast %swap3A_107 : vector<1x16xf32> to vector<16xf32>
      %swap3A_109 = vector.shape_cast %broadcast_in_dim3A_104 : vector<16xf32> to vector<1x16xf32>
      tpu.vector_store %arg9[%swap3A_105, %swap3A_106], %swap3A_109 {strides = array<i32>} : memref<128x128xf32, #tpu.memory_space<vmem>>, vector<1x16xf32>,
      %broadcast_in_dim3A_110 = arith.constant 0.000000e+00 : f32
      %broadcast_in_dim3A_111 = vector.broadcast %broadcast_in_dim3A_110 : f32 to vector<16xf32>
      %swap3A_112 = arith.index_cast %scan3A_83 : i32 to index
      %swap3A_113 = arith.constant 64 : index
      %swap3A_114 = tpu.vector_load %arg9[%swap3A_112, %swap3A_113] {strides = array<i32>} : memref<128x128xf32, #tpu.memory_space<vmem>>, vector<1x16xf32>,
      %swap3A_115 = vector.shape_cast %swap3A_114 : vector<1x16xf32> to vector<16xf32>
      %swap3A_116 = vector.shape_cast %broadcast_in_dim3A_111 : vector<16xf32> to vector<1x16xf32>
      tpu.vector_store %arg9[%swap3A_112, %swap3A_113], %swap3A_116 {strides = array<i32>} : memref<128x128xf32, #tpu.memory_space<vmem>>, vector<1x16xf32>,
      %broadcast_in_dim3A_117 = arith.constant 0.000000e+00 : f32
      %broadcast_in_dim3A_118 = vector.broadcast %broadcast_in_dim3A_117 : f32 to vector<16xf32>
      %swap3A_119 = arith.index_cast %scan3A_83 : i32 to index
      %swap3A_120 = arith.constant 80 : index
      %swap3A_121 = tpu.vector_load %arg9[%swap3A_119, %swap3A_120] {strides = array<i32>} : memref<128x128xf32, #tpu.memory_space<vmem>>, vector<1x16xf32>,
      %swap3A_122 = vector.shape_cast %swap3A_121 : vector<1x16xf32> to vector<16xf32>
      %swap3A_123 = vector.shape_cast %broadcast_in_dim3A_118 : vector<16xf32> to vector<1x16xf32>
      tpu.vector_store %arg9[%swap3A_119, %swap3A_120], %swap3A_123 {strides = array<i32>} : memref<128x128xf32, #tpu.memory_space<vmem>>, vector<1x16xf32>,
      %broadcast_in_dim3A_124 = arith.constant 0.000000e+00 : f32
      %broadcast_in_dim3A_125 = vector.broadcast %broadcast_in_dim3A_124 : f32 to vector<16xf32>
      %swap3A_126 = arith.index_cast %scan3A_83 : i32 to index
      %swap3A_127 = arith.constant 96 : index
      %swap3A_128 = tpu.vector_load %arg9[%swap3A_126, %swap3A_127] {strides = array<i32>} : memref<128x128xf32, #tpu.memory_space<vmem>>, vector<1x16xf32>,
      %swap3A_129 = vector.shape_cast %swap3A_128 : vector<1x16xf32> to vector<16xf32>
      %swap3A_130 = vector.shape_cast %broadcast_in_dim3A_125 : vector<16xf32> to vector<1x16xf32>
      tpu.vector_store %arg9[%swap3A_126, %swap3A_127], %swap3A_130 {strides = array<i32>} : memref<128x128xf32, #tpu.memory_space<vmem>>, vector<1x16xf32>,
      %broadcast_in_dim3A_131 = arith.constant 0.000000e+00 : f32
      %broadcast_in_dim3A_132 = vector.broadcast %broadcast_in_dim3A_131 : f32 to vector<16xf32>
      %swap3A_133 = arith.index_cast %scan3A_83 : i32 to index
      %swap3A_134 = arith.constant 112 : index
      %swap3A_135 = tpu.vector_load %arg9[%swap3A_133, %swap3A_134] {strides = array<i32>} : memref<128x128xf32, #tpu.memory_space<vmem>>, vector<1x16xf32>,
      %swap3A_136 = vector.shape_cast %swap3A_135 : vector<1x16xf32> to vector<16xf32>
      %swap3A_137 = vector.shape_cast %broadcast_in_dim3A_132 : vector<16xf32> to vector<1x16xf32>
      tpu.vector_store %arg9[%swap3A_133, %swap3A_134], %swap3A_137 {strides = array<i32>} : memref<128x128xf32, #tpu.memory_space<vmem>>, vector<1x16xf32>,
    }
    %scan3A_4 = arith.constant 128 : i32
    %sub3A = arith.constant 79 : i32
    %sub3A_5 = arith.subi %sub3A, %arg1 : i32
    %add3A = arith.constant 16 : i32
    %add3A_6 = arith.addi %sub3A_5, %add3A : i32
    %sub3A_7 = arith.constant 1 : i32
    %sub3A_8 = arith.subi %add3A_6, %sub3A_7 : i32
    %jit3A = arith.constant 16 : i32
    %div3A = arith.divsi %sub3A_8, %jit3A : i32
    %sign3A = arith.constant 0 : i32
    %sign3A_9 = arith.cmpi sgt, %sub3A_8, %sign3A : i32
    %sign3A_10 = arith.extui %sign3A_9 : i1 to i32
    %sign3A_11 = arith.constant 0 : i32
    %sign3A_12 = arith.cmpi slt, %sub3A_8, %sign3A_11 : i32
    %sign3A_13 = arith.extui %sign3A_12 : i1 to i32
    %sign3A_14 = arith.subi %sign3A_10, %sign3A_13 : i32
    %sign3A_15 = arith.constant 0 : i32
    %sign3A_16 = arith.cmpi sgt, %jit3A, %sign3A_15 : i32
    %sign3A_17 = arith.extui %sign3A_16 : i1 to i32
    %sign3A_18 = arith.constant 0 : i32
    %sign3A_19 = arith.cmpi slt, %jit3A, %sign3A_18 : i32
    %sign3A_20 = arith.extui %sign3A_19 : i1 to i32
    %sign3A_21 = arith.subi %sign3A_17, %sign3A_20 : i32
    %ne3A = arith.cmpi ne, %sign3A_14, %sign3A_21 : i32
    %rem3A = arith.remsi %sub3A_8, %jit3A : i32
    %ne3A_22 = arith.constant 0 : i32
    %ne3A_23 = arith.cmpi ne, %rem3A, %ne3A_22 : i32
    %and3A = arith.andi %ne3A, %ne3A_23 : i1
    %sub3A_24 = arith.constant 1 : i32
    %sub3A_25 = arith.subi %div3A, %sub3A_24 : i32
    %select_n3A = arith.select %and3A, %sub3A_25, %div3A : i32
    %while3A = arith.constant 0 : i32
    %while3A_26 = arith.constant 0 : i32
    %while3A_27 = arith.subi %select_n3A, %while3A_26 : i32
    %while3A_28 = arith.addi %while3A_26, %while3A_27 : i32
    %while3A_29 = arith.constant 1 : i32
    %while3A_30 = arith.divsi %while3A_27, %while3A_29 : i32
    %while3A_31 = arith.muli %while3A_30, %while3A_29 : i32
    %while3A_32 = arith.addi %while3A_26, %while3A_31 : i32
    %while3A_33 = arith.constant 1 : i32
    scf.for %while3A_83 = %while3A_26 to %while3A_32 step %while3A_33  : i32 {
      %mul3A = arith.constant 16 : i32
      %mul3A_84 = arith.muli %while3A_83, %mul3A : i32
      %add3A_85 = arith.addi %arg1, %mul3A_84 : i32
      %mul3A_86 = arith.constant 128 : i32
      %mul3A_87 = arith.muli %add3A_85, %mul3A_86 : i32
      %multiple_of3A = tpu.assume_multiple %mul3A_87, 8 : i32
      "tpu.region"() ({
        %run_scoped3A = tpu.sem_alloc : memref<!tpu.dma_semaphore, #tpu.memory_space<semaphore_mem>>
        %dma_start3A = arith.constant 0 : i32
        %dma_start3A_88 = tpu.memref_slice %arg11[%multiple_of3A, %dma_start3A] : memref<10112x128xf32, #tpu.memory_space<vmem_shared>> -> memref<128x128xf32, #tpu.memory_space<vmem_shared>>
        %dma_start3A_89 = arith.constant 0 : i32
        %dma_start3A_90 = tpu.memref_slice %arg11[%multiple_of3A, %dma_start3A_89] : memref<10112x128xf32, #tpu.memory_space<vmem_shared>> -> memref<128x128xf32, #tpu.memory_space<vmem_shared>>
        tpu.enqueue_dma source(%arg9 : memref<128x128xf32, #tpu.memory_space<vmem>>) target(%dma_start3A_90 : memref<128x128xf32, #tpu.memory_space<vmem_shared>>) target_semaphore(%run_scoped3A : memref<!tpu.dma_semaphore, #tpu.memory_space<semaphore_mem>>)
        %dma_wait3A = arith.constant 0 : i32
        %dma_wait3A_91 = tpu.memref_slice %arg11[%multiple_of3A, %dma_wait3A] : memref<10112x128xf32, #tpu.memory_space<vmem_shared>> -> memref<128x128xf32, #tpu.memory_space<vmem_shared>>
        %dma_wait3A_92 = arith.constant 0 : i32
        %dma_wait3A_93 = tpu.memref_slice %arg11[%multiple_of3A, %dma_wait3A_92] : memref<10112x128xf32, #tpu.memory_space<vmem_shared>> -> memref<128x128xf32, #tpu.memory_space<vmem_shared>>
        tpu.wait_dma2 semaphore(%run_scoped3A : memref<!tpu.dma_semaphore, #tpu.memory_space<semaphore_mem>>) src(%arg9 : memref<128x128xf32, #tpu.memory_space<vmem>>) dst(%dma_wait3A_93 : memref<128x128xf32, #tpu.memory_space<vmem_shared>>)
        tpu.yield
      }) : () -> ()
    }
    %while3A_34 = arith.constant 1 : i32
    scf.for %while3A_83 = %while3A_32 to %while3A_28 step %while3A_34  : i32 {
      %mul3A = arith.constant 16 : i32
      %mul3A_84 = arith.muli %while3A_83, %mul3A : i32
      %add3A_85 = arith.addi %arg1, %mul3A_84 : i32
      %mul3A_86 = arith.constant 128 : i32
      %mul3A_87 = arith.muli %add3A_85, %mul3A_86 : i32
      %multiple_of3A = tpu.assume_multiple %mul3A_87, 8 : i32
      "tpu.region"() ({
        %run_scoped3A = tpu.sem_alloc : memref<!tpu.dma_semaphore, #tpu.memory_space<semaphore_mem>>
        %dma_start3A = arith.constant 0 : i32
        %dma_start3A_88 = tpu.memref_slice %arg11[%multiple_of3A, %dma_start3A] : memref<10112x128xf32, #tpu.memory_space<vmem_shared>> -> memref<128x128xf32, #tpu.memory_space<vmem_shared>>
        %dma_start3A_89 = arith.constant 0 : i32
        %dma_start3A_90 = tpu.memref_slice %arg11[%multiple_of3A, %dma_start3A_89] : memref<10112x128xf32, #tpu.memory_space<vmem_shared>> -> memref<128x128xf32, #tpu.memory_space<vmem_shared>>
        tpu.enqueue_dma source(%arg9 : memref<128x128xf32, #tpu.memory_space<vmem>>) target(%dma_start3A_90 : memref<128x128xf32, #tpu.memory_space<vmem_shared>>) target_semaphore(%run_scoped3A : memref<!tpu.dma_semaphore, #tpu.memory_space<semaphore_mem>>)
        %dma_wait3A = arith.constant 0 : i32
        %dma_wait3A_91 = tpu.memref_slice %arg11[%multiple_of3A, %dma_wait3A] : memref<10112x128xf32, #tpu.memory_space<vmem_shared>> -> memref<128x128xf32, #tpu.memory_space<vmem_shared>>
        %dma_wait3A_92 = arith.constant 0 : i32
        %dma_wait3A_93 = tpu.memref_slice %arg11[%multiple_of3A, %dma_wait3A_92] : memref<10112x128xf32, #tpu.memory_space<vmem_shared>> -> memref<128x128xf32, #tpu.memory_space<vmem_shared>>
        tpu.wait_dma2 semaphore(%run_scoped3A : memref<!tpu.dma_semaphore, #tpu.memory_space<semaphore_mem>>) src(%arg9 : memref<128x128xf32, #tpu.memory_space<vmem>>) dst(%dma_wait3A_93 : memref<128x128xf32, #tpu.memory_space<vmem_shared>>)
        tpu.yield
      }) : () -> ()
    }
    %barrier3A = arith.constant 0 : index
    tpu.barrier barrier_id(%barrier3A)
    %eq3A = arith.constant 0 : i32
    %eq3A_35 = arith.cmpi eq, %arg0, %eq3A : i32
    %convert_element_type3A = arith.extui %eq3A_35 : i1 to i32
    %cond3A = arith.constant 0 : i32
    %cond3A_36 = arith.cmpi ne, %convert_element_type3A, %cond3A : i32
    scf.if %cond3A_36 {
      %mul3A = arith.constant 80 : i32
      %mul3A_83 = arith.muli %arg1, %mul3A : i32
      %add3A_84 = arith.constant 0 : i32
      %add3A_85 = arith.addi %mul3A_83, %add3A_84 : i32
      %multiple_of3A = tpu.assume_multiple %add3A_85, 8 : i32
      "tpu.region"() ({
        %run_scoped3A = tpu.sem_alloc : memref<!tpu.dma_semaphore, #tpu.memory_space<semaphore_mem>>
        %dma_start3A_439 = arith.constant 0 : i32
        %dma_start3A_440 = tpu.memref_slice %arg2[%multiple_of3A, %dma_start3A_439] : memref<2560x128xi32, #tpu.memory_space<hbm>> -> memref<40x128xi32, #tpu.memory_space<hbm>>
        %dma_start3A_441 = arith.constant 0 : i32
        %dma_start3A_442 = tpu.memref_slice %arg2[%multiple_of3A, %dma_start3A_441] : memref<2560x128xi32, #tpu.memory_space<hbm>> -> memref<40x128xi32, #tpu.memory_space<hbm>>
        tpu.enqueue_dma source(%dma_start3A_442 : memref<40x128xi32, #tpu.memory_space<hbm>>) target(%arg6 : memref<40x128xi32, #tpu.memory_space<vmem>>) target_semaphore(%run_scoped3A : memref<!tpu.dma_semaphore, #tpu.memory_space<semaphore_mem>>)
        %dma_wait3A_443 = arith.constant 0 : i32
        %dma_wait3A_444 = tpu.memref_slice %arg2[%multiple_of3A, %dma_wait3A_443] : memref<2560x128xi32, #tpu.memory_space<hbm>> -> memref<40x128xi32, #tpu.memory_space<hbm>>
        %dma_wait3A_445 = arith.constant 0 : i32
        %dma_wait3A_446 = tpu.memref_slice %arg2[%multiple_of3A, %dma_wait3A_445] : memref<2560x128xi32, #tpu.memory_space<hbm>> -> memref<40x128xi32, #tpu.memory_space<hbm>>
        tpu.wait_dma2 semaphore(%run_scoped3A : memref<!tpu.dma_semaphore, #tpu.memory_space<semaphore_mem>>) src(%dma_wait3A_446 : memref<40x128xi32, #tpu.memory_space<hbm>>) dst(%arg6 : memref<40x128xi32, #tpu.memory_space<vmem>>)
        tpu.yield
      }) : () -> ()
      "tpu.region"() ({
        %run_scoped3A = tpu.sem_alloc : memref<!tpu.dma_semaphore, #tpu.memory_space<semaphore_mem>>
        %dma_start3A_439 = arith.constant 0 : i32
        %dma_start3A_440 = tpu.memref_slice %arg3[%multiple_of3A, %dma_start3A_439] : memref<2560x128xi32, #tpu.memory_space<hbm>> -> memref<40x128xi32, #tpu.memory_space<hbm>>
        %dma_start3A_441 = arith.constant 0 : i32
        %dma_start3A_442 = tpu.memref_slice %arg3[%multiple_of3A, %dma_start3A_441] : memref<2560x128xi32, #tpu.memory_space<hbm>> -> memref<40x128xi32, #tpu.memory_space<hbm>>
        tpu.enqueue_dma source(%dma_start3A_442 : memref<40x128xi32, #tpu.memory_space<hbm>>) target(%arg7 : memref<40x128xi32, #tpu.memory_space<vmem>>) target_semaphore(%run_scoped3A : memref<!tpu.dma_semaphore, #tpu.memory_space<semaphore_mem>>)
        %dma_wait3A_443 = arith.constant 0 : i32
        %dma_wait3A_444 = tpu.memref_slice %arg3[%multiple_of3A, %dma_wait3A_443] : memref<2560x128xi32, #tpu.memory_space<hbm>> -> memref<40x128xi32, #tpu.memory_space<hbm>>
        %dma_wait3A_445 = arith.constant 0 : i32
        %dma_wait3A_446 = tpu.memref_slice %arg3[%multiple_of3A, %dma_wait3A_445] : memref<2560x128xi32, #tpu.memory_space<hbm>> -> memref<40x128xi32, #tpu.memory_space<hbm>>
        tpu.wait_dma2 semaphore(%run_scoped3A : memref<!tpu.dma_semaphore, #tpu.memory_space<semaphore_mem>>) src(%dma_wait3A_446 : memref<40x128xi32, #tpu.memory_space<hbm>>) dst(%arg7 : memref<40x128xi32, #tpu.memory_space<vmem>>)
        tpu.yield
      }) : () -> ()
      %dma_start3A = arith.constant 0 : i32
      %dma_start3A_86 = arith.constant 0 : i32
      %dma_start3A_87 = tpu.memref_slice %arg6[%dma_start3A, %dma_start3A_86] : memref<40x128xi32, #tpu.memory_space<vmem>> -> memref<1x128xi32, #tpu.memory_space<vmem>>
      %dma_start3A_88 = tpu.memref_squeeze %dma_start3A_87 : memref<1x128xi32, #tpu.memory_space<vmem>> -> memref<128xi32, #tpu.memory_space<vmem>>
      %dma_start3A_89 = arith.constant 0 : i32
      %dma_start3A_90 = arith.constant 0 : i32
      %dma_start3A_91 = tpu.memref_slice %arg4[%dma_start3A_89, %dma_start3A_90] : memref<10000x128xf32, #tpu.memory_space<hbm>> -> memref<10000x128xf32, #tpu.memory_space<hbm>>
      tpu.enqueue_indirect_dma source(%dma_start3A_91 : memref<10000x128xf32, #tpu.memory_space<hbm>>) target(%arg9 : memref<128x128xf32, #tpu.memory_space<vmem>>) offsets(%dma_start3A_88 : memref<128xi32, #tpu.memory_space<vmem>>) semaphore(%arg12 : memref<!tpu.dma_semaphore, #tpu.memory_space<semaphore_mem>>)
      %dma_start3A_92 = arith.constant 1 : i32
      %dma_start3A_93 = arith.constant 0 : i32
      %dma_start3A_94 = tpu.memref_slice %arg6[%dma_start3A_92, %dma_start3A_93] : memref<40x128xi32, #tpu.memory_space<vmem>> -> memref<1x128xi32, #tpu.memory_space<vmem>>
      %dma_start3A_95 = tpu.memref_squeeze %dma_start3A_94 : memref<1x128xi32, #tpu.memory_space<vmem>> -> memref<128xi32, #tpu.memory_space<vmem>>
      %dma_start3A_96 = arith.constant 0 : i32
      %dma_start3A_97 = arith.constant 0 : i32
      %dma_start3A_98 = tpu.memref_slice %arg4[%dma_start3A_96, %dma_start3A_97] : memref<10000x128xf32, #tpu.memory_space<hbm>> -> memref<10000x128xf32, #tpu.memory_space<hbm>>
      tpu.enqueue_indirect_dma source(%dma_start3A_98 : memref<10000x128xf32, #tpu.memory_space<hbm>>) target(%arg10 : memref<128x128xf32, #tpu.memory_space<vmem>>) offsets(%dma_start3A_95 : memref<128xi32, #tpu.memory_space<vmem>>) semaphore(%arg13 : memref<!tpu.dma_semaphore, #tpu.memory_space<semaphore_mem>>)
      %scan3A_99 = arith.constant 0 : i32
      %scan3A_100 = arith.constant 0 : i32
      %scan3A_101 = arith.constant 19 : i32
      %scan3A_102 = arith.addi %scan3A_100, %scan3A_101 : i32
      %scan3A_103 = arith.constant 1 : i32
      scf.for %scan3A_439 = %scan3A_100 to %scan3A_102 step %scan3A_103  : i32 {
        %mul3A_440 = arith.constant 2 : i32
        %mul3A_441 = arith.muli %mul3A_440, %scan3A_439 : i32
        %dma_wait3A_442 = arith.constant 0 : i32
        %dma_wait3A_443 = arith.constant 0 : i32
        %dma_wait3A_444 = tpu.memref_slice %arg4[%dma_wait3A_442, %dma_wait3A_443] : memref<10000x128xf32, #tpu.memory_space<hbm>> -> memref<128x128xf32, #tpu.memory_space<hbm>>
        %dma_wait3A_445 = arith.constant 0 : i32
        %dma_wait3A_446 = arith.constant 0 : i32
        %dma_wait3A_447 = tpu.memref_slice %arg4[%dma_wait3A_445, %dma_wait3A_446] : memref<10000x128xf32, #tpu.memory_space<hbm>> -> memref<128x128xf32, #tpu.memory_space<hbm>>
        tpu.wait_dma2 semaphore(%arg12 : memref<!tpu.dma_semaphore, #tpu.memory_space<semaphore_mem>>) src(%dma_wait3A_447 : memref<128x128xf32, #tpu.memory_space<hbm>>) dst(%arg9 : memref<128x128xf32, #tpu.memory_space<vmem>>)
        %get3A_448 = arith.index_cast %mul3A_441 : i32 to index
        %get3A_449 = arith.constant 0 : index
        %get3A_450 = tpu.vector_load %arg7[%get3A_448, %get3A_449] {strides = array<i32>} : memref<40x128xi32, #tpu.memory_space<vmem>>, vector<1x16xi32>,
        %get3A_451 = vector.shape_cast %get3A_450 : vector<1x16xi32> to vector<16xi32>
        %swap3A_452 = arith.constant 0 : index
        %swap3A_453 = tpu.vector_load %arg8[%swap3A_452] {strides = array<i32>} : memref<128xi32, #tpu.memory_space<vmem>>, vector<16xi32>,
        %swap3A_454 = vector.shape_cast %swap3A_453 : vector<16xi32> to vector<16xi32>
        %swap3A_455 = vector.shape_cast %get3A_451 : vector<16xi32> to vector<16xi32>
        tpu.vector_store %arg8[%swap3A_452], %swap3A_455 {strides = array<i32>} : memref<128xi32, #tpu.memory_space<vmem>>, vector<16xi32>,
        %get3A_456 = arith.index_cast %mul3A_441 : i32 to index
        %get3A_457 = arith.constant 16 : index
        %get3A_458 = tpu.vector_load %arg7[%get3A_456, %get3A_457] {strides = array<i32>} : memref<40x128xi32, #tpu.memory_space<vmem>>, vector<1x16xi32>,
        %get3A_459 = vector.shape_cast %get3A_458 : vector<1x16xi32> to vector<16xi32>
        %swap3A_460 = arith.constant 16 : index
        %swap3A_461 = tpu.vector_load %arg8[%swap3A_460] {strides = array<i32>} : memref<128xi32, #tpu.memory_space<vmem>>, vector<16xi32>,
        %swap3A_462 = vector.shape_cast %swap3A_461 : vector<16xi32> to vector<16xi32>
        %swap3A_463 = vector.shape_cast %get3A_459 : vector<16xi32> to vector<16xi32>
        tpu.vector_store %arg8[%swap3A_460], %swap3A_463 {strides = array<i32>} : memref<128xi32, #tpu.memory_space<vmem>>, vector<16xi32>,
        %get3A_464 = arith.index_cast %mul3A_441 : i32 to index
        %get3A_465 = arith.constant 32 : index
        %get3A_466 = tpu.vector_load %arg7[%get3A_464, %get3A_465] {strides = array<i32>} : memref<40x128xi32, #tpu.memory_space<vmem>>, vector<1x16xi32>,
        %get3A_467 = vector.shape_cast %get3A_466 : vector<1x16xi32> to vector<16xi32>
        %swap3A_468 = arith.constant 32 : index
        %swap3A_469 = tpu.vector_load %arg8[%swap3A_468] {strides = array<i32>} : memref<128xi32, #tpu.memory_space<vmem>>, vector<16xi32>,
        %swap3A_470 = vector.shape_cast %swap3A_469 : vector<16xi32> to vector<16xi32>
        %swap3A_471 = vector.shape_cast %get3A_467 : vector<16xi32> to vector<16xi32>
        tpu.vector_store %arg8[%swap3A_468], %swap3A_471 {strides = array<i32>} : memref<128xi32, #tpu.memory_space<vmem>>, vector<16xi32>,
        %get3A_472 = arith.index_cast %mul3A_441 : i32 to index
        %get3A_473 = arith.constant 48 : index
        %get3A_474 = tpu.vector_load %arg7[%get3A_472, %get3A_473] {strides = array<i32>} : memref<40x128xi32, #tpu.memory_space<vmem>>, vector<1x16xi32>,
        %get3A_475 = vector.shape_cast %get3A_474 : vector<1x16xi32> to vector<16xi32>
        %swap3A_476 = arith.constant 48 : index
        %swap3A_477 = tpu.vector_load %arg8[%swap3A_476] {strides = array<i32>} : memref<128xi32, #tpu.memory_space<vmem>>, vector<16xi32>,
        %swap3A_478 = vector.shape_cast %swap3A_477 : vector<16xi32> to vector<16xi32>
        %swap3A_479 = vector.shape_cast %get3A_475 : vector<16xi32> to vector<16xi32>
        tpu.vector_store %arg8[%swap3A_476], %swap3A_479 {strides = array<i32>} : memref<128xi32, #tpu.memory_space<vmem>>, vector<16xi32>,
        %get3A_480 = arith.index_cast %mul3A_441 : i32 to index
        %get3A_481 = arith.constant 64 : index
        %get3A_482 = tpu.vector_load %arg7[%get3A_480, %get3A_481] {strides = array<i32>} : memref<40x128xi32, #tpu.memory_space<vmem>>, vector<1x16xi32>,
        %get3A_483 = vector.shape_cast %get3A_482 : vector<1x16xi32> to vector<16xi32>
        %swap3A_484 = arith.constant 64 : index
        %swap3A_485 = tpu.vector_load %arg8[%swap3A_484] {strides = array<i32>} : memref<128xi32, #tpu.memory_space<vmem>>, vector<16xi32>,
        %swap3A_486 = vector.shape_cast %swap3A_485 : vector<16xi32> to vector<16xi32>
        %swap3A_487 = vector.shape_cast %get3A_483 : vector<16xi32> to vector<16xi32>
        tpu.vector_store %arg8[%swap3A_484], %swap3A_487 {strides = array<i32>} : memref<128xi32, #tpu.memory_space<vmem>>, vector<16xi32>,
        %get3A_488 = arith.index_cast %mul3A_441 : i32 to index
        %get3A_489 = arith.constant 80 : index
        %get3A_490 = tpu.vector_load %arg7[%get3A_488, %get3A_489] {strides = array<i32>} : memref<40x128xi32, #tpu.memory_space<vmem>>, vector<1x16xi32>,
        %get3A_491 = vector.shape_cast %get3A_490 : vector<1x16xi32> to vector<16xi32>
        %swap3A_492 = arith.constant 80 : index
        %swap3A_493 = tpu.vector_load %arg8[%swap3A_492] {strides = array<i32>} : memref<128xi32, #tpu.memory_space<vmem>>, vector<16xi32>,
        %swap3A_494 = vector.shape_cast %swap3A_493 : vector<16xi32> to vector<16xi32>
        %swap3A_495 = vector.shape_cast %get3A_491 : vector<16xi32> to vector<16xi32>
        tpu.vector_store %arg8[%swap3A_492], %swap3A_495 {strides = array<i32>} : memref<128xi32, #tpu.memory_space<vmem>>, vector<16xi32>,
        %get3A_496 = arith.index_cast %mul3A_441 : i32 to index
        %get3A_497 = arith.constant 96 : index
        %get3A_498 = tpu.vector_load %arg7[%get3A_496, %get3A_497] {strides = array<i32>} : memref<40x128xi32, #tpu.memory_space<vmem>>, vector<1x16xi32>,
        %get3A_499 = vector.shape_cast %get3A_498 : vector<1x16xi32> to vector<16xi32>
        %swap3A_500 = arith.constant 96 : index
        %swap3A_501 = tpu.vector_load %arg8[%swap3A_500] {strides = array<i32>} : memref<128xi32, #tpu.memory_space<vmem>>, vector<16xi32>,
        %swap3A_502 = vector.shape_cast %swap3A_501 : vector<16xi32> to vector<16xi32>
        %swap3A_503 = vector.shape_cast %get3A_499 : vector<16xi32> to vector<16xi32>
        tpu.vector_store %arg8[%swap3A_500], %swap3A_503 {strides = array<i32>} : memref<128xi32, #tpu.memory_space<vmem>>, vector<16xi32>,
        %get3A_504 = arith.index_cast %mul3A_441 : i32 to index
        %get3A_505 = arith.constant 112 : index
        %get3A_506 = tpu.vector_load %arg7[%get3A_504, %get3A_505] {strides = array<i32>} : memref<40x128xi32, #tpu.memory_space<vmem>>, vector<1x16xi32>,
        %get3A_507 = vector.shape_cast %get3A_506 : vector<1x16xi32> to vector<16xi32>
        %swap3A_508 = arith.constant 112 : index
        %swap3A_509 = tpu.vector_load %arg8[%swap3A_508] {strides = array<i32>} : memref<128xi32, #tpu.memory_space<vmem>>, vector<16xi32>,
        %swap3A_510 = vector.shape_cast %swap3A_509 : vector<16xi32> to vector<16xi32>
        %swap3A_511 = vector.shape_cast %get3A_507 : vector<16xi32> to vector<16xi32>
        tpu.vector_store %arg8[%swap3A_508], %swap3A_511 {strides = array<i32>} : memref<128xi32, #tpu.memory_space<vmem>>, vector<16xi32>,
        "tpu.region"() ({
          %run_scoped3A = tpu.sem_alloc : memref<!tpu.dma_semaphore, #tpu.memory_space<semaphore_mem>>
          %dma_start3A_600 = arith.constant 0 : i32
          %dma_start3A_601 = arith.constant 0 : i32
          %dma_start3A_602 = tpu.memref_slice %arg11[%dma_start3A_600, %dma_start3A_601] : memref<10112x128xf32, #tpu.memory_space<vmem_shared>> -> memref<10112x128xf32, #tpu.memory_space<vmem_shared>>
          tpu.enqueue_indirect_dma source(%arg9 : memref<128x128xf32, #tpu.memory_space<vmem>>) target(%dma_start3A_602 : memref<10112x128xf32, #tpu.memory_space<vmem_shared>>) offsets(%arg8 : memref<128xi32, #tpu.memory_space<vmem>>) semaphore(%run_scoped3A : memref<!tpu.dma_semaphore, #tpu.memory_space<semaphore_mem>>) {add = true}
          %dma_wait3A_603 = arith.constant 0 : i32
          %dma_wait3A_604 = arith.constant 0 : i32
          %dma_wait3A_605 = tpu.memref_slice %arg11[%dma_wait3A_603, %dma_wait3A_604] : memref<10112x128xf32, #tpu.memory_space<vmem_shared>> -> memref<10112x128xf32, #tpu.memory_space<vmem_shared>>
          tpu.wait_indirect_dma semaphore(%run_scoped3A : memref<!tpu.dma_semaphore, #tpu.memory_space<semaphore_mem>>) src(%arg9 : memref<128x128xf32, #tpu.memory_space<vmem>>) dst(%dma_wait3A_605 : memref<10112x128xf32, #tpu.memory_space<vmem_shared>>)
          tpu.yield
        }) : () -> ()
        %add3A_512 = arith.constant 2 : i32
        %add3A_513 = arith.addi %mul3A_441, %add3A_512 : i32
        %dma_start3A_514 = arith.constant 0 : i32
        %dma_start3A_515 = tpu.memref_slice %arg6[%add3A_513, %dma_start3A_514] : memref<40x128xi32, #tpu.memory_space<vmem>> -> memref<1x128xi32, #tpu.memory_space<vmem>>
        %dma_start3A_516 = tpu.memref_squeeze %dma_start3A_515 : memref<1x128xi32, #tpu.memory_space<vmem>> -> memref<128xi32, #tpu.memory_space<vmem>>
        %dma_start3A_517 = arith.constant 0 : i32
        %dma_start3A_518 = arith.constant 0 : i32
        %dma_start3A_519 = tpu.memref_slice %arg4[%dma_start3A_517, %dma_start3A_518] : memref<10000x128xf32, #tpu.memory_space<hbm>> -> memref<10000x128xf32, #tpu.memory_space<hbm>>
        tpu.enqueue_indirect_dma source(%dma_start3A_519 : memref<10000x128xf32, #tpu.memory_space<hbm>>) target(%arg9 : memref<128x128xf32, #tpu.memory_space<vmem>>) offsets(%dma_start3A_516 : memref<128xi32, #tpu.memory_space<vmem>>) semaphore(%arg12 : memref<!tpu.dma_semaphore, #tpu.memory_space<semaphore_mem>>)
        %dma_wait3A_520 = arith.constant 0 : i32
        %dma_wait3A_521 = arith.constant 0 : i32
        %dma_wait3A_522 = tpu.memref_slice %arg4[%dma_wait3A_520, %dma_wait3A_521] : memref<10000x128xf32, #tpu.memory_space<hbm>> -> memref<128x128xf32, #tpu.memory_space<hbm>>
        %dma_wait3A_523 = arith.constant 0 : i32
        %dma_wait3A_524 = arith.constant 0 : i32
        %dma_wait3A_525 = tpu.memref_slice %arg4[%dma_wait3A_523, %dma_wait3A_524] : memref<10000x128xf32, #tpu.memory_space<hbm>> -> memref<128x128xf32, #tpu.memory_space<hbm>>
        tpu.wait_dma2 semaphore(%arg13 : memref<!tpu.dma_semaphore, #tpu.memory_space<semaphore_mem>>) src(%dma_wait3A_525 : memref<128x128xf32, #tpu.memory_space<hbm>>) dst(%arg10 : memref<128x128xf32, #tpu.memory_space<vmem>>)
        %add3A_526 = arith.constant 1 : i32
        %add3A_527 = arith.addi %mul3A_441, %add3A_526 : i32
        %get3A_528 = arith.index_cast %add3A_527 : i32 to index
        %get3A_529 = arith.constant 0 : index
        %get3A_530 = tpu.vector_load %arg7[%get3A_528, %get3A_529] {strides = array<i32>} : memref<40x128xi32, #tpu.memory_space<vmem>>, vector<1x16xi32>,
        %get3A_531 = vector.shape_cast %get3A_530 : vector<1x16xi32> to vector<16xi32>
        %swap3A_532 = arith.constant 0 : index
        %swap3A_533 = tpu.vector_load %arg8[%swap3A_532] {strides = array<i32>} : memref<128xi32, #tpu.memory_space<vmem>>, vector<16xi32>,
        %swap3A_534 = vector.shape_cast %swap3A_533 : vector<16xi32> to vector<16xi32>
        %swap3A_535 = vector.shape_cast %get3A_531 : vector<16xi32> to vector<16xi32>
        tpu.vector_store %arg8[%swap3A_532], %swap3A_535 {strides = array<i32>} : memref<128xi32, #tpu.memory_space<vmem>>, vector<16xi32>,
        %get3A_536 = arith.index_cast %add3A_527 : i32 to index
        %get3A_537 = arith.constant 16 : index
        %get3A_538 = tpu.vector_load %arg7[%get3A_536, %get3A_537] {strides = array<i32>} : memref<40x128xi32, #tpu.memory_space<vmem>>, vector<1x16xi32>,
        %get3A_539 = vector.shape_cast %get3A_538 : vector<1x16xi32> to vector<16xi32>
        %swap3A_540 = arith.constant 16 : index
        %swap3A_541 = tpu.vector_load %arg8[%swap3A_540] {strides = array<i32>} : memref<128xi32, #tpu.memory_space<vmem>>, vector<16xi32>,
        %swap3A_542 = vector.shape_cast %swap3A_541 : vector<16xi32> to vector<16xi32>
        %swap3A_543 = vector.shape_cast %get3A_539 : vector<16xi32> to vector<16xi32>
        tpu.vector_store %arg8[%swap3A_540], %swap3A_543 {strides = array<i32>} : memref<128xi32, #tpu.memory_space<vmem>>, vector<16xi32>,
        %get3A_544 = arith.index_cast %add3A_527 : i32 to index
        %get3A_545 = arith.constant 32 : index
        %get3A_546 = tpu.vector_load %arg7[%get3A_544, %get3A_545] {strides = array<i32>} : memref<40x128xi32, #tpu.memory_space<vmem>>, vector<1x16xi32>,
        %get3A_547 = vector.shape_cast %get3A_546 : vector<1x16xi32> to vector<16xi32>
        %swap3A_548 = arith.constant 32 : index
        %swap3A_549 = tpu.vector_load %arg8[%swap3A_548] {strides = array<i32>} : memref<128xi32, #tpu.memory_space<vmem>>, vector<16xi32>,
        %swap3A_550 = vector.shape_cast %swap3A_549 : vector<16xi32> to vector<16xi32>
        %swap3A_551 = vector.shape_cast %get3A_547 : vector<16xi32> to vector<16xi32>
        tpu.vector_store %arg8[%swap3A_548], %swap3A_551 {strides = array<i32>} : memref<128xi32, #tpu.memory_space<vmem>>, vector<16xi32>,
        %get3A_552 = arith.index_cast %add3A_527 : i32 to index
        %get3A_553 = arith.constant 48 : index
        %get3A_554 = tpu.vector_load %arg7[%get3A_552, %get3A_553] {strides = array<i32>} : memref<40x128xi32, #tpu.memory_space<vmem>>, vector<1x16xi32>,
        %get3A_555 = vector.shape_cast %get3A_554 : vector<1x16xi32> to vector<16xi32>
        %swap3A_556 = arith.constant 48 : index
        %swap3A_557 = tpu.vector_load %arg8[%swap3A_556] {strides = array<i32>} : memref<128xi32, #tpu.memory_space<vmem>>, vector<16xi32>,
        %swap3A_558 = vector.shape_cast %swap3A_557 : vector<16xi32> to vector<16xi32>
        %swap3A_559 = vector.shape_cast %get3A_555 : vector<16xi32> to vector<16xi32>
        tpu.vector_store %arg8[%swap3A_556], %swap3A_559 {strides = array<i32>} : memref<128xi32, #tpu.memory_space<vmem>>, vector<16xi32>,
        %get3A_560 = arith.index_cast %add3A_527 : i32 to index
        %get3A_561 = arith.constant 64 : index
        %get3A_562 = tpu.vector_load %arg7[%get3A_560, %get3A_561] {strides = array<i32>} : memref<40x128xi32, #tpu.memory_space<vmem>>, vector<1x16xi32>,
        %get3A_563 = vector.shape_cast %get3A_562 : vector<1x16xi32> to vector<16xi32>
        %swap3A_564 = arith.constant 64 : index
        %swap3A_565 = tpu.vector_load %arg8[%swap3A_564] {strides = array<i32>} : memref<128xi32, #tpu.memory_space<vmem>>, vector<16xi32>,
        %swap3A_566 = vector.shape_cast %swap3A_565 : vector<16xi32> to vector<16xi32>
        %swap3A_567 = vector.shape_cast %get3A_563 : vector<16xi32> to vector<16xi32>
        tpu.vector_store %arg8[%swap3A_564], %swap3A_567 {strides = array<i32>} : memref<128xi32, #tpu.memory_space<vmem>>, vector<16xi32>,
        %get3A_568 = arith.index_cast %add3A_527 : i32 to index
        %get3A_569 = arith.constant 80 : index
        %get3A_570 = tpu.vector_load %arg7[%get3A_568, %get3A_569] {strides = array<i32>} : memref<40x128xi32, #tpu.memory_space<vmem>>, vector<1x16xi32>,
        %get3A_571 = vector.shape_cast %get3A_570 : vector<1x16xi32> to vector<16xi32>
        %swap3A_572 = arith.constant 80 : index
        %swap3A_573 = tpu.vector_load %arg8[%swap3A_572] {strides = array<i32>} : memref<128xi32, #tpu.memory_space<vmem>>, vector<16xi32>,
        %swap3A_574 = vector.shape_cast %swap3A_573 : vector<16xi32> to vector<16xi32>
        %swap3A_575 = vector.shape_cast %get3A_571 : vector<16xi32> to vector<16xi32>
        tpu.vector_store %arg8[%swap3A_572], %swap3A_575 {strides = array<i32>} : memref<128xi32, #tpu.memory_space<vmem>>, vector<16xi32>,
        %get3A_576 = arith.index_cast %add3A_527 : i32 to index
        %get3A_577 = arith.constant 96 : index
        %get3A_578 = tpu.vector_load %arg7[%get3A_576, %get3A_577] {strides = array<i32>} : memref<40x128xi32, #tpu.memory_space<vmem>>, vector<1x16xi32>,
        %get3A_579 = vector.shape_cast %get3A_578 : vector<1x16xi32> to vector<16xi32>
        %swap3A_580 = arith.constant 96 : index
        %swap3A_581 = tpu.vector_load %arg8[%swap3A_580] {strides = array<i32>} : memref<128xi32, #tpu.memory_space<vmem>>, vector<16xi32>,
        %swap3A_582 = vector.shape_cast %swap3A_581 : vector<16xi32> to vector<16xi32>
        %swap3A_583 = vector.shape_cast %get3A_579 : vector<16xi32> to vector<16xi32>
        tpu.vector_store %arg8[%swap3A_580], %swap3A_583 {strides = array<i32>} : memref<128xi32, #tpu.memory_space<vmem>>, vector<16xi32>,
        %get3A_584 = arith.index_cast %add3A_527 : i32 to index
        %get3A_585 = arith.constant 112 : index
        %get3A_586 = tpu.vector_load %arg7[%get3A_584, %get3A_585] {strides = array<i32>} : memref<40x128xi32, #tpu.memory_space<vmem>>, vector<1x16xi32>,
        %get3A_587 = vector.shape_cast %get3A_586 : vector<1x16xi32> to vector<16xi32>
        %swap3A_588 = arith.constant 112 : index
        %swap3A_589 = tpu.vector_load %arg8[%swap3A_588] {strides = array<i32>} : memref<128xi32, #tpu.memory_space<vmem>>, vector<16xi32>,
        %swap3A_590 = vector.shape_cast %swap3A_589 : vector<16xi32> to vector<16xi32>
        %swap3A_591 = vector.shape_cast %get3A_587 : vector<16xi32> to vector<16xi32>
        tpu.vector_store %arg8[%swap3A_588], %swap3A_591 {strides = array<i32>} : memref<128xi32, #tpu.memory_space<vmem>>, vector<16xi32>,
        "tpu.region"() ({
          %run_scoped3A = tpu.sem_alloc : memref<!tpu.dma_semaphore, #tpu.memory_space<semaphore_mem>>
          %dma_start3A_600 = arith.constant 0 : i32
          %dma_start3A_601 = arith.constant 0 : i32
          %dma_start3A_602 = tpu.memref_slice %arg11[%dma_start3A_600, %dma_start3A_601] : memref<10112x128xf32, #tpu.memory_space<vmem_shared>> -> memref<10112x128xf32, #tpu.memory_space<vmem_shared>>
          tpu.enqueue_indirect_dma source(%arg10 : memref<128x128xf32, #tpu.memory_space<vmem>>) target(%dma_start3A_602 : memref<10112x128xf32, #tpu.memory_space<vmem_shared>>) offsets(%arg8 : memref<128xi32, #tpu.memory_space<vmem>>) semaphore(%run_scoped3A : memref<!tpu.dma_semaphore, #tpu.memory_space<semaphore_mem>>) {add = true}
          %dma_wait3A_603 = arith.constant 0 : i32
          %dma_wait3A_604 = arith.constant 0 : i32
          %dma_wait3A_605 = tpu.memref_slice %arg11[%dma_wait3A_603, %dma_wait3A_604] : memref<10112x128xf32, #tpu.memory_space<vmem_shared>> -> memref<10112x128xf32, #tpu.memory_space<vmem_shared>>
          tpu.wait_indirect_dma semaphore(%run_scoped3A : memref<!tpu.dma_semaphore, #tpu.memory_space<semaphore_mem>>) src(%arg10 : memref<128x128xf32, #tpu.memory_space<vmem>>) dst(%dma_wait3A_605 : memref<10112x128xf32, #tpu.memory_space<vmem_shared>>)
          tpu.yield
        }) : () -> ()
        %add3A_592 = arith.constant 3 : i32
        %add3A_593 = arith.addi %mul3A_441, %add3A_592 : i32
        %dma_start3A_594 = arith.constant 0 : i32
        %dma_start3A_595 = tpu.memref_slice %arg6[%add3A_593, %dma_start3A_594] : memref<40x128xi32, #tpu.memory_space<vmem>> -> memref<1x128xi32, #tpu.memory_space<vmem>>
        %dma_start3A_596 = tpu.memref_squeeze %dma_start3A_595 : memref<1x128xi32, #tpu.memory_space<vmem>> -> memref<128xi32, #tpu.memory_space<vmem>>
        %dma_start3A_597 = arith.constant 0 : i32
        %dma_start3A_598 = arith.constant 0 : i32
        %dma_start3A_599 = tpu.memref_slice %arg4[%dma_start3A_597, %dma_start3A_598] : memref<10000x128xf32, #tpu.memory_space<hbm>> -> memref<10000x128xf32, #tpu.memory_space<hbm>>
        tpu.enqueue_indirect_dma source(%dma_start3A_599 : memref<10000x128xf32, #tpu.memory_space<hbm>>) target(%arg10 : memref<128x128xf32, #tpu.memory_space<vmem>>) offsets(%dma_start3A_596 : memref<128xi32, #tpu.memory_space<vmem>>) semaphore(%arg13 : memref<!tpu.dma_semaphore, #tpu.memory_space<semaphore_mem>>)
      }
      %scan3A_104 = arith.constant 19 : i32
      %dma_wait3A = arith.constant 0 : i32
      %dma_wait3A_105 = arith.constant 0 : i32
      %dma_wait3A_106 = tpu.memref_slice %arg4[%dma_wait3A, %dma_wait3A_105] : memref<10000x128xf32, #tpu.memory_space<hbm>> -> memref<128x128xf32, #tpu.memory_space<hbm>>
      %dma_wait3A_107 = arith.constant 0 : i32
      %dma_wait3A_108 = arith.constant 0 : i32
      %dma_wait3A_109 = tpu.memref_slice %arg4[%dma_wait3A_107, %dma_wait3A_108] : memref<10000x128xf32, #tpu.memory_space<hbm>> -> memref<128x128xf32, #tpu.memory_space<hbm>>
      tpu.wait_dma2 semaphore(%arg12 : memref<!tpu.dma_semaphore, #tpu.memory_space<semaphore_mem>>) src(%dma_wait3A_109 : memref<128x128xf32, #tpu.memory_space<hbm>>) dst(%arg9 : memref<128x128xf32, #tpu.memory_space<vmem>>)
      %get3A = arith.constant 38 : i32
      %get3A_110 = arith.index_cast %get3A : i32 to index
      %get3A_111 = arith.constant 0 : index
      %get3A_112 = tpu.vector_load %arg7[%get3A_110, %get3A_111] {strides = array<i32>} : memref<40x128xi32, #tpu.memory_space<vmem>>, vector<1x16xi32>,
      %get3A_113 = vector.shape_cast %get3A_112 : vector<1x16xi32> to vector<16xi32>
      %swap3A = arith.constant 0 : index
      %swap3A_114 = tpu.vector_load %arg8[%swap3A] {strides = array<i32>} : memref<128xi32, #tpu.memory_space<vmem>>, vector<16xi32>,
      %swap3A_115 = vector.shape_cast %swap3A_114 : vector<16xi32> to vector<16xi32>
      %swap3A_116 = vector.shape_cast %get3A_113 : vector<16xi32> to vector<16xi32>
      tpu.vector_store %arg8[%swap3A], %swap3A_116 {strides = array<i32>} : memref<128xi32, #tpu.memory_space<vmem>>, vector<16xi32>,
      %get3A_117 = arith.constant 38 : i32
      %get3A_118 = arith.index_cast %get3A_117 : i32 to index
      %get3A_119 = arith.constant 16 : index
      %get3A_120 = tpu.vector_load %arg7[%get3A_118, %get3A_119] {strides = array<i32>} : memref<40x128xi32, #tpu.memory_space<vmem>>, vector<1x16xi32>,
      %get3A_121 = vector.shape_cast %get3A_120 : vector<1x16xi32> to vector<16xi32>
      %swap3A_122 = arith.constant 16 : index
      %swap3A_123 = tpu.vector_load %arg8[%swap3A_122] {strides = array<i32>} : memref<128xi32, #tpu.memory_space<vmem>>, vector<16xi32>,
      %swap3A_124 = vector.shape_cast %swap3A_123 : vector<16xi32> to vector<16xi32>
      %swap3A_125 = vector.shape_cast %get3A_121 : vector<16xi32> to vector<16xi32>
      tpu.vector_store %arg8[%swap3A_122], %swap3A_125 {strides = array<i32>} : memref<128xi32, #tpu.memory_space<vmem>>, vector<16xi32>,
      %get3A_126 = arith.constant 38 : i32
      %get3A_127 = arith.index_cast %get3A_126 : i32 to index
      %get3A_128 = arith.constant 32 : index
      %get3A_129 = tpu.vector_load %arg7[%get3A_127, %get3A_128] {strides = array<i32>} : memref<40x128xi32, #tpu.memory_space<vmem>>, vector<1x16xi32>,
      %get3A_130 = vector.shape_cast %get3A_129 : vector<1x16xi32> to vector<16xi32>
      %swap3A_131 = arith.constant 32 : index
      %swap3A_132 = tpu.vector_load %arg8[%swap3A_131] {strides = array<i32>} : memref<128xi32, #tpu.memory_space<vmem>>, vector<16xi32>,
      %swap3A_133 = vector.shape_cast %swap3A_132 : vector<16xi32> to vector<16xi32>
      %swap3A_134 = vector.shape_cast %get3A_130 : vector<16xi32> to vector<16xi32>
      tpu.vector_store %arg8[%swap3A_131], %swap3A_134 {strides = array<i32>} : memref<128xi32, #tpu.memory_space<vmem>>, vector<16xi32>,
      %get3A_135 = arith.constant 38 : i32
      %get3A_136 = arith.index_cast %get3A_135 : i32 to index
      %get3A_137 = arith.constant 48 : index
      %get3A_138 = tpu.vector_load %arg7[%get3A_136, %get3A_137] {strides = array<i32>} : memref<40x128xi32, #tpu.memory_space<vmem>>, vector<1x16xi32>,
      %get3A_139 = vector.shape_cast %get3A_138 : vector<1x16xi32> to vector<16xi32>
      %swap3A_140 = arith.constant 48 : index
      %swap3A_141 = tpu.vector_load %arg8[%swap3A_140] {strides = array<i32>} : memref<128xi32, #tpu.memory_space<vmem>>, vector<16xi32>,
      %swap3A_142 = vector.shape_cast %swap3A_141 : vector<16xi32> to vector<16xi32>
      %swap3A_143 = vector.shape_cast %get3A_139 : vector<16xi32> to vector<16xi32>
      tpu.vector_store %arg8[%swap3A_140], %swap3A_143 {strides = array<i32>} : memref<128xi32, #tpu.memory_space<vmem>>, vector<16xi32>,
      %get3A_144 = arith.constant 38 : i32
      %get3A_145 = arith.index_cast %get3A_144 : i32 to index
      %get3A_146 = arith.constant 64 : index
      %get3A_147 = tpu.vector_load %arg7[%get3A_145, %get3A_146] {strides = array<i32>} : memref<40x128xi32, #tpu.memory_space<vmem>>, vector<1x16xi32>,
      %get3A_148 = vector.shape_cast %get3A_147 : vector<1x16xi32> to vector<16xi32>
      %swap3A_149 = arith.constant 64 : index
      %swap3A_150 = tpu.vector_load %arg8[%swap3A_149] {strides = array<i32>} : memref<128xi32, #tpu.memory_space<vmem>>, vector<16xi32>,
      %swap3A_151 = vector.shape_cast %swap3A_150 : vector<16xi32> to vector<16xi32>
      %swap3A_152 = vector.shape_cast %get3A_148 : vector<16xi32> to vector<16xi32>
      tpu.vector_store %arg8[%swap3A_149], %swap3A_152 {strides = array<i32>} : memref<128xi32, #tpu.memory_space<vmem>>, vector<16xi32>,
      %get3A_153 = arith.constant 38 : i32
      %get3A_154 = arith.index_cast %get3A_153 : i32 to index
      %get3A_155 = arith.constant 80 : index
      %get3A_156 = tpu.vector_load %arg7[%get3A_154, %get3A_155] {strides = array<i32>} : memref<40x128xi32, #tpu.memory_space<vmem>>, vector<1x16xi32>,
      %get3A_157 = vector.shape_cast %get3A_156 : vector<1x16xi32> to vector<16xi32>
      %swap3A_158 = arith.constant 80 : index
      %swap3A_159 = tpu.vector_load %arg8[%swap3A_158] {strides = array<i32>} : memref<128xi32, #tpu.memory_space<vmem>>, vector<16xi32>,
      %swap3A_160 = vector.shape_cast %swap3A_159 : vector<16xi32> to vector<16xi32>
      %swap3A_161 = vector.shape_cast %get3A_157 : vector<16xi32> to vector<16xi32>
      tpu.vector_store %arg8[%swap3A_158], %swap3A_161 {strides = array<i32>} : memref<128xi32, #tpu.memory_space<vmem>>, vector<16xi32>,
      %get3A_162 = arith.constant 38 : i32
      %get3A_163 = arith.index_cast %get3A_162 : i32 to index
      %get3A_164 = arith.constant 96 : index
      %get3A_165 = tpu.vector_load %arg7[%get3A_163, %get3A_164] {strides = array<i32>} : memref<40x128xi32, #tpu.memory_space<vmem>>, vector<1x16xi32>,
      %get3A_166 = vector.shape_cast %get3A_165 : vector<1x16xi32> to vector<16xi32>
      %swap3A_167 = arith.constant 96 : index
      %swap3A_168 = tpu.vector_load %arg8[%swap3A_167] {strides = array<i32>} : memref<128xi32, #tpu.memory_space<vmem>>, vector<16xi32>,
      %swap3A_169 = vector.shape_cast %swap3A_168 : vector<16xi32> to vector<16xi32>
      %swap3A_170 = vector.shape_cast %get3A_166 : vector<16xi32> to vector<16xi32>
      tpu.vector_store %arg8[%swap3A_167], %swap3A_170 {strides = array<i32>} : memref<128xi32, #tpu.memory_space<vmem>>, vector<16xi32>,
      %get3A_171 = arith.constant 38 : i32
      %get3A_172 = arith.index_cast %get3A_171 : i32 to index
      %get3A_173 = arith.constant 112 : index
      %get3A_174 = tpu.vector_load %arg7[%get3A_172, %get3A_173] {strides = array<i32>} : memref<40x128xi32, #tpu.memory_space<vmem>>, vector<1x16xi32>,
      %get3A_175 = vector.shape_cast %get3A_174 : vector<1x16xi32> to vector<16xi32>
      %swap3A_176 = arith.constant 112 : index
      %swap3A_177 = tpu.vector_load %arg8[%swap3A_176] {strides = array<i32>} : memref<128xi32, #tpu.memory_space<vmem>>, vector<16xi32>,
      %swap3A_178 = vector.shape_cast %swap3A_177 : vector<16xi32> to vector<16xi32>
      %swap3A_179 = vector.shape_cast %get3A_175 : vector<16xi32> to vector<16xi32>
      tpu.vector_store %arg8[%swap3A_176], %swap3A_179 {strides = array<i32>} : memref<128xi32, #tpu.memory_space<vmem>>, vector<16xi32>,
      "tpu.region"() ({
        %run_scoped3A = tpu.sem_alloc : memref<!tpu.dma_semaphore, #tpu.memory_space<semaphore_mem>>
        %dma_start3A_439 = arith.constant 0 : i32
        %dma_start3A_440 = arith.constant 0 : i32
        %dma_start3A_441 = tpu.memref_slice %arg11[%dma_start3A_439, %dma_start3A_440] : memref<10112x128xf32, #tpu.memory_space<vmem_shared>> -> memref<10112x128xf32, #tpu.memory_space<vmem_shared>>
        tpu.enqueue_indirect_dma source(%arg9 : memref<128x128xf32, #tpu.memory_space<vmem>>) target(%dma_start3A_441 : memref<10112x128xf32, #tpu.memory_space<vmem_shared>>) offsets(%arg8 : memref<128xi32, #tpu.memory_space<vmem>>) semaphore(%run_scoped3A : memref<!tpu.dma_semaphore, #tpu.memory_space<semaphore_mem>>) {add = true}
        %dma_wait3A_442 = arith.constant 0 : i32
        %dma_wait3A_443 = arith.constant 0 : i32
        %dma_wait3A_444 = tpu.memref_slice %arg11[%dma_wait3A_442, %dma_wait3A_443] : memref<10112x128xf32, #tpu.memory_space<vmem_shared>> -> memref<10112x128xf32, #tpu.memory_space<vmem_shared>>
        tpu.wait_indirect_dma semaphore(%run_scoped3A : memref<!tpu.dma_semaphore, #tpu.memory_space<semaphore_mem>>) src(%arg9 : memref<128x128xf32, #tpu.memory_space<vmem>>) dst(%dma_wait3A_444 : memref<10112x128xf32, #tpu.memory_space<vmem_shared>>)
        tpu.yield
      }) : () -> ()
      %dma_wait3A_180 = arith.constant 0 : i32
      %dma_wait3A_181 = arith.constant 0 : i32
      %dma_wait3A_182 = tpu.memref_slice %arg4[%dma_wait3A_180, %dma_wait3A_181] : memref<10000x128xf32, #tpu.memory_space<hbm>> -> memref<128x128xf32, #tpu.memory_space<hbm>>
      %dma_wait3A_183 = arith.constant 0 : i32
      %dma_wait3A_184 = arith.constant 0 : i32
      %dma_wait3A_185 = tpu.memref_slice %arg4[%dma_wait3A_183, %dma_wait3A_184] : memref<10000x128xf32, #tpu.memory_space<hbm>> -> memref<128x128xf32, #tpu.memory_space<hbm>>
      tpu.wait_dma2 semaphore(%arg13 : memref<!tpu.dma_semaphore, #tpu.memory_space<semaphore_mem>>) src(%dma_wait3A_185 : memref<128x128xf32, #tpu.memory_space<hbm>>) dst(%arg10 : memref<128x128xf32, #tpu.memory_space<vmem>>)
      %get3A_186 = arith.constant 39 : i32
      %get3A_187 = arith.index_cast %get3A_186 : i32 to index
      %get3A_188 = arith.constant 0 : index
      %get3A_189 = tpu.vector_load %arg7[%get3A_187, %get3A_188] {strides = array<i32>} : memref<40x128xi32, #tpu.memory_space<vmem>>, vector<1x16xi32>,
      %get3A_190 = vector.shape_cast %get3A_189 : vector<1x16xi32> to vector<16xi32>
      %swap3A_191 = arith.constant 0 : index
      %swap3A_192 = tpu.vector_load %arg8[%swap3A_191] {strides = array<i32>} : memref<128xi32, #tpu.memory_space<vmem>>, vector<16xi32>,
      %swap3A_193 = vector.shape_cast %swap3A_192 : vector<16xi32> to vector<16xi32>
      %swap3A_194 = vector.shape_cast %get3A_190 : vector<16xi32> to vector<16xi32>
      tpu.vector_store %arg8[%swap3A_191], %swap3A_194 {strides = array<i32>} : memref<128xi32, #tpu.memory_space<vmem>>, vector<16xi32>,
      %get3A_195 = arith.constant 39 : i32
      %get3A_196 = arith.index_cast %get3A_195 : i32 to index
      %get3A_197 = arith.constant 16 : index
      %get3A_198 = tpu.vector_load %arg7[%get3A_196, %get3A_197] {strides = array<i32>} : memref<40x128xi32, #tpu.memory_space<vmem>>, vector<1x16xi32>,
      %get3A_199 = vector.shape_cast %get3A_198 : vector<1x16xi32> to vector<16xi32>
      %swap3A_200 = arith.constant 16 : index
      %swap3A_201 = tpu.vector_load %arg8[%swap3A_200] {strides = array<i32>} : memref<128xi32, #tpu.memory_space<vmem>>, vector<16xi32>,
      %swap3A_202 = vector.shape_cast %swap3A_201 : vector<16xi32> to vector<16xi32>
      %swap3A_203 = vector.shape_cast %get3A_199 : vector<16xi32> to vector<16xi32>
      tpu.vector_store %arg8[%swap3A_200], %swap3A_203 {strides = array<i32>} : memref<128xi32, #tpu.memory_space<vmem>>, vector<16xi32>,
      %get3A_204 = arith.constant 39 : i32
      %get3A_205 = arith.index_cast %get3A_204 : i32 to index
      %get3A_206 = arith.constant 32 : index
      %get3A_207 = tpu.vector_load %arg7[%get3A_205, %get3A_206] {strides = array<i32>} : memref<40x128xi32, #tpu.memory_space<vmem>>, vector<1x16xi32>,
      %get3A_208 = vector.shape_cast %get3A_207 : vector<1x16xi32> to vector<16xi32>
      %swap3A_209 = arith.constant 32 : index
      %swap3A_210 = tpu.vector_load %arg8[%swap3A_209] {strides = array<i32>} : memref<128xi32, #tpu.memory_space<vmem>>, vector<16xi32>,
      %swap3A_211 = vector.shape_cast %swap3A_210 : vector<16xi32> to vector<16xi32>
      %swap3A_212 = vector.shape_cast %get3A_208 : vector<16xi32> to vector<16xi32>
      tpu.vector_store %arg8[%swap3A_209], %swap3A_212 {strides = array<i32>} : memref<128xi32, #tpu.memory_space<vmem>>, vector<16xi32>,
      %get3A_213 = arith.constant 39 : i32
      %get3A_214 = arith.index_cast %get3A_213 : i32 to index
      %get3A_215 = arith.constant 48 : index
      %get3A_216 = tpu.vector_load %arg7[%get3A_214, %get3A_215] {strides = array<i32>} : memref<40x128xi32, #tpu.memory_space<vmem>>, vector<1x16xi32>,
      %get3A_217 = vector.shape_cast %get3A_216 : vector<1x16xi32> to vector<16xi32>
      %swap3A_218 = arith.constant 48 : index
      %swap3A_219 = tpu.vector_load %arg8[%swap3A_218] {strides = array<i32>} : memref<128xi32, #tpu.memory_space<vmem>>, vector<16xi32>,
      %swap3A_220 = vector.shape_cast %swap3A_219 : vector<16xi32> to vector<16xi32>
      %swap3A_221 = vector.shape_cast %get3A_217 : vector<16xi32> to vector<16xi32>
      tpu.vector_store %arg8[%swap3A_218], %swap3A_221 {strides = array<i32>} : memref<128xi32, #tpu.memory_space<vmem>>, vector<16xi32>,
      %get3A_222 = arith.constant 39 : i32
      %get3A_223 = arith.index_cast %get3A_222 : i32 to index
      %get3A_224 = arith.constant 64 : index
      %get3A_225 = tpu.vector_load %arg7[%get3A_223, %get3A_224] {strides = array<i32>} : memref<40x128xi32, #tpu.memory_space<vmem>>, vector<1x16xi32>,
      %get3A_226 = vector.shape_cast %get3A_225 : vector<1x16xi32> to vector<16xi32>
      %swap3A_227 = arith.constant 64 : index
      %swap3A_228 = tpu.vector_load %arg8[%swap3A_227] {strides = array<i32>} : memref<128xi32, #tpu.memory_space<vmem>>, vector<16xi32>,
      %swap3A_229 = vector.shape_cast %swap3A_228 : vector<16xi32> to vector<16xi32>
      %swap3A_230 = vector.shape_cast %get3A_226 : vector<16xi32> to vector<16xi32>
      tpu.vector_store %arg8[%swap3A_227], %swap3A_230 {strides = array<i32>} : memref<128xi32, #tpu.memory_space<vmem>>, vector<16xi32>,
      %get3A_231 = arith.constant 39 : i32
      %get3A_232 = arith.index_cast %get3A_231 : i32 to index
      %get3A_233 = arith.constant 80 : index
      %get3A_234 = tpu.vector_load %arg7[%get3A_232, %get3A_233] {strides = array<i32>} : memref<40x128xi32, #tpu.memory_space<vmem>>, vector<1x16xi32>,
      %get3A_235 = vector.shape_cast %get3A_234 : vector<1x16xi32> to vector<16xi32>
      %swap3A_236 = arith.constant 80 : index
      %swap3A_237 = tpu.vector_load %arg8[%swap3A_236] {strides = array<i32>} : memref<128xi32, #tpu.memory_space<vmem>>, vector<16xi32>,
      %swap3A_238 = vector.shape_cast %swap3A_237 : vector<16xi32> to vector<16xi32>
      %swap3A_239 = vector.shape_cast %get3A_235 : vector<16xi32> to vector<16xi32>
      tpu.vector_store %arg8[%swap3A_236], %swap3A_239 {strides = array<i32>} : memref<128xi32, #tpu.memory_space<vmem>>, vector<16xi32>,
      %get3A_240 = arith.constant 39 : i32
      %get3A_241 = arith.index_cast %get3A_240 : i32 to index
      %get3A_242 = arith.constant 96 : index
      %get3A_243 = tpu.vector_load %arg7[%get3A_241, %get3A_242] {strides = array<i32>} : memref<40x128xi32, #tpu.memory_space<vmem>>, vector<1x16xi32>,
      %get3A_244 = vector.shape_cast %get3A_243 : vector<1x16xi32> to vector<16xi32>
      %swap3A_245 = arith.constant 96 : index
      %swap3A_246 = tpu.vector_load %arg8[%swap3A_245] {strides = array<i32>} : memref<128xi32, #tpu.memory_space<vmem>>, vector<16xi32>,
      %swap3A_247 = vector.shape_cast %swap3A_246 : vector<16xi32> to vector<16xi32>
      %swap3A_248 = vector.shape_cast %get3A_244 : vector<16xi32> to vector<16xi32>
      tpu.vector_store %arg8[%swap3A_245], %swap3A_248 {strides = array<i32>} : memref<128xi32, #tpu.memory_space<vmem>>, vector<16xi32>,
      %get3A_249 = arith.constant 39 : i32
      %get3A_250 = arith.index_cast %get3A_249 : i32 to index
      %get3A_251 = arith.constant 112 : index
      %get3A_252 = tpu.vector_load %arg7[%get3A_250, %get3A_251] {strides = array<i32>} : memref<40x128xi32, #tpu.memory_space<vmem>>, vector<1x16xi32>,
      %get3A_253 = vector.shape_cast %get3A_252 : vector<1x16xi32> to vector<16xi32>
      %swap3A_254 = arith.constant 112 : index
      %swap3A_255 = tpu.vector_load %arg8[%swap3A_254] {strides = array<i32>} : memref<128xi32, #tpu.memory_space<vmem>>, vector<16xi32>,
      %swap3A_256 = vector.shape_cast %swap3A_255 : vector<16xi32> to vector<16xi32>
      %swap3A_257 = vector.shape_cast %get3A_253 : vector<16xi32> to vector<16xi32>
      tpu.vector_store %arg8[%swap3A_254], %swap3A_257 {strides = array<i32>} : memref<128xi32, #tpu.memory_space<vmem>>, vector<16xi32>,
      "tpu.region"() ({
        %run_scoped3A = tpu.sem_alloc : memref<!tpu.dma_semaphore, #tpu.memory_space<semaphore_mem>>
        %dma_start3A_439 = arith.constant 0 : i32
        %dma_start3A_440 = arith.constant 0 : i32
        %dma_start3A_441 = tpu.memref_slice %arg11[%dma_start3A_439, %dma_start3A_440] : memref<10112x128xf32, #tpu.memory_space<vmem_shared>> -> memref<10112x128xf32, #tpu.memory_space<vmem_shared>>
        tpu.enqueue_indirect_dma source(%arg10 : memref<128x128xf32, #tpu.memory_space<vmem>>) target(%dma_start3A_441 : memref<10112x128xf32, #tpu.memory_space<vmem_shared>>) offsets(%arg8 : memref<128xi32, #tpu.memory_space<vmem>>) semaphore(%run_scoped3A : memref<!tpu.dma_semaphore, #tpu.memory_space<semaphore_mem>>) {add = true}
        %dma_wait3A_442 = arith.constant 0 : i32
        %dma_wait3A_443 = arith.constant 0 : i32
        %dma_wait3A_444 = tpu.memref_slice %arg11[%dma_wait3A_442, %dma_wait3A_443] : memref<10112x128xf32, #tpu.memory_space<vmem_shared>> -> memref<10112x128xf32, #tpu.memory_space<vmem_shared>>
        tpu.wait_indirect_dma semaphore(%run_scoped3A : memref<!tpu.dma_semaphore, #tpu.memory_space<semaphore_mem>>) src(%arg10 : memref<128x128xf32, #tpu.memory_space<vmem>>) dst(%dma_wait3A_444 : memref<10112x128xf32, #tpu.memory_space<vmem_shared>>)
        tpu.yield
      }) : () -> ()
      %mul3A_258 = arith.constant 80 : i32
      %mul3A_259 = arith.muli %arg1, %mul3A_258 : i32
      %add3A_260 = arith.constant 40 : i32
      %add3A_261 = arith.addi %mul3A_259, %add3A_260 : i32
      %multiple_of3A_262 = tpu.assume_multiple %add3A_261, 8 : i32
      "tpu.region"() ({
        %run_scoped3A = tpu.sem_alloc : memref<!tpu.dma_semaphore, #tpu.memory_space<semaphore_mem>>
        %dma_start3A_439 = arith.constant 0 : i32
        %dma_start3A_440 = tpu.memref_slice %arg2[%multiple_of3A_262, %dma_start3A_439] : memref<2560x128xi32, #tpu.memory_space<hbm>> -> memref<40x128xi32, #tpu.memory_space<hbm>>
        %dma_start3A_441 = arith.constant 0 : i32
        %dma_start3A_442 = tpu.memref_slice %arg2[%multiple_of3A_262, %dma_start3A_441] : memref<2560x128xi32, #tpu.memory_space<hbm>> -> memref<40x128xi32, #tpu.memory_space<hbm>>
        tpu.enqueue_dma source(%dma_start3A_442 : memref<40x128xi32, #tpu.memory_space<hbm>>) target(%arg6 : memref<40x128xi32, #tpu.memory_space<vmem>>) target_semaphore(%run_scoped3A : memref<!tpu.dma_semaphore, #tpu.memory_space<semaphore_mem>>)
        %dma_wait3A_443 = arith.constant 0 : i32
        %dma_wait3A_444 = tpu.memref_slice %arg2[%multiple_of3A_262, %dma_wait3A_443] : memref<2560x128xi32, #tpu.memory_space<hbm>> -> memref<40x128xi32, #tpu.memory_space<hbm>>
        %dma_wait3A_445 = arith.constant 0 : i32
        %dma_wait3A_446 = tpu.memref_slice %arg2[%multiple_of3A_262, %dma_wait3A_445] : memref<2560x128xi32, #tpu.memory_space<hbm>> -> memref<40x128xi32, #tpu.memory_space<hbm>>
        tpu.wait_dma2 semaphore(%run_scoped3A : memref<!tpu.dma_semaphore, #tpu.memory_space<semaphore_mem>>) src(%dma_wait3A_446 : memref<40x128xi32, #tpu.memory_space<hbm>>) dst(%arg6 : memref<40x128xi32, #tpu.memory_space<vmem>>)
        tpu.yield
      }) : () -> ()
      "tpu.region"() ({
        %run_scoped3A = tpu.sem_alloc : memref<!tpu.dma_semaphore, #tpu.memory_space<semaphore_mem>>
        %dma_start3A_439 = arith.constant 0 : i32
        %dma_start3A_440 = tpu.memref_slice %arg3[%multiple_of3A_262, %dma_start3A_439] : memref<2560x128xi32, #tpu.memory_space<hbm>> -> memref<40x128xi32, #tpu.memory_space<hbm>>
        %dma_start3A_441 = arith.constant 0 : i32
        %dma_start3A_442 = tpu.memref_slice %arg3[%multiple_of3A_262, %dma_start3A_441] : memref<2560x128xi32, #tpu.memory_space<hbm>> -> memref<40x128xi32, #tpu.memory_space<hbm>>
        tpu.enqueue_dma source(%dma_start3A_442 : memref<40x128xi32, #tpu.memory_space<hbm>>) target(%arg7 : memref<40x128xi32, #tpu.memory_space<vmem>>) target_semaphore(%run_scoped3A : memref<!tpu.dma_semaphore, #tpu.memory_space<semaphore_mem>>)
        %dma_wait3A_443 = arith.constant 0 : i32
        %dma_wait3A_444 = tpu.memref_slice %arg3[%multiple_of3A_262, %dma_wait3A_443] : memref<2560x128xi32, #tpu.memory_space<hbm>> -> memref<40x128xi32, #tpu.memory_space<hbm>>
        %dma_wait3A_445 = arith.constant 0 : i32
        %dma_wait3A_446 = tpu.memref_slice %arg3[%multiple_of3A_262, %dma_wait3A_445] : memref<2560x128xi32, #tpu.memory_space<hbm>> -> memref<40x128xi32, #tpu.memory_space<hbm>>
        tpu.wait_dma2 semaphore(%run_scoped3A : memref<!tpu.dma_semaphore, #tpu.memory_space<semaphore_mem>>) src(%dma_wait3A_446 : memref<40x128xi32, #tpu.memory_space<hbm>>) dst(%arg7 : memref<40x128xi32, #tpu.memory_space<vmem>>)
        tpu.yield
      }) : () -> ()
      %dma_start3A_263 = arith.constant 0 : i32
      %dma_start3A_264 = arith.constant 0 : i32
      %dma_start3A_265 = tpu.memref_slice %arg6[%dma_start3A_263, %dma_start3A_264] : memref<40x128xi32, #tpu.memory_space<vmem>> -> memref<1x128xi32, #tpu.memory_space<vmem>>
      %dma_start3A_266 = tpu.memref_squeeze %dma_start3A_265 : memref<1x128xi32, #tpu.memory_space<vmem>> -> memref<128xi32, #tpu.memory_space<vmem>>
      %dma_start3A_267 = arith.constant 0 : i32
      %dma_start3A_268 = arith.constant 0 : i32
      %dma_start3A_269 = tpu.memref_slice %arg4[%dma_start3A_267, %dma_start3A_268] : memref<10000x128xf32, #tpu.memory_space<hbm>> -> memref<10000x128xf32, #tpu.memory_space<hbm>>
      tpu.enqueue_indirect_dma source(%dma_start3A_269 : memref<10000x128xf32, #tpu.memory_space<hbm>>) target(%arg9 : memref<128x128xf32, #tpu.memory_space<vmem>>) offsets(%dma_start3A_266 : memref<128xi32, #tpu.memory_space<vmem>>) semaphore(%arg12 : memref<!tpu.dma_semaphore, #tpu.memory_space<semaphore_mem>>)
      %dma_start3A_270 = arith.constant 1 : i32
      %dma_start3A_271 = arith.constant 0 : i32
      %dma_start3A_272 = tpu.memref_slice %arg6[%dma_start3A_270, %dma_start3A_271] : memref<40x128xi32, #tpu.memory_space<vmem>> -> memref<1x128xi32, #tpu.memory_space<vmem>>
      %dma_start3A_273 = tpu.memref_squeeze %dma_start3A_272 : memref<1x128xi32, #tpu.memory_space<vmem>> -> memref<128xi32, #tpu.memory_space<vmem>>
      %dma_start3A_274 = arith.constant 0 : i32
      %dma_start3A_275 = arith.constant 0 : i32
      %dma_start3A_276 = tpu.memref_slice %arg4[%dma_start3A_274, %dma_start3A_275] : memref<10000x128xf32, #tpu.memory_space<hbm>> -> memref<10000x128xf32, #tpu.memory_space<hbm>>
      tpu.enqueue_indirect_dma source(%dma_start3A_276 : memref<10000x128xf32, #tpu.memory_space<hbm>>) target(%arg10 : memref<128x128xf32, #tpu.memory_space<vmem>>) offsets(%dma_start3A_273 : memref<128xi32, #tpu.memory_space<vmem>>) semaphore(%arg13 : memref<!tpu.dma_semaphore, #tpu.memory_space<semaphore_mem>>)
      %scan3A_277 = arith.constant 0 : i32
      %scan3A_278 = arith.constant 0 : i32
      %scan3A_279 = arith.constant 19 : i32
      %scan3A_280 = arith.addi %scan3A_278, %scan3A_279 : i32
      %scan3A_281 = arith.constant 1 : i32
      scf.for %scan3A_439 = %scan3A_278 to %scan3A_280 step %scan3A_281  : i32 {
        %mul3A_440 = arith.constant 2 : i32
        %mul3A_441 = arith.muli %mul3A_440, %scan3A_439 : i32
        %dma_wait3A_442 = arith.constant 0 : i32
        %dma_wait3A_443 = arith.constant 0 : i32
        %dma_wait3A_444 = tpu.memref_slice %arg4[%dma_wait3A_442, %dma_wait3A_443] : memref<10000x128xf32, #tpu.memory_space<hbm>> -> memref<128x128xf32, #tpu.memory_space<hbm>>
        %dma_wait3A_445 = arith.constant 0 : i32
        %dma_wait3A_446 = arith.constant 0 : i32
        %dma_wait3A_447 = tpu.memref_slice %arg4[%dma_wait3A_445, %dma_wait3A_446] : memref<10000x128xf32, #tpu.memory_space<hbm>> -> memref<128x128xf32, #tpu.memory_space<hbm>>
        tpu.wait_dma2 semaphore(%arg12 : memref<!tpu.dma_semaphore, #tpu.memory_space<semaphore_mem>>) src(%dma_wait3A_447 : memref<128x128xf32, #tpu.memory_space<hbm>>) dst(%arg9 : memref<128x128xf32, #tpu.memory_space<vmem>>)
        %get3A_448 = arith.index_cast %mul3A_441 : i32 to index
        %get3A_449 = arith.constant 0 : index
        %get3A_450 = tpu.vector_load %arg7[%get3A_448, %get3A_449] {strides = array<i32>} : memref<40x128xi32, #tpu.memory_space<vmem>>, vector<1x16xi32>,
        %get3A_451 = vector.shape_cast %get3A_450 : vector<1x16xi32> to vector<16xi32>
        %swap3A_452 = arith.constant 0 : index
        %swap3A_453 = tpu.vector_load %arg8[%swap3A_452] {strides = array<i32>} : memref<128xi32, #tpu.memory_space<vmem>>, vector<16xi32>,
        %swap3A_454 = vector.shape_cast %swap3A_453 : vector<16xi32> to vector<16xi32>
        %swap3A_455 = vector.shape_cast %get3A_451 : vector<16xi32> to vector<16xi32>
        tpu.vector_store %arg8[%swap3A_452], %swap3A_455 {strides = array<i32>} : memref<128xi32, #tpu.memory_space<vmem>>, vector<16xi32>,
        %get3A_456 = arith.index_cast %mul3A_441 : i32 to index
        %get3A_457 = arith.constant 16 : index
        %get3A_458 = tpu.vector_load %arg7[%get3A_456, %get3A_457] {strides = array<i32>} : memref<40x128xi32, #tpu.memory_space<vmem>>, vector<1x16xi32>,
        %get3A_459 = vector.shape_cast %get3A_458 : vector<1x16xi32> to vector<16xi32>
        %swap3A_460 = arith.constant 16 : index
        %swap3A_461 = tpu.vector_load %arg8[%swap3A_460] {strides = array<i32>} : memref<128xi32, #tpu.memory_space<vmem>>, vector<16xi32>,
        %swap3A_462 = vector.shape_cast %swap3A_461 : vector<16xi32> to vector<16xi32>
        %swap3A_463 = vector.shape_cast %get3A_459 : vector<16xi32> to vector<16xi32>
        tpu.vector_store %arg8[%swap3A_460], %swap3A_463 {strides = array<i32>} : memref<128xi32, #tpu.memory_space<vmem>>, vector<16xi32>,
        %get3A_464 = arith.index_cast %mul3A_441 : i32 to index
        %get3A_465 = arith.constant 32 : index
        %get3A_466 = tpu.vector_load %arg7[%get3A_464, %get3A_465] {strides = array<i32>} : memref<40x128xi32, #tpu.memory_space<vmem>>, vector<1x16xi32>,
        %get3A_467 = vector.shape_cast %get3A_466 : vector<1x16xi32> to vector<16xi32>
        %swap3A_468 = arith.constant 32 : index
        %swap3A_469 = tpu.vector_load %arg8[%swap3A_468] {strides = array<i32>} : memref<128xi32, #tpu.memory_space<vmem>>, vector<16xi32>,
        %swap3A_470 = vector.shape_cast %swap3A_469 : vector<16xi32> to vector<16xi32>
        %swap3A_471 = vector.shape_cast %get3A_467 : vector<16xi32> to vector<16xi32>
        tpu.vector_store %arg8[%swap3A_468], %swap3A_471 {strides = array<i32>} : memref<128xi32, #tpu.memory_space<vmem>>, vector<16xi32>,
        %get3A_472 = arith.index_cast %mul3A_441 : i32 to index
        %get3A_473 = arith.constant 48 : index
        %get3A_474 = tpu.vector_load %arg7[%get3A_472, %get3A_473] {strides = array<i32>} : memref<40x128xi32, #tpu.memory_space<vmem>>, vector<1x16xi32>,
        %get3A_475 = vector.shape_cast %get3A_474 : vector<1x16xi32> to vector<16xi32>
        %swap3A_476 = arith.constant 48 : index
        %swap3A_477 = tpu.vector_load %arg8[%swap3A_476] {strides = array<i32>} : memref<128xi32, #tpu.memory_space<vmem>>, vector<16xi32>,
        %swap3A_478 = vector.shape_cast %swap3A_477 : vector<16xi32> to vector<16xi32>
        %swap3A_479 = vector.shape_cast %get3A_475 : vector<16xi32> to vector<16xi32>
        tpu.vector_store %arg8[%swap3A_476], %swap3A_479 {strides = array<i32>} : memref<128xi32, #tpu.memory_space<vmem>>, vector<16xi32>,
        %get3A_480 = arith.index_cast %mul3A_441 : i32 to index
        %get3A_481 = arith.constant 64 : index
        %get3A_482 = tpu.vector_load %arg7[%get3A_480, %get3A_481] {strides = array<i32>} : memref<40x128xi32, #tpu.memory_space<vmem>>, vector<1x16xi32>,
        %get3A_483 = vector.shape_cast %get3A_482 : vector<1x16xi32> to vector<16xi32>
        %swap3A_484 = arith.constant 64 : index
        %swap3A_485 = tpu.vector_load %arg8[%swap3A_484] {strides = array<i32>} : memref<128xi32, #tpu.memory_space<vmem>>, vector<16xi32>,
        %swap3A_486 = vector.shape_cast %swap3A_485 : vector<16xi32> to vector<16xi32>
        %swap3A_487 = vector.shape_cast %get3A_483 : vector<16xi32> to vector<16xi32>
        tpu.vector_store %arg8[%swap3A_484], %swap3A_487 {strides = array<i32>} : memref<128xi32, #tpu.memory_space<vmem>>, vector<16xi32>,
        %get3A_488 = arith.index_cast %mul3A_441 : i32 to index
        %get3A_489 = arith.constant 80 : index
        %get3A_490 = tpu.vector_load %arg7[%get3A_488, %get3A_489] {strides = array<i32>} : memref<40x128xi32, #tpu.memory_space<vmem>>, vector<1x16xi32>,
        %get3A_491 = vector.shape_cast %get3A_490 : vector<1x16xi32> to vector<16xi32>
        %swap3A_492 = arith.constant 80 : index
        %swap3A_493 = tpu.vector_load %arg8[%swap3A_492] {strides = array<i32>} : memref<128xi32, #tpu.memory_space<vmem>>, vector<16xi32>,
        %swap3A_494 = vector.shape_cast %swap3A_493 : vector<16xi32> to vector<16xi32>
        %swap3A_495 = vector.shape_cast %get3A_491 : vector<16xi32> to vector<16xi32>
        tpu.vector_store %arg8[%swap3A_492], %swap3A_495 {strides = array<i32>} : memref<128xi32, #tpu.memory_space<vmem>>, vector<16xi32>,
        %get3A_496 = arith.index_cast %mul3A_441 : i32 to index
        %get3A_497 = arith.constant 96 : index
        %get3A_498 = tpu.vector_load %arg7[%get3A_496, %get3A_497] {strides = array<i32>} : memref<40x128xi32, #tpu.memory_space<vmem>>, vector<1x16xi32>,
        %get3A_499 = vector.shape_cast %get3A_498 : vector<1x16xi32> to vector<16xi32>
        %swap3A_500 = arith.constant 96 : index
        %swap3A_501 = tpu.vector_load %arg8[%swap3A_500] {strides = array<i32>} : memref<128xi32, #tpu.memory_space<vmem>>, vector<16xi32>,
        %swap3A_502 = vector.shape_cast %swap3A_501 : vector<16xi32> to vector<16xi32>
        %swap3A_503 = vector.shape_cast %get3A_499 : vector<16xi32> to vector<16xi32>
        tpu.vector_store %arg8[%swap3A_500], %swap3A_503 {strides = array<i32>} : memref<128xi32, #tpu.memory_space<vmem>>, vector<16xi32>,
        %get3A_504 = arith.index_cast %mul3A_441 : i32 to index
        %get3A_505 = arith.constant 112 : index
        %get3A_506 = tpu.vector_load %arg7[%get3A_504, %get3A_505] {strides = array<i32>} : memref<40x128xi32, #tpu.memory_space<vmem>>, vector<1x16xi32>,
        %get3A_507 = vector.shape_cast %get3A_506 : vector<1x16xi32> to vector<16xi32>
        %swap3A_508 = arith.constant 112 : index
        %swap3A_509 = tpu.vector_load %arg8[%swap3A_508] {strides = array<i32>} : memref<128xi32, #tpu.memory_space<vmem>>, vector<16xi32>,
        %swap3A_510 = vector.shape_cast %swap3A_509 : vector<16xi32> to vector<16xi32>
        %swap3A_511 = vector.shape_cast %get3A_507 : vector<16xi32> to vector<16xi32>
        tpu.vector_store %arg8[%swap3A_508], %swap3A_511 {strides = array<i32>} : memref<128xi32, #tpu.memory_space<vmem>>, vector<16xi32>,
        "tpu.region"() ({
          %run_scoped3A = tpu.sem_alloc : memref<!tpu.dma_semaphore, #tpu.memory_space<semaphore_mem>>
          %dma_start3A_600 = arith.constant 0 : i32
          %dma_start3A_601 = arith.constant 0 : i32
          %dma_start3A_602 = tpu.memref_slice %arg11[%dma_start3A_600, %dma_start3A_601] : memref<10112x128xf32, #tpu.memory_space<vmem_shared>> -> memref<10112x128xf32, #tpu.memory_space<vmem_shared>>
          tpu.enqueue_indirect_dma source(%arg9 : memref<128x128xf32, #tpu.memory_space<vmem>>) target(%dma_start3A_602 : memref<10112x128xf32, #tpu.memory_space<vmem_shared>>) offsets(%arg8 : memref<128xi32, #tpu.memory_space<vmem>>) semaphore(%run_scoped3A : memref<!tpu.dma_semaphore, #tpu.memory_space<semaphore_mem>>) {add = true}
          %dma_wait3A_603 = arith.constant 0 : i32
          %dma_wait3A_604 = arith.constant 0 : i32
          %dma_wait3A_605 = tpu.memref_slice %arg11[%dma_wait3A_603, %dma_wait3A_604] : memref<10112x128xf32, #tpu.memory_space<vmem_shared>> -> memref<10112x128xf32, #tpu.memory_space<vmem_shared>>
          tpu.wait_indirect_dma semaphore(%run_scoped3A : memref<!tpu.dma_semaphore, #tpu.memory_space<semaphore_mem>>) src(%arg9 : memref<128x128xf32, #tpu.memory_space<vmem>>) dst(%dma_wait3A_605 : memref<10112x128xf32, #tpu.memory_space<vmem_shared>>)
          tpu.yield
        }) : () -> ()
        %add3A_512 = arith.constant 2 : i32
        %add3A_513 = arith.addi %mul3A_441, %add3A_512 : i32
        %dma_start3A_514 = arith.constant 0 : i32
        %dma_start3A_515 = tpu.memref_slice %arg6[%add3A_513, %dma_start3A_514] : memref<40x128xi32, #tpu.memory_space<vmem>> -> memref<1x128xi32, #tpu.memory_space<vmem>>
        %dma_start3A_516 = tpu.memref_squeeze %dma_start3A_515 : memref<1x128xi32, #tpu.memory_space<vmem>> -> memref<128xi32, #tpu.memory_space<vmem>>
        %dma_start3A_517 = arith.constant 0 : i32
        %dma_start3A_518 = arith.constant 0 : i32
        %dma_start3A_519 = tpu.memref_slice %arg4[%dma_start3A_517, %dma_start3A_518] : memref<10000x128xf32, #tpu.memory_space<hbm>> -> memref<10000x128xf32, #tpu.memory_space<hbm>>
        tpu.enqueue_indirect_dma source(%dma_start3A_519 : memref<10000x128xf32, #tpu.memory_space<hbm>>) target(%arg9 : memref<128x128xf32, #tpu.memory_space<vmem>>) offsets(%dma_start3A_516 : memref<128xi32, #tpu.memory_space<vmem>>) semaphore(%arg12 : memref<!tpu.dma_semaphore, #tpu.memory_space<semaphore_mem>>)
        %dma_wait3A_520 = arith.constant 0 : i32
        %dma_wait3A_521 = arith.constant 0 : i32
        %dma_wait3A_522 = tpu.memref_slice %arg4[%dma_wait3A_520, %dma_wait3A_521] : memref<10000x128xf32, #tpu.memory_space<hbm>> -> memref<128x128xf32, #tpu.memory_space<hbm>>
        %dma_wait3A_523 = arith.constant 0 : i32
        %dma_wait3A_524 = arith.constant 0 : i32
        %dma_wait3A_525 = tpu.memref_slice %arg4[%dma_wait3A_523, %dma_wait3A_524] : memref<10000x128xf32, #tpu.memory_space<hbm>> -> memref<128x128xf32, #tpu.memory_space<hbm>>
        tpu.wait_dma2 semaphore(%arg13 : memref<!tpu.dma_semaphore, #tpu.memory_space<semaphore_mem>>) src(%dma_wait3A_525 : memref<128x128xf32, #tpu.memory_space<hbm>>) dst(%arg10 : memref<128x128xf32, #tpu.memory_space<vmem>>)
        %add3A_526 = arith.constant 1 : i32
        %add3A_527 = arith.addi %mul3A_441, %add3A_526 : i32
        %get3A_528 = arith.index_cast %add3A_527 : i32 to index
        %get3A_529 = arith.constant 0 : index
        %get3A_530 = tpu.vector_load %arg7[%get3A_528, %get3A_529] {strides = array<i32>} : memref<40x128xi32, #tpu.memory_space<vmem>>, vector<1x16xi32>,
        %get3A_531 = vector.shape_cast %get3A_530 : vector<1x16xi32> to vector<16xi32>
        %swap3A_532 = arith.constant 0 : index
        %swap3A_533 = tpu.vector_load %arg8[%swap3A_532] {strides = array<i32>} : memref<128xi32, #tpu.memory_space<vmem>>, vector<16xi32>,
        %swap3A_534 = vector.shape_cast %swap3A_533 : vector<16xi32> to vector<16xi32>
        %swap3A_535 = vector.shape_cast %get3A_531 : vector<16xi32> to vector<16xi32>
        tpu.vector_store %arg8[%swap3A_532], %swap3A_535 {strides = array<i32>} : memref<128xi32, #tpu.memory_space<vmem>>, vector<16xi32>,
        %get3A_536 = arith.index_cast %add3A_527 : i32 to index
        %get3A_537 = arith.constant 16 : index
        %get3A_538 = tpu.vector_load %arg7[%get3A_536, %get3A_537] {strides = array<i32>} : memref<40x128xi32, #tpu.memory_space<vmem>>, vector<1x16xi32>,
        %get3A_539 = vector.shape_cast %get3A_538 : vector<1x16xi32> to vector<16xi32>
        %swap3A_540 = arith.constant 16 : index
        %swap3A_541 = tpu.vector_load %arg8[%swap3A_540] {strides = array<i32>} : memref<128xi32, #tpu.memory_space<vmem>>, vector<16xi32>,
        %swap3A_542 = vector.shape_cast %swap3A_541 : vector<16xi32> to vector<16xi32>
        %swap3A_543 = vector.shape_cast %get3A_539 : vector<16xi32> to vector<16xi32>
        tpu.vector_store %arg8[%swap3A_540], %swap3A_543 {strides = array<i32>} : memref<128xi32, #tpu.memory_space<vmem>>, vector<16xi32>,
        %get3A_544 = arith.index_cast %add3A_527 : i32 to index
        %get3A_545 = arith.constant 32 : index
        %get3A_546 = tpu.vector_load %arg7[%get3A_544, %get3A_545] {strides = array<i32>} : memref<40x128xi32, #tpu.memory_space<vmem>>, vector<1x16xi32>,
        %get3A_547 = vector.shape_cast %get3A_546 : vector<1x16xi32> to vector<16xi32>
        %swap3A_548 = arith.constant 32 : index
        %swap3A_549 = tpu.vector_load %arg8[%swap3A_548] {strides = array<i32>} : memref<128xi32, #tpu.memory_space<vmem>>, vector<16xi32>,
        %swap3A_550 = vector.shape_cast %swap3A_549 : vector<16xi32> to vector<16xi32>
        %swap3A_551 = vector.shape_cast %get3A_547 : vector<16xi32> to vector<16xi32>
        tpu.vector_store %arg8[%swap3A_548], %swap3A_551 {strides = array<i32>} : memref<128xi32, #tpu.memory_space<vmem>>, vector<16xi32>,
        %get3A_552 = arith.index_cast %add3A_527 : i32 to index
        %get3A_553 = arith.constant 48 : index
        %get3A_554 = tpu.vector_load %arg7[%get3A_552, %get3A_553] {strides = array<i32>} : memref<40x128xi32, #tpu.memory_space<vmem>>, vector<1x16xi32>,
        %get3A_555 = vector.shape_cast %get3A_554 : vector<1x16xi32> to vector<16xi32>
        %swap3A_556 = arith.constant 48 : index
        %swap3A_557 = tpu.vector_load %arg8[%swap3A_556] {strides = array<i32>} : memref<128xi32, #tpu.memory_space<vmem>>, vector<16xi32>,
        %swap3A_558 = vector.shape_cast %swap3A_557 : vector<16xi32> to vector<16xi32>
        %swap3A_559 = vector.shape_cast %get3A_555 : vector<16xi32> to vector<16xi32>
        tpu.vector_store %arg8[%swap3A_556], %swap3A_559 {strides = array<i32>} : memref<128xi32, #tpu.memory_space<vmem>>, vector<16xi32>,
        %get3A_560 = arith.index_cast %add3A_527 : i32 to index
        %get3A_561 = arith.constant 64 : index
        %get3A_562 = tpu.vector_load %arg7[%get3A_560, %get3A_561] {strides = array<i32>} : memref<40x128xi32, #tpu.memory_space<vmem>>, vector<1x16xi32>,
        %get3A_563 = vector.shape_cast %get3A_562 : vector<1x16xi32> to vector<16xi32>
        %swap3A_564 = arith.constant 64 : index
        %swap3A_565 = tpu.vector_load %arg8[%swap3A_564] {strides = array<i32>} : memref<128xi32, #tpu.memory_space<vmem>>, vector<16xi32>,
        %swap3A_566 = vector.shape_cast %swap3A_565 : vector<16xi32> to vector<16xi32>
        %swap3A_567 = vector.shape_cast %get3A_563 : vector<16xi32> to vector<16xi32>
        tpu.vector_store %arg8[%swap3A_564], %swap3A_567 {strides = array<i32>} : memref<128xi32, #tpu.memory_space<vmem>>, vector<16xi32>,
        %get3A_568 = arith.index_cast %add3A_527 : i32 to index
        %get3A_569 = arith.constant 80 : index
        %get3A_570 = tpu.vector_load %arg7[%get3A_568, %get3A_569] {strides = array<i32>} : memref<40x128xi32, #tpu.memory_space<vmem>>, vector<1x16xi32>,
        %get3A_571 = vector.shape_cast %get3A_570 : vector<1x16xi32> to vector<16xi32>
        %swap3A_572 = arith.constant 80 : index
        %swap3A_573 = tpu.vector_load %arg8[%swap3A_572] {strides = array<i32>} : memref<128xi32, #tpu.memory_space<vmem>>, vector<16xi32>,
        %swap3A_574 = vector.shape_cast %swap3A_573 : vector<16xi32> to vector<16xi32>
        %swap3A_575 = vector.shape_cast %get3A_571 : vector<16xi32> to vector<16xi32>
        tpu.vector_store %arg8[%swap3A_572], %swap3A_575 {strides = array<i32>} : memref<128xi32, #tpu.memory_space<vmem>>, vector<16xi32>,
        %get3A_576 = arith.index_cast %add3A_527 : i32 to index
        %get3A_577 = arith.constant 96 : index
        %get3A_578 = tpu.vector_load %arg7[%get3A_576, %get3A_577] {strides = array<i32>} : memref<40x128xi32, #tpu.memory_space<vmem>>, vector<1x16xi32>,
        %get3A_579 = vector.shape_cast %get3A_578 : vector<1x16xi32> to vector<16xi32>
        %swap3A_580 = arith.constant 96 : index
        %swap3A_581 = tpu.vector_load %arg8[%swap3A_580] {strides = array<i32>} : memref<128xi32, #tpu.memory_space<vmem>>, vector<16xi32>,
        %swap3A_582 = vector.shape_cast %swap3A_581 : vector<16xi32> to vector<16xi32>
        %swap3A_583 = vector.shape_cast %get3A_579 : vector<16xi32> to vector<16xi32>
        tpu.vector_store %arg8[%swap3A_580], %swap3A_583 {strides = array<i32>} : memref<128xi32, #tpu.memory_space<vmem>>, vector<16xi32>,
        %get3A_584 = arith.index_cast %add3A_527 : i32 to index
        %get3A_585 = arith.constant 112 : index
        %get3A_586 = tpu.vector_load %arg7[%get3A_584, %get3A_585] {strides = array<i32>} : memref<40x128xi32, #tpu.memory_space<vmem>>, vector<1x16xi32>,
        %get3A_587 = vector.shape_cast %get3A_586 : vector<1x16xi32> to vector<16xi32>
        %swap3A_588 = arith.constant 112 : index
        %swap3A_589 = tpu.vector_load %arg8[%swap3A_588] {strides = array<i32>} : memref<128xi32, #tpu.memory_space<vmem>>, vector<16xi32>,
        %swap3A_590 = vector.shape_cast %swap3A_589 : vector<16xi32> to vector<16xi32>
        %swap3A_591 = vector.shape_cast %get3A_587 : vector<16xi32> to vector<16xi32>
        tpu.vector_store %arg8[%swap3A_588], %swap3A_591 {strides = array<i32>} : memref<128xi32, #tpu.memory_space<vmem>>, vector<16xi32>,
        "tpu.region"() ({
          %run_scoped3A = tpu.sem_alloc : memref<!tpu.dma_semaphore, #tpu.memory_space<semaphore_mem>>
          %dma_start3A_600 = arith.constant 0 : i32
          %dma_start3A_601 = arith.constant 0 : i32
          %dma_start3A_602 = tpu.memref_slice %arg11[%dma_start3A_600, %dma_start3A_601] : memref<10112x128xf32, #tpu.memory_space<vmem_shared>> -> memref<10112x128xf32, #tpu.memory_space<vmem_shared>>
          tpu.enqueue_indirect_dma source(%arg10 : memref<128x128xf32, #tpu.memory_space<vmem>>) target(%dma_start3A_602 : memref<10112x128xf32, #tpu.memory_space<vmem_shared>>) offsets(%arg8 : memref<128xi32, #tpu.memory_space<vmem>>) semaphore(%run_scoped3A : memref<!tpu.dma_semaphore, #tpu.memory_space<semaphore_mem>>) {add = true}
          %dma_wait3A_603 = arith.constant 0 : i32
          %dma_wait3A_604 = arith.constant 0 : i32
          %dma_wait3A_605 = tpu.memref_slice %arg11[%dma_wait3A_603, %dma_wait3A_604] : memref<10112x128xf32, #tpu.memory_space<vmem_shared>> -> memref<10112x128xf32, #tpu.memory_space<vmem_shared>>
          tpu.wait_indirect_dma semaphore(%run_scoped3A : memref<!tpu.dma_semaphore, #tpu.memory_space<semaphore_mem>>) src(%arg10 : memref<128x128xf32, #tpu.memory_space<vmem>>) dst(%dma_wait3A_605 : memref<10112x128xf32, #tpu.memory_space<vmem_shared>>)
          tpu.yield
        }) : () -> ()
        %add3A_592 = arith.constant 3 : i32
        %add3A_593 = arith.addi %mul3A_441, %add3A_592 : i32
        %dma_start3A_594 = arith.constant 0 : i32
        %dma_start3A_595 = tpu.memref_slice %arg6[%add3A_593, %dma_start3A_594] : memref<40x128xi32, #tpu.memory_space<vmem>> -> memref<1x128xi32, #tpu.memory_space<vmem>>
        %dma_start3A_596 = tpu.memref_squeeze %dma_start3A_595 : memref<1x128xi32, #tpu.memory_space<vmem>> -> memref<128xi32, #tpu.memory_space<vmem>>
        %dma_start3A_597 = arith.constant 0 : i32
        %dma_start3A_598 = arith.constant 0 : i32
        %dma_start3A_599 = tpu.memref_slice %arg4[%dma_start3A_597, %dma_start3A_598] : memref<10000x128xf32, #tpu.memory_space<hbm>> -> memref<10000x128xf32, #tpu.memory_space<hbm>>
        tpu.enqueue_indirect_dma source(%dma_start3A_599 : memref<10000x128xf32, #tpu.memory_space<hbm>>) target(%arg10 : memref<128x128xf32, #tpu.memory_space<vmem>>) offsets(%dma_start3A_596 : memref<128xi32, #tpu.memory_space<vmem>>) semaphore(%arg13 : memref<!tpu.dma_semaphore, #tpu.memory_space<semaphore_mem>>)
      }
      %scan3A_282 = arith.constant 19 : i32
      %dma_wait3A_283 = arith.constant 0 : i32
      %dma_wait3A_284 = arith.constant 0 : i32
      %dma_wait3A_285 = tpu.memref_slice %arg4[%dma_wait3A_283, %dma_wait3A_284] : memref<10000x128xf32, #tpu.memory_space<hbm>> -> memref<128x128xf32, #tpu.memory_space<hbm>>
      %dma_wait3A_286 = arith.constant 0 : i32
      %dma_wait3A_287 = arith.constant 0 : i32
      %dma_wait3A_288 = tpu.memref_slice %arg4[%dma_wait3A_286, %dma_wait3A_287] : memref<10000x128xf32, #tpu.memory_space<hbm>> -> memref<128x128xf32, #tpu.memory_space<hbm>>
      tpu.wait_dma2 semaphore(%arg12 : memref<!tpu.dma_semaphore, #tpu.memory_space<semaphore_mem>>) src(%dma_wait3A_288 : memref<128x128xf32, #tpu.memory_space<hbm>>) dst(%arg9 : memref<128x128xf32, #tpu.memory_space<vmem>>)
      %get3A_289 = arith.constant 38 : i32
      %get3A_290 = arith.index_cast %get3A_289 : i32 to index
      %get3A_291 = arith.constant 0 : index
      %get3A_292 = tpu.vector_load %arg7[%get3A_290, %get3A_291] {strides = array<i32>} : memref<40x128xi32, #tpu.memory_space<vmem>>, vector<1x16xi32>,
      %get3A_293 = vector.shape_cast %get3A_292 : vector<1x16xi32> to vector<16xi32>
      %swap3A_294 = arith.constant 0 : index
      %swap3A_295 = tpu.vector_load %arg8[%swap3A_294] {strides = array<i32>} : memref<128xi32, #tpu.memory_space<vmem>>, vector<16xi32>,
      %swap3A_296 = vector.shape_cast %swap3A_295 : vector<16xi32> to vector<16xi32>
      %swap3A_297 = vector.shape_cast %get3A_293 : vector<16xi32> to vector<16xi32>
      tpu.vector_store %arg8[%swap3A_294], %swap3A_297 {strides = array<i32>} : memref<128xi32, #tpu.memory_space<vmem>>, vector<16xi32>,
      %get3A_298 = arith.constant 38 : i32
      %get3A_299 = arith.index_cast %get3A_298 : i32 to index
      %get3A_300 = arith.constant 16 : index
      %get3A_301 = tpu.vector_load %arg7[%get3A_299, %get3A_300] {strides = array<i32>} : memref<40x128xi32, #tpu.memory_space<vmem>>, vector<1x16xi32>,
      %get3A_302 = vector.shape_cast %get3A_301 : vector<1x16xi32> to vector<16xi32>
      %swap3A_303 = arith.constant 16 : index
      %swap3A_304 = tpu.vector_load %arg8[%swap3A_303] {strides = array<i32>} : memref<128xi32, #tpu.memory_space<vmem>>, vector<16xi32>,
      %swap3A_305 = vector.shape_cast %swap3A_304 : vector<16xi32> to vector<16xi32>
      %swap3A_306 = vector.shape_cast %get3A_302 : vector<16xi32> to vector<16xi32>
      tpu.vector_store %arg8[%swap3A_303], %swap3A_306 {strides = array<i32>} : memref<128xi32, #tpu.memory_space<vmem>>, vector<16xi32>,
      %get3A_307 = arith.constant 38 : i32
      %get3A_308 = arith.index_cast %get3A_307 : i32 to index
      %get3A_309 = arith.constant 32 : index
      %get3A_310 = tpu.vector_load %arg7[%get3A_308, %get3A_309] {strides = array<i32>} : memref<40x128xi32, #tpu.memory_space<vmem>>, vector<1x16xi32>,
      %get3A_311 = vector.shape_cast %get3A_310 : vector<1x16xi32> to vector<16xi32>
      %swap3A_312 = arith.constant 32 : index
      %swap3A_313 = tpu.vector_load %arg8[%swap3A_312] {strides = array<i32>} : memref<128xi32, #tpu.memory_space<vmem>>, vector<16xi32>,
      %swap3A_314 = vector.shape_cast %swap3A_313 : vector<16xi32> to vector<16xi32>
      %swap3A_315 = vector.shape_cast %get3A_311 : vector<16xi32> to vector<16xi32>
      tpu.vector_store %arg8[%swap3A_312], %swap3A_315 {strides = array<i32>} : memref<128xi32, #tpu.memory_space<vmem>>, vector<16xi32>,
      %get3A_316 = arith.constant 38 : i32
      %get3A_317 = arith.index_cast %get3A_316 : i32 to index
      %get3A_318 = arith.constant 48 : index
      %get3A_319 = tpu.vector_load %arg7[%get3A_317, %get3A_318] {strides = array<i32>} : memref<40x128xi32, #tpu.memory_space<vmem>>, vector<1x16xi32>,
      %get3A_320 = vector.shape_cast %get3A_319 : vector<1x16xi32> to vector<16xi32>
      %swap3A_321 = arith.constant 48 : index
      %swap3A_322 = tpu.vector_load %arg8[%swap3A_321] {strides = array<i32>} : memref<128xi32, #tpu.memory_space<vmem>>, vector<16xi32>,
      %swap3A_323 = vector.shape_cast %swap3A_322 : vector<16xi32> to vector<16xi32>
      %swap3A_324 = vector.shape_cast %get3A_320 : vector<16xi32> to vector<16xi32>
      tpu.vector_store %arg8[%swap3A_321], %swap3A_324 {strides = array<i32>} : memref<128xi32, #tpu.memory_space<vmem>>, vector<16xi32>,
      %get3A_325 = arith.constant 38 : i32
      %get3A_326 = arith.index_cast %get3A_325 : i32 to index
      %get3A_327 = arith.constant 64 : index
      %get3A_328 = tpu.vector_load %arg7[%get3A_326, %get3A_327] {strides = array<i32>} : memref<40x128xi32, #tpu.memory_space<vmem>>, vector<1x16xi32>,
      %get3A_329 = vector.shape_cast %get3A_328 : vector<1x16xi32> to vector<16xi32>
      %swap3A_330 = arith.constant 64 : index
      %swap3A_331 = tpu.vector_load %arg8[%swap3A_330] {strides = array<i32>} : memref<128xi32, #tpu.memory_space<vmem>>, vector<16xi32>,
      %swap3A_332 = vector.shape_cast %swap3A_331 : vector<16xi32> to vector<16xi32>
      %swap3A_333 = vector.shape_cast %get3A_329 : vector<16xi32> to vector<16xi32>
      tpu.vector_store %arg8[%swap3A_330], %swap3A_333 {strides = array<i32>} : memref<128xi32, #tpu.memory_space<vmem>>, vector<16xi32>,
      %get3A_334 = arith.constant 38 : i32
      %get3A_335 = arith.index_cast %get3A_334 : i32 to index
      %get3A_336 = arith.constant 80 : index
      %get3A_337 = tpu.vector_load %arg7[%get3A_335, %get3A_336] {strides = array<i32>} : memref<40x128xi32, #tpu.memory_space<vmem>>, vector<1x16xi32>,
      %get3A_338 = vector.shape_cast %get3A_337 : vector<1x16xi32> to vector<16xi32>
      %swap3A_339 = arith.constant 80 : index
      %swap3A_340 = tpu.vector_load %arg8[%swap3A_339] {strides = array<i32>} : memref<128xi32, #tpu.memory_space<vmem>>, vector<16xi32>,
      %swap3A_341 = vector.shape_cast %swap3A_340 : vector<16xi32> to vector<16xi32>
      %swap3A_342 = vector.shape_cast %get3A_338 : vector<16xi32> to vector<16xi32>
      tpu.vector_store %arg8[%swap3A_339], %swap3A_342 {strides = array<i32>} : memref<128xi32, #tpu.memory_space<vmem>>, vector<16xi32>,
      %get3A_343 = arith.constant 38 : i32
      %get3A_344 = arith.index_cast %get3A_343 : i32 to index
      %get3A_345 = arith.constant 96 : index
      %get3A_346 = tpu.vector_load %arg7[%get3A_344, %get3A_345] {strides = array<i32>} : memref<40x128xi32, #tpu.memory_space<vmem>>, vector<1x16xi32>,
      %get3A_347 = vector.shape_cast %get3A_346 : vector<1x16xi32> to vector<16xi32>
      %swap3A_348 = arith.constant 96 : index
      %swap3A_349 = tpu.vector_load %arg8[%swap3A_348] {strides = array<i32>} : memref<128xi32, #tpu.memory_space<vmem>>, vector<16xi32>,
      %swap3A_350 = vector.shape_cast %swap3A_349 : vector<16xi32> to vector<16xi32>
      %swap3A_351 = vector.shape_cast %get3A_347 : vector<16xi32> to vector<16xi32>
      tpu.vector_store %arg8[%swap3A_348], %swap3A_351 {strides = array<i32>} : memref<128xi32, #tpu.memory_space<vmem>>, vector<16xi32>,
      %get3A_352 = arith.constant 38 : i32
      %get3A_353 = arith.index_cast %get3A_352 : i32 to index
      %get3A_354 = arith.constant 112 : index
      %get3A_355 = tpu.vector_load %arg7[%get3A_353, %get3A_354] {strides = array<i32>} : memref<40x128xi32, #tpu.memory_space<vmem>>, vector<1x16xi32>,
      %get3A_356 = vector.shape_cast %get3A_355 : vector<1x16xi32> to vector<16xi32>
      %swap3A_357 = arith.constant 112 : index
      %swap3A_358 = tpu.vector_load %arg8[%swap3A_357] {strides = array<i32>} : memref<128xi32, #tpu.memory_space<vmem>>, vector<16xi32>,
      %swap3A_359 = vector.shape_cast %swap3A_358 : vector<16xi32> to vector<16xi32>
      %swap3A_360 = vector.shape_cast %get3A_356 : vector<16xi32> to vector<16xi32>
      tpu.vector_store %arg8[%swap3A_357], %swap3A_360 {strides = array<i32>} : memref<128xi32, #tpu.memory_space<vmem>>, vector<16xi32>,
      "tpu.region"() ({
        %run_scoped3A = tpu.sem_alloc : memref<!tpu.dma_semaphore, #tpu.memory_space<semaphore_mem>>
        %dma_start3A_439 = arith.constant 0 : i32
        %dma_start3A_440 = arith.constant 0 : i32
        %dma_start3A_441 = tpu.memref_slice %arg11[%dma_start3A_439, %dma_start3A_440] : memref<10112x128xf32, #tpu.memory_space<vmem_shared>> -> memref<10112x128xf32, #tpu.memory_space<vmem_shared>>
        tpu.enqueue_indirect_dma source(%arg9 : memref<128x128xf32, #tpu.memory_space<vmem>>) target(%dma_start3A_441 : memref<10112x128xf32, #tpu.memory_space<vmem_shared>>) offsets(%arg8 : memref<128xi32, #tpu.memory_space<vmem>>) semaphore(%run_scoped3A : memref<!tpu.dma_semaphore, #tpu.memory_space<semaphore_mem>>) {add = true}
        %dma_wait3A_442 = arith.constant 0 : i32
        %dma_wait3A_443 = arith.constant 0 : i32
        %dma_wait3A_444 = tpu.memref_slice %arg11[%dma_wait3A_442, %dma_wait3A_443] : memref<10112x128xf32, #tpu.memory_space<vmem_shared>> -> memref<10112x128xf32, #tpu.memory_space<vmem_shared>>
        tpu.wait_indirect_dma semaphore(%run_scoped3A : memref<!tpu.dma_semaphore, #tpu.memory_space<semaphore_mem>>) src(%arg9 : memref<128x128xf32, #tpu.memory_space<vmem>>) dst(%dma_wait3A_444 : memref<10112x128xf32, #tpu.memory_space<vmem_shared>>)
        tpu.yield
      }) : () -> ()
      %dma_wait3A_361 = arith.constant 0 : i32
      %dma_wait3A_362 = arith.constant 0 : i32
      %dma_wait3A_363 = tpu.memref_slice %arg4[%dma_wait3A_361, %dma_wait3A_362] : memref<10000x128xf32, #tpu.memory_space<hbm>> -> memref<128x128xf32, #tpu.memory_space<hbm>>
      %dma_wait3A_364 = arith.constant 0 : i32
      %dma_wait3A_365 = arith.constant 0 : i32
      %dma_wait3A_366 = tpu.memref_slice %arg4[%dma_wait3A_364, %dma_wait3A_365] : memref<10000x128xf32, #tpu.memory_space<hbm>> -> memref<128x128xf32, #tpu.memory_space<hbm>>
      tpu.wait_dma2 semaphore(%arg13 : memref<!tpu.dma_semaphore, #tpu.memory_space<semaphore_mem>>) src(%dma_wait3A_366 : memref<128x128xf32, #tpu.memory_space<hbm>>) dst(%arg10 : memref<128x128xf32, #tpu.memory_space<vmem>>)
      %get3A_367 = arith.constant 39 : i32
      %get3A_368 = arith.index_cast %get3A_367 : i32 to index
      %get3A_369 = arith.constant 0 : index
      %get3A_370 = tpu.vector_load %arg7[%get3A_368, %get3A_369] {strides = array<i32>} : memref<40x128xi32, #tpu.memory_space<vmem>>, vector<1x16xi32>,
      %get3A_371 = vector.shape_cast %get3A_370 : vector<1x16xi32> to vector<16xi32>
      %swap3A_372 = arith.constant 0 : index
      %swap3A_373 = tpu.vector_load %arg8[%swap3A_372] {strides = array<i32>} : memref<128xi32, #tpu.memory_space<vmem>>, vector<16xi32>,
      %swap3A_374 = vector.shape_cast %swap3A_373 : vector<16xi32> to vector<16xi32>
      %swap3A_375 = vector.shape_cast %get3A_371 : vector<16xi32> to vector<16xi32>
      tpu.vector_store %arg8[%swap3A_372], %swap3A_375 {strides = array<i32>} : memref<128xi32, #tpu.memory_space<vmem>>, vector<16xi32>,
      %get3A_376 = arith.constant 39 : i32
      %get3A_377 = arith.index_cast %get3A_376 : i32 to index
      %get3A_378 = arith.constant 16 : index
      %get3A_379 = tpu.vector_load %arg7[%get3A_377, %get3A_378] {strides = array<i32>} : memref<40x128xi32, #tpu.memory_space<vmem>>, vector<1x16xi32>,
      %get3A_380 = vector.shape_cast %get3A_379 : vector<1x16xi32> to vector<16xi32>
      %swap3A_381 = arith.constant 16 : index
      %swap3A_382 = tpu.vector_load %arg8[%swap3A_381] {strides = array<i32>} : memref<128xi32, #tpu.memory_space<vmem>>, vector<16xi32>,
      %swap3A_383 = vector.shape_cast %swap3A_382 : vector<16xi32> to vector<16xi32>
      %swap3A_384 = vector.shape_cast %get3A_380 : vector<16xi32> to vector<16xi32>
      tpu.vector_store %arg8[%swap3A_381], %swap3A_384 {strides = array<i32>} : memref<128xi32, #tpu.memory_space<vmem>>, vector<16xi32>,
      %get3A_385 = arith.constant 39 : i32
      %get3A_386 = arith.index_cast %get3A_385 : i32 to index
      %get3A_387 = arith.constant 32 : index
      %get3A_388 = tpu.vector_load %arg7[%get3A_386, %get3A_387] {strides = array<i32>} : memref<40x128xi32, #tpu.memory_space<vmem>>, vector<1x16xi32>,
      %get3A_389 = vector.shape_cast %get3A_388 : vector<1x16xi32> to vector<16xi32>
      %swap3A_390 = arith.constant 32 : index
      %swap3A_391 = tpu.vector_load %arg8[%swap3A_390] {strides = array<i32>} : memref<128xi32, #tpu.memory_space<vmem>>, vector<16xi32>,
      %swap3A_392 = vector.shape_cast %swap3A_391 : vector<16xi32> to vector<16xi32>
      %swap3A_393 = vector.shape_cast %get3A_389 : vector<16xi32> to vector<16xi32>
      tpu.vector_store %arg8[%swap3A_390], %swap3A_393 {strides = array<i32>} : memref<128xi32, #tpu.memory_space<vmem>>, vector<16xi32>,
      %get3A_394 = arith.constant 39 : i32
      %get3A_395 = arith.index_cast %get3A_394 : i32 to index
      %get3A_396 = arith.constant 48 : index
      %get3A_397 = tpu.vector_load %arg7[%get3A_395, %get3A_396] {strides = array<i32>} : memref<40x128xi32, #tpu.memory_space<vmem>>, vector<1x16xi32>,
      %get3A_398 = vector.shape_cast %get3A_397 : vector<1x16xi32> to vector<16xi32>
      %swap3A_399 = arith.constant 48 : index
      %swap3A_400 = tpu.vector_load %arg8[%swap3A_399] {strides = array<i32>} : memref<128xi32, #tpu.memory_space<vmem>>, vector<16xi32>,
      %swap3A_401 = vector.shape_cast %swap3A_400 : vector<16xi32> to vector<16xi32>
      %swap3A_402 = vector.shape_cast %get3A_398 : vector<16xi32> to vector<16xi32>
      tpu.vector_store %arg8[%swap3A_399], %swap3A_402 {strides = array<i32>} : memref<128xi32, #tpu.memory_space<vmem>>, vector<16xi32>,
      %get3A_403 = arith.constant 39 : i32
      %get3A_404 = arith.index_cast %get3A_403 : i32 to index
      %get3A_405 = arith.constant 64 : index
      %get3A_406 = tpu.vector_load %arg7[%get3A_404, %get3A_405] {strides = array<i32>} : memref<40x128xi32, #tpu.memory_space<vmem>>, vector<1x16xi32>,
      %get3A_407 = vector.shape_cast %get3A_406 : vector<1x16xi32> to vector<16xi32>
      %swap3A_408 = arith.constant 64 : index
      %swap3A_409 = tpu.vector_load %arg8[%swap3A_408] {strides = array<i32>} : memref<128xi32, #tpu.memory_space<vmem>>, vector<16xi32>,
      %swap3A_410 = vector.shape_cast %swap3A_409 : vector<16xi32> to vector<16xi32>
      %swap3A_411 = vector.shape_cast %get3A_407 : vector<16xi32> to vector<16xi32>
      tpu.vector_store %arg8[%swap3A_408], %swap3A_411 {strides = array<i32>} : memref<128xi32, #tpu.memory_space<vmem>>, vector<16xi32>,
      %get3A_412 = arith.constant 39 : i32
      %get3A_413 = arith.index_cast %get3A_412 : i32 to index
      %get3A_414 = arith.constant 80 : index
      %get3A_415 = tpu.vector_load %arg7[%get3A_413, %get3A_414] {strides = array<i32>} : memref<40x128xi32, #tpu.memory_space<vmem>>, vector<1x16xi32>,
      %get3A_416 = vector.shape_cast %get3A_415 : vector<1x16xi32> to vector<16xi32>
      %swap3A_417 = arith.constant 80 : index
      %swap3A_418 = tpu.vector_load %arg8[%swap3A_417] {strides = array<i32>} : memref<128xi32, #tpu.memory_space<vmem>>, vector<16xi32>,
      %swap3A_419 = vector.shape_cast %swap3A_418 : vector<16xi32> to vector<16xi32>
      %swap3A_420 = vector.shape_cast %get3A_416 : vector<16xi32> to vector<16xi32>
      tpu.vector_store %arg8[%swap3A_417], %swap3A_420 {strides = array<i32>} : memref<128xi32, #tpu.memory_space<vmem>>, vector<16xi32>,
      %get3A_421 = arith.constant 39 : i32
      %get3A_422 = arith.index_cast %get3A_421 : i32 to index
      %get3A_423 = arith.constant 96 : index
      %get3A_424 = tpu.vector_load %arg7[%get3A_422, %get3A_423] {strides = array<i32>} : memref<40x128xi32, #tpu.memory_space<vmem>>, vector<1x16xi32>,
      %get3A_425 = vector.shape_cast %get3A_424 : vector<1x16xi32> to vector<16xi32>
      %swap3A_426 = arith.constant 96 : index
      %swap3A_427 = tpu.vector_load %arg8[%swap3A_426] {strides = array<i32>} : memref<128xi32, #tpu.memory_space<vmem>>, vector<16xi32>,
      %swap3A_428 = vector.shape_cast %swap3A_427 : vector<16xi32> to vector<16xi32>
      %swap3A_429 = vector.shape_cast %get3A_425 : vector<16xi32> to vector<16xi32>
      tpu.vector_store %arg8[%swap3A_426], %swap3A_429 {strides = array<i32>} : memref<128xi32, #tpu.memory_space<vmem>>, vector<16xi32>,
      %get3A_430 = arith.constant 39 : i32
      %get3A_431 = arith.index_cast %get3A_430 : i32 to index
      %get3A_432 = arith.constant 112 : index
      %get3A_433 = tpu.vector_load %arg7[%get3A_431, %get3A_432] {strides = array<i32>} : memref<40x128xi32, #tpu.memory_space<vmem>>, vector<1x16xi32>,
      %get3A_434 = vector.shape_cast %get3A_433 : vector<1x16xi32> to vector<16xi32>
      %swap3A_435 = arith.constant 112 : index
      %swap3A_436 = tpu.vector_load %arg8[%swap3A_435] {strides = array<i32>} : memref<128xi32, #tpu.memory_space<vmem>>, vector<16xi32>,
      %swap3A_437 = vector.shape_cast %swap3A_436 : vector<16xi32> to vector<16xi32>
      %swap3A_438 = vector.shape_cast %get3A_434 : vector<16xi32> to vector<16xi32>
      tpu.vector_store %arg8[%swap3A_435], %swap3A_438 {strides = array<i32>} : memref<128xi32, #tpu.memory_space<vmem>>, vector<16xi32>,
      "tpu.region"() ({
        %run_scoped3A = tpu.sem_alloc : memref<!tpu.dma_semaphore, #tpu.memory_space<semaphore_mem>>
        %dma_start3A_439 = arith.constant 0 : i32
        %dma_start3A_440 = arith.constant 0 : i32
        %dma_start3A_441 = tpu.memref_slice %arg11[%dma_start3A_439, %dma_start3A_440] : memref<10112x128xf32, #tpu.memory_space<vmem_shared>> -> memref<10112x128xf32, #tpu.memory_space<vmem_shared>>
        tpu.enqueue_indirect_dma source(%arg10 : memref<128x128xf32, #tpu.memory_space<vmem>>) target(%dma_start3A_441 : memref<10112x128xf32, #tpu.memory_space<vmem_shared>>) offsets(%arg8 : memref<128xi32, #tpu.memory_space<vmem>>) semaphore(%run_scoped3A : memref<!tpu.dma_semaphore, #tpu.memory_space<semaphore_mem>>) {add = true}
        %dma_wait3A_442 = arith.constant 0 : i32
        %dma_wait3A_443 = arith.constant 0 : i32
        %dma_wait3A_444 = tpu.memref_slice %arg11[%dma_wait3A_442, %dma_wait3A_443] : memref<10112x128xf32, #tpu.memory_space<vmem_shared>> -> memref<10112x128xf32, #tpu.memory_space<vmem_shared>>
        tpu.wait_indirect_dma semaphore(%run_scoped3A : memref<!tpu.dma_semaphore, #tpu.memory_space<semaphore_mem>>) src(%arg10 : memref<128x128xf32, #tpu.memory_space<vmem>>) dst(%dma_wait3A_444 : memref<10112x128xf32, #tpu.memory_space<vmem_shared>>)
        tpu.yield
      }) : () -> ()
    } else {
    }
    %eq3A_37 = arith.constant 1 : i32
    %eq3A_38 = arith.cmpi eq, %arg0, %eq3A_37 : i32
    %convert_element_type3A_39 = arith.extui %eq3A_38 : i1 to i32
    %cond3A_40 = arith.constant 0 : i32
    %cond3A_41 = arith.cmpi ne, %convert_element_type3A_39, %cond3A_40 : i32
    scf.if %cond3A_41 {
      %mul3A = arith.constant 80 : i32
      %mul3A_83 = arith.muli %arg1, %mul3A : i32
      %add3A_84 = arith.constant 1280 : i32
      %add3A_85 = arith.addi %add3A_84, %mul3A_83 : i32
      %add3A_86 = arith.constant 0 : i32
      %add3A_87 = arith.addi %add3A_85, %add3A_86 : i32
      %multiple_of3A = tpu.assume_multiple %add3A_87, 8 : i32
      "tpu.region"() ({
        %run_scoped3A = tpu.sem_alloc : memref<!tpu.dma_semaphore, #tpu.memory_space<semaphore_mem>>
        %dma_start3A_443 = arith.constant 0 : i32
        %dma_start3A_444 = tpu.memref_slice %arg2[%multiple_of3A, %dma_start3A_443] : memref<2560x128xi32, #tpu.memory_space<hbm>> -> memref<40x128xi32, #tpu.memory_space<hbm>>
        %dma_start3A_445 = arith.constant 0 : i32
        %dma_start3A_446 = tpu.memref_slice %arg2[%multiple_of3A, %dma_start3A_445] : memref<2560x128xi32, #tpu.memory_space<hbm>> -> memref<40x128xi32, #tpu.memory_space<hbm>>
        tpu.enqueue_dma source(%dma_start3A_446 : memref<40x128xi32, #tpu.memory_space<hbm>>) target(%arg6 : memref<40x128xi32, #tpu.memory_space<vmem>>) target_semaphore(%run_scoped3A : memref<!tpu.dma_semaphore, #tpu.memory_space<semaphore_mem>>)
        %dma_wait3A_447 = arith.constant 0 : i32
        %dma_wait3A_448 = tpu.memref_slice %arg2[%multiple_of3A, %dma_wait3A_447] : memref<2560x128xi32, #tpu.memory_space<hbm>> -> memref<40x128xi32, #tpu.memory_space<hbm>>
        %dma_wait3A_449 = arith.constant 0 : i32
        %dma_wait3A_450 = tpu.memref_slice %arg2[%multiple_of3A, %dma_wait3A_449] : memref<2560x128xi32, #tpu.memory_space<hbm>> -> memref<40x128xi32, #tpu.memory_space<hbm>>
        tpu.wait_dma2 semaphore(%run_scoped3A : memref<!tpu.dma_semaphore, #tpu.memory_space<semaphore_mem>>) src(%dma_wait3A_450 : memref<40x128xi32, #tpu.memory_space<hbm>>) dst(%arg6 : memref<40x128xi32, #tpu.memory_space<vmem>>)
        tpu.yield
      }) : () -> ()
      "tpu.region"() ({
        %run_scoped3A = tpu.sem_alloc : memref<!tpu.dma_semaphore, #tpu.memory_space<semaphore_mem>>
        %dma_start3A_443 = arith.constant 0 : i32
        %dma_start3A_444 = tpu.memref_slice %arg3[%multiple_of3A, %dma_start3A_443] : memref<2560x128xi32, #tpu.memory_space<hbm>> -> memref<40x128xi32, #tpu.memory_space<hbm>>
        %dma_start3A_445 = arith.constant 0 : i32
        %dma_start3A_446 = tpu.memref_slice %arg3[%multiple_of3A, %dma_start3A_445] : memref<2560x128xi32, #tpu.memory_space<hbm>> -> memref<40x128xi32, #tpu.memory_space<hbm>>
        tpu.enqueue_dma source(%dma_start3A_446 : memref<40x128xi32, #tpu.memory_space<hbm>>) target(%arg7 : memref<40x128xi32, #tpu.memory_space<vmem>>) target_semaphore(%run_scoped3A : memref<!tpu.dma_semaphore, #tpu.memory_space<semaphore_mem>>)
        %dma_wait3A_447 = arith.constant 0 : i32
        %dma_wait3A_448 = tpu.memref_slice %arg3[%multiple_of3A, %dma_wait3A_447] : memref<2560x128xi32, #tpu.memory_space<hbm>> -> memref<40x128xi32, #tpu.memory_space<hbm>>
        %dma_wait3A_449 = arith.constant 0 : i32
        %dma_wait3A_450 = tpu.memref_slice %arg3[%multiple_of3A, %dma_wait3A_449] : memref<2560x128xi32, #tpu.memory_space<hbm>> -> memref<40x128xi32, #tpu.memory_space<hbm>>
        tpu.wait_dma2 semaphore(%run_scoped3A : memref<!tpu.dma_semaphore, #tpu.memory_space<semaphore_mem>>) src(%dma_wait3A_450 : memref<40x128xi32, #tpu.memory_space<hbm>>) dst(%arg7 : memref<40x128xi32, #tpu.memory_space<vmem>>)
        tpu.yield
      }) : () -> ()
      %dma_start3A = arith.constant 0 : i32
      %dma_start3A_88 = arith.constant 0 : i32
      %dma_start3A_89 = tpu.memref_slice %arg6[%dma_start3A, %dma_start3A_88] : memref<40x128xi32, #tpu.memory_space<vmem>> -> memref<1x128xi32, #tpu.memory_space<vmem>>
      %dma_start3A_90 = tpu.memref_squeeze %dma_start3A_89 : memref<1x128xi32, #tpu.memory_space<vmem>> -> memref<128xi32, #tpu.memory_space<vmem>>
      %dma_start3A_91 = arith.constant 0 : i32
      %dma_start3A_92 = arith.constant 0 : i32
      %dma_start3A_93 = tpu.memref_slice %arg4[%dma_start3A_91, %dma_start3A_92] : memref<10000x128xf32, #tpu.memory_space<hbm>> -> memref<10000x128xf32, #tpu.memory_space<hbm>>
      tpu.enqueue_indirect_dma source(%dma_start3A_93 : memref<10000x128xf32, #tpu.memory_space<hbm>>) target(%arg9 : memref<128x128xf32, #tpu.memory_space<vmem>>) offsets(%dma_start3A_90 : memref<128xi32, #tpu.memory_space<vmem>>) semaphore(%arg12 : memref<!tpu.dma_semaphore, #tpu.memory_space<semaphore_mem>>)
      %dma_start3A_94 = arith.constant 1 : i32
      %dma_start3A_95 = arith.constant 0 : i32
      %dma_start3A_96 = tpu.memref_slice %arg6[%dma_start3A_94, %dma_start3A_95] : memref<40x128xi32, #tpu.memory_space<vmem>> -> memref<1x128xi32, #tpu.memory_space<vmem>>
      %dma_start3A_97 = tpu.memref_squeeze %dma_start3A_96 : memref<1x128xi32, #tpu.memory_space<vmem>> -> memref<128xi32, #tpu.memory_space<vmem>>
      %dma_start3A_98 = arith.constant 0 : i32
      %dma_start3A_99 = arith.constant 0 : i32
      %dma_start3A_100 = tpu.memref_slice %arg4[%dma_start3A_98, %dma_start3A_99] : memref<10000x128xf32, #tpu.memory_space<hbm>> -> memref<10000x128xf32, #tpu.memory_space<hbm>>
      tpu.enqueue_indirect_dma source(%dma_start3A_100 : memref<10000x128xf32, #tpu.memory_space<hbm>>) target(%arg10 : memref<128x128xf32, #tpu.memory_space<vmem>>) offsets(%dma_start3A_97 : memref<128xi32, #tpu.memory_space<vmem>>) semaphore(%arg13 : memref<!tpu.dma_semaphore, #tpu.memory_space<semaphore_mem>>)
      %scan3A_101 = arith.constant 0 : i32
      %scan3A_102 = arith.constant 0 : i32
      %scan3A_103 = arith.constant 19 : i32
      %scan3A_104 = arith.addi %scan3A_102, %scan3A_103 : i32
      %scan3A_105 = arith.constant 1 : i32
      scf.for %scan3A_443 = %scan3A_102 to %scan3A_104 step %scan3A_105  : i32 {
        %mul3A_444 = arith.constant 2 : i32
        %mul3A_445 = arith.muli %mul3A_444, %scan3A_443 : i32
        %dma_wait3A_446 = arith.constant 0 : i32
        %dma_wait3A_447 = arith.constant 0 : i32
        %dma_wait3A_448 = tpu.memref_slice %arg4[%dma_wait3A_446, %dma_wait3A_447] : memref<10000x128xf32, #tpu.memory_space<hbm>> -> memref<128x128xf32, #tpu.memory_space<hbm>>
        %dma_wait3A_449 = arith.constant 0 : i32
        %dma_wait3A_450 = arith.constant 0 : i32
        %dma_wait3A_451 = tpu.memref_slice %arg4[%dma_wait3A_449, %dma_wait3A_450] : memref<10000x128xf32, #tpu.memory_space<hbm>> -> memref<128x128xf32, #tpu.memory_space<hbm>>
        tpu.wait_dma2 semaphore(%arg12 : memref<!tpu.dma_semaphore, #tpu.memory_space<semaphore_mem>>) src(%dma_wait3A_451 : memref<128x128xf32, #tpu.memory_space<hbm>>) dst(%arg9 : memref<128x128xf32, #tpu.memory_space<vmem>>)
        %get3A_452 = arith.index_cast %mul3A_445 : i32 to index
        %get3A_453 = arith.constant 0 : index
        %get3A_454 = tpu.vector_load %arg7[%get3A_452, %get3A_453] {strides = array<i32>} : memref<40x128xi32, #tpu.memory_space<vmem>>, vector<1x16xi32>,
        %get3A_455 = vector.shape_cast %get3A_454 : vector<1x16xi32> to vector<16xi32>
        %swap3A_456 = arith.constant 0 : index
        %swap3A_457 = tpu.vector_load %arg8[%swap3A_456] {strides = array<i32>} : memref<128xi32, #tpu.memory_space<vmem>>, vector<16xi32>,
        %swap3A_458 = vector.shape_cast %swap3A_457 : vector<16xi32> to vector<16xi32>
        %swap3A_459 = vector.shape_cast %get3A_455 : vector<16xi32> to vector<16xi32>
        tpu.vector_store %arg8[%swap3A_456], %swap3A_459 {strides = array<i32>} : memref<128xi32, #tpu.memory_space<vmem>>, vector<16xi32>,
        %get3A_460 = arith.index_cast %mul3A_445 : i32 to index
        %get3A_461 = arith.constant 16 : index
        %get3A_462 = tpu.vector_load %arg7[%get3A_460, %get3A_461] {strides = array<i32>} : memref<40x128xi32, #tpu.memory_space<vmem>>, vector<1x16xi32>,
        %get3A_463 = vector.shape_cast %get3A_462 : vector<1x16xi32> to vector<16xi32>
        %swap3A_464 = arith.constant 16 : index
        %swap3A_465 = tpu.vector_load %arg8[%swap3A_464] {strides = array<i32>} : memref<128xi32, #tpu.memory_space<vmem>>, vector<16xi32>,
        %swap3A_466 = vector.shape_cast %swap3A_465 : vector<16xi32> to vector<16xi32>
        %swap3A_467 = vector.shape_cast %get3A_463 : vector<16xi32> to vector<16xi32>
        tpu.vector_store %arg8[%swap3A_464], %swap3A_467 {strides = array<i32>} : memref<128xi32, #tpu.memory_space<vmem>>, vector<16xi32>,
        %get3A_468 = arith.index_cast %mul3A_445 : i32 to index
        %get3A_469 = arith.constant 32 : index
        %get3A_470 = tpu.vector_load %arg7[%get3A_468, %get3A_469] {strides = array<i32>} : memref<40x128xi32, #tpu.memory_space<vmem>>, vector<1x16xi32>,
        %get3A_471 = vector.shape_cast %get3A_470 : vector<1x16xi32> to vector<16xi32>
        %swap3A_472 = arith.constant 32 : index
        %swap3A_473 = tpu.vector_load %arg8[%swap3A_472] {strides = array<i32>} : memref<128xi32, #tpu.memory_space<vmem>>, vector<16xi32>,
        %swap3A_474 = vector.shape_cast %swap3A_473 : vector<16xi32> to vector<16xi32>
        %swap3A_475 = vector.shape_cast %get3A_471 : vector<16xi32> to vector<16xi32>
        tpu.vector_store %arg8[%swap3A_472], %swap3A_475 {strides = array<i32>} : memref<128xi32, #tpu.memory_space<vmem>>, vector<16xi32>,
        %get3A_476 = arith.index_cast %mul3A_445 : i32 to index
        %get3A_477 = arith.constant 48 : index
        %get3A_478 = tpu.vector_load %arg7[%get3A_476, %get3A_477] {strides = array<i32>} : memref<40x128xi32, #tpu.memory_space<vmem>>, vector<1x16xi32>,
        %get3A_479 = vector.shape_cast %get3A_478 : vector<1x16xi32> to vector<16xi32>
        %swap3A_480 = arith.constant 48 : index
        %swap3A_481 = tpu.vector_load %arg8[%swap3A_480] {strides = array<i32>} : memref<128xi32, #tpu.memory_space<vmem>>, vector<16xi32>,
        %swap3A_482 = vector.shape_cast %swap3A_481 : vector<16xi32> to vector<16xi32>
        %swap3A_483 = vector.shape_cast %get3A_479 : vector<16xi32> to vector<16xi32>
        tpu.vector_store %arg8[%swap3A_480], %swap3A_483 {strides = array<i32>} : memref<128xi32, #tpu.memory_space<vmem>>, vector<16xi32>,
        %get3A_484 = arith.index_cast %mul3A_445 : i32 to index
        %get3A_485 = arith.constant 64 : index
        %get3A_486 = tpu.vector_load %arg7[%get3A_484, %get3A_485] {strides = array<i32>} : memref<40x128xi32, #tpu.memory_space<vmem>>, vector<1x16xi32>,
        %get3A_487 = vector.shape_cast %get3A_486 : vector<1x16xi32> to vector<16xi32>
        %swap3A_488 = arith.constant 64 : index
        %swap3A_489 = tpu.vector_load %arg8[%swap3A_488] {strides = array<i32>} : memref<128xi32, #tpu.memory_space<vmem>>, vector<16xi32>,
        %swap3A_490 = vector.shape_cast %swap3A_489 : vector<16xi32> to vector<16xi32>
        %swap3A_491 = vector.shape_cast %get3A_487 : vector<16xi32> to vector<16xi32>
        tpu.vector_store %arg8[%swap3A_488], %swap3A_491 {strides = array<i32>} : memref<128xi32, #tpu.memory_space<vmem>>, vector<16xi32>,
        %get3A_492 = arith.index_cast %mul3A_445 : i32 to index
        %get3A_493 = arith.constant 80 : index
        %get3A_494 = tpu.vector_load %arg7[%get3A_492, %get3A_493] {strides = array<i32>} : memref<40x128xi32, #tpu.memory_space<vmem>>, vector<1x16xi32>,
        %get3A_495 = vector.shape_cast %get3A_494 : vector<1x16xi32> to vector<16xi32>
        %swap3A_496 = arith.constant 80 : index
        %swap3A_497 = tpu.vector_load %arg8[%swap3A_496] {strides = array<i32>} : memref<128xi32, #tpu.memory_space<vmem>>, vector<16xi32>,
        %swap3A_498 = vector.shape_cast %swap3A_497 : vector<16xi32> to vector<16xi32>
        %swap3A_499 = vector.shape_cast %get3A_495 : vector<16xi32> to vector<16xi32>
        tpu.vector_store %arg8[%swap3A_496], %swap3A_499 {strides = array<i32>} : memref<128xi32, #tpu.memory_space<vmem>>, vector<16xi32>,
        %get3A_500 = arith.index_cast %mul3A_445 : i32 to index
        %get3A_501 = arith.constant 96 : index
        %get3A_502 = tpu.vector_load %arg7[%get3A_500, %get3A_501] {strides = array<i32>} : memref<40x128xi32, #tpu.memory_space<vmem>>, vector<1x16xi32>,
        %get3A_503 = vector.shape_cast %get3A_502 : vector<1x16xi32> to vector<16xi32>
        %swap3A_504 = arith.constant 96 : index
        %swap3A_505 = tpu.vector_load %arg8[%swap3A_504] {strides = array<i32>} : memref<128xi32, #tpu.memory_space<vmem>>, vector<16xi32>,
        %swap3A_506 = vector.shape_cast %swap3A_505 : vector<16xi32> to vector<16xi32>
        %swap3A_507 = vector.shape_cast %get3A_503 : vector<16xi32> to vector<16xi32>
        tpu.vector_store %arg8[%swap3A_504], %swap3A_507 {strides = array<i32>} : memref<128xi32, #tpu.memory_space<vmem>>, vector<16xi32>,
        %get3A_508 = arith.index_cast %mul3A_445 : i32 to index
        %get3A_509 = arith.constant 112 : index
        %get3A_510 = tpu.vector_load %arg7[%get3A_508, %get3A_509] {strides = array<i32>} : memref<40x128xi32, #tpu.memory_space<vmem>>, vector<1x16xi32>,
        %get3A_511 = vector.shape_cast %get3A_510 : vector<1x16xi32> to vector<16xi32>
        %swap3A_512 = arith.constant 112 : index
        %swap3A_513 = tpu.vector_load %arg8[%swap3A_512] {strides = array<i32>} : memref<128xi32, #tpu.memory_space<vmem>>, vector<16xi32>,
        %swap3A_514 = vector.shape_cast %swap3A_513 : vector<16xi32> to vector<16xi32>
        %swap3A_515 = vector.shape_cast %get3A_511 : vector<16xi32> to vector<16xi32>
        tpu.vector_store %arg8[%swap3A_512], %swap3A_515 {strides = array<i32>} : memref<128xi32, #tpu.memory_space<vmem>>, vector<16xi32>,
        "tpu.region"() ({
          %run_scoped3A = tpu.sem_alloc : memref<!tpu.dma_semaphore, #tpu.memory_space<semaphore_mem>>
          %dma_start3A_604 = arith.constant 0 : i32
          %dma_start3A_605 = arith.constant 0 : i32
          %dma_start3A_606 = tpu.memref_slice %arg11[%dma_start3A_604, %dma_start3A_605] : memref<10112x128xf32, #tpu.memory_space<vmem_shared>> -> memref<10112x128xf32, #tpu.memory_space<vmem_shared>>
          tpu.enqueue_indirect_dma source(%arg9 : memref<128x128xf32, #tpu.memory_space<vmem>>) target(%dma_start3A_606 : memref<10112x128xf32, #tpu.memory_space<vmem_shared>>) offsets(%arg8 : memref<128xi32, #tpu.memory_space<vmem>>) semaphore(%run_scoped3A : memref<!tpu.dma_semaphore, #tpu.memory_space<semaphore_mem>>) {add = true}
          %dma_wait3A_607 = arith.constant 0 : i32
          %dma_wait3A_608 = arith.constant 0 : i32
          %dma_wait3A_609 = tpu.memref_slice %arg11[%dma_wait3A_607, %dma_wait3A_608] : memref<10112x128xf32, #tpu.memory_space<vmem_shared>> -> memref<10112x128xf32, #tpu.memory_space<vmem_shared>>
          tpu.wait_indirect_dma semaphore(%run_scoped3A : memref<!tpu.dma_semaphore, #tpu.memory_space<semaphore_mem>>) src(%arg9 : memref<128x128xf32, #tpu.memory_space<vmem>>) dst(%dma_wait3A_609 : memref<10112x128xf32, #tpu.memory_space<vmem_shared>>)
          tpu.yield
        }) : () -> ()
        %add3A_516 = arith.constant 2 : i32
        %add3A_517 = arith.addi %mul3A_445, %add3A_516 : i32
        %dma_start3A_518 = arith.constant 0 : i32
        %dma_start3A_519 = tpu.memref_slice %arg6[%add3A_517, %dma_start3A_518] : memref<40x128xi32, #tpu.memory_space<vmem>> -> memref<1x128xi32, #tpu.memory_space<vmem>>
        %dma_start3A_520 = tpu.memref_squeeze %dma_start3A_519 : memref<1x128xi32, #tpu.memory_space<vmem>> -> memref<128xi32, #tpu.memory_space<vmem>>
        %dma_start3A_521 = arith.constant 0 : i32
        %dma_start3A_522 = arith.constant 0 : i32
        %dma_start3A_523 = tpu.memref_slice %arg4[%dma_start3A_521, %dma_start3A_522] : memref<10000x128xf32, #tpu.memory_space<hbm>> -> memref<10000x128xf32, #tpu.memory_space<hbm>>
        tpu.enqueue_indirect_dma source(%dma_start3A_523 : memref<10000x128xf32, #tpu.memory_space<hbm>>) target(%arg9 : memref<128x128xf32, #tpu.memory_space<vmem>>) offsets(%dma_start3A_520 : memref<128xi32, #tpu.memory_space<vmem>>) semaphore(%arg12 : memref<!tpu.dma_semaphore, #tpu.memory_space<semaphore_mem>>)
        %dma_wait3A_524 = arith.constant 0 : i32
        %dma_wait3A_525 = arith.constant 0 : i32
        %dma_wait3A_526 = tpu.memref_slice %arg4[%dma_wait3A_524, %dma_wait3A_525] : memref<10000x128xf32, #tpu.memory_space<hbm>> -> memref<128x128xf32, #tpu.memory_space<hbm>>
        %dma_wait3A_527 = arith.constant 0 : i32
        %dma_wait3A_528 = arith.constant 0 : i32
        %dma_wait3A_529 = tpu.memref_slice %arg4[%dma_wait3A_527, %dma_wait3A_528] : memref<10000x128xf32, #tpu.memory_space<hbm>> -> memref<128x128xf32, #tpu.memory_space<hbm>>
        tpu.wait_dma2 semaphore(%arg13 : memref<!tpu.dma_semaphore, #tpu.memory_space<semaphore_mem>>) src(%dma_wait3A_529 : memref<128x128xf32, #tpu.memory_space<hbm>>) dst(%arg10 : memref<128x128xf32, #tpu.memory_space<vmem>>)
        %add3A_530 = arith.constant 1 : i32
        %add3A_531 = arith.addi %mul3A_445, %add3A_530 : i32
        %get3A_532 = arith.index_cast %add3A_531 : i32 to index
        %get3A_533 = arith.constant 0 : index
        %get3A_534 = tpu.vector_load %arg7[%get3A_532, %get3A_533] {strides = array<i32>} : memref<40x128xi32, #tpu.memory_space<vmem>>, vector<1x16xi32>,
        %get3A_535 = vector.shape_cast %get3A_534 : vector<1x16xi32> to vector<16xi32>
        %swap3A_536 = arith.constant 0 : index
        %swap3A_537 = tpu.vector_load %arg8[%swap3A_536] {strides = array<i32>} : memref<128xi32, #tpu.memory_space<vmem>>, vector<16xi32>,
        %swap3A_538 = vector.shape_cast %swap3A_537 : vector<16xi32> to vector<16xi32>
        %swap3A_539 = vector.shape_cast %get3A_535 : vector<16xi32> to vector<16xi32>
        tpu.vector_store %arg8[%swap3A_536], %swap3A_539 {strides = array<i32>} : memref<128xi32, #tpu.memory_space<vmem>>, vector<16xi32>,
        %get3A_540 = arith.index_cast %add3A_531 : i32 to index
        %get3A_541 = arith.constant 16 : index
        %get3A_542 = tpu.vector_load %arg7[%get3A_540, %get3A_541] {strides = array<i32>} : memref<40x128xi32, #tpu.memory_space<vmem>>, vector<1x16xi32>,
        %get3A_543 = vector.shape_cast %get3A_542 : vector<1x16xi32> to vector<16xi32>
        %swap3A_544 = arith.constant 16 : index
        %swap3A_545 = tpu.vector_load %arg8[%swap3A_544] {strides = array<i32>} : memref<128xi32, #tpu.memory_space<vmem>>, vector<16xi32>,
        %swap3A_546 = vector.shape_cast %swap3A_545 : vector<16xi32> to vector<16xi32>
        %swap3A_547 = vector.shape_cast %get3A_543 : vector<16xi32> to vector<16xi32>
        tpu.vector_store %arg8[%swap3A_544], %swap3A_547 {strides = array<i32>} : memref<128xi32, #tpu.memory_space<vmem>>, vector<16xi32>,
        %get3A_548 = arith.index_cast %add3A_531 : i32 to index
        %get3A_549 = arith.constant 32 : index
        %get3A_550 = tpu.vector_load %arg7[%get3A_548, %get3A_549] {strides = array<i32>} : memref<40x128xi32, #tpu.memory_space<vmem>>, vector<1x16xi32>,
        %get3A_551 = vector.shape_cast %get3A_550 : vector<1x16xi32> to vector<16xi32>
        %swap3A_552 = arith.constant 32 : index
        %swap3A_553 = tpu.vector_load %arg8[%swap3A_552] {strides = array<i32>} : memref<128xi32, #tpu.memory_space<vmem>>, vector<16xi32>,
        %swap3A_554 = vector.shape_cast %swap3A_553 : vector<16xi32> to vector<16xi32>
        %swap3A_555 = vector.shape_cast %get3A_551 : vector<16xi32> to vector<16xi32>
        tpu.vector_store %arg8[%swap3A_552], %swap3A_555 {strides = array<i32>} : memref<128xi32, #tpu.memory_space<vmem>>, vector<16xi32>,
        %get3A_556 = arith.index_cast %add3A_531 : i32 to index
        %get3A_557 = arith.constant 48 : index
        %get3A_558 = tpu.vector_load %arg7[%get3A_556, %get3A_557] {strides = array<i32>} : memref<40x128xi32, #tpu.memory_space<vmem>>, vector<1x16xi32>,
        %get3A_559 = vector.shape_cast %get3A_558 : vector<1x16xi32> to vector<16xi32>
        %swap3A_560 = arith.constant 48 : index
        %swap3A_561 = tpu.vector_load %arg8[%swap3A_560] {strides = array<i32>} : memref<128xi32, #tpu.memory_space<vmem>>, vector<16xi32>,
        %swap3A_562 = vector.shape_cast %swap3A_561 : vector<16xi32> to vector<16xi32>
        %swap3A_563 = vector.shape_cast %get3A_559 : vector<16xi32> to vector<16xi32>
        tpu.vector_store %arg8[%swap3A_560], %swap3A_563 {strides = array<i32>} : memref<128xi32, #tpu.memory_space<vmem>>, vector<16xi32>,
        %get3A_564 = arith.index_cast %add3A_531 : i32 to index
        %get3A_565 = arith.constant 64 : index
        %get3A_566 = tpu.vector_load %arg7[%get3A_564, %get3A_565] {strides = array<i32>} : memref<40x128xi32, #tpu.memory_space<vmem>>, vector<1x16xi32>,
        %get3A_567 = vector.shape_cast %get3A_566 : vector<1x16xi32> to vector<16xi32>
        %swap3A_568 = arith.constant 64 : index
        %swap3A_569 = tpu.vector_load %arg8[%swap3A_568] {strides = array<i32>} : memref<128xi32, #tpu.memory_space<vmem>>, vector<16xi32>,
        %swap3A_570 = vector.shape_cast %swap3A_569 : vector<16xi32> to vector<16xi32>
        %swap3A_571 = vector.shape_cast %get3A_567 : vector<16xi32> to vector<16xi32>
        tpu.vector_store %arg8[%swap3A_568], %swap3A_571 {strides = array<i32>} : memref<128xi32, #tpu.memory_space<vmem>>, vector<16xi32>,
        %get3A_572 = arith.index_cast %add3A_531 : i32 to index
        %get3A_573 = arith.constant 80 : index
        %get3A_574 = tpu.vector_load %arg7[%get3A_572, %get3A_573] {strides = array<i32>} : memref<40x128xi32, #tpu.memory_space<vmem>>, vector<1x16xi32>,
        %get3A_575 = vector.shape_cast %get3A_574 : vector<1x16xi32> to vector<16xi32>
        %swap3A_576 = arith.constant 80 : index
        %swap3A_577 = tpu.vector_load %arg8[%swap3A_576] {strides = array<i32>} : memref<128xi32, #tpu.memory_space<vmem>>, vector<16xi32>,
        %swap3A_578 = vector.shape_cast %swap3A_577 : vector<16xi32> to vector<16xi32>
        %swap3A_579 = vector.shape_cast %get3A_575 : vector<16xi32> to vector<16xi32>
        tpu.vector_store %arg8[%swap3A_576], %swap3A_579 {strides = array<i32>} : memref<128xi32, #tpu.memory_space<vmem>>, vector<16xi32>,
        %get3A_580 = arith.index_cast %add3A_531 : i32 to index
        %get3A_581 = arith.constant 96 : index
        %get3A_582 = tpu.vector_load %arg7[%get3A_580, %get3A_581] {strides = array<i32>} : memref<40x128xi32, #tpu.memory_space<vmem>>, vector<1x16xi32>,
        %get3A_583 = vector.shape_cast %get3A_582 : vector<1x16xi32> to vector<16xi32>
        %swap3A_584 = arith.constant 96 : index
        %swap3A_585 = tpu.vector_load %arg8[%swap3A_584] {strides = array<i32>} : memref<128xi32, #tpu.memory_space<vmem>>, vector<16xi32>,
        %swap3A_586 = vector.shape_cast %swap3A_585 : vector<16xi32> to vector<16xi32>
        %swap3A_587 = vector.shape_cast %get3A_583 : vector<16xi32> to vector<16xi32>
        tpu.vector_store %arg8[%swap3A_584], %swap3A_587 {strides = array<i32>} : memref<128xi32, #tpu.memory_space<vmem>>, vector<16xi32>,
        %get3A_588 = arith.index_cast %add3A_531 : i32 to index
        %get3A_589 = arith.constant 112 : index
        %get3A_590 = tpu.vector_load %arg7[%get3A_588, %get3A_589] {strides = array<i32>} : memref<40x128xi32, #tpu.memory_space<vmem>>, vector<1x16xi32>,
        %get3A_591 = vector.shape_cast %get3A_590 : vector<1x16xi32> to vector<16xi32>
        %swap3A_592 = arith.constant 112 : index
        %swap3A_593 = tpu.vector_load %arg8[%swap3A_592] {strides = array<i32>} : memref<128xi32, #tpu.memory_space<vmem>>, vector<16xi32>,
        %swap3A_594 = vector.shape_cast %swap3A_593 : vector<16xi32> to vector<16xi32>
        %swap3A_595 = vector.shape_cast %get3A_591 : vector<16xi32> to vector<16xi32>
        tpu.vector_store %arg8[%swap3A_592], %swap3A_595 {strides = array<i32>} : memref<128xi32, #tpu.memory_space<vmem>>, vector<16xi32>,
        "tpu.region"() ({
          %run_scoped3A = tpu.sem_alloc : memref<!tpu.dma_semaphore, #tpu.memory_space<semaphore_mem>>
          %dma_start3A_604 = arith.constant 0 : i32
          %dma_start3A_605 = arith.constant 0 : i32
          %dma_start3A_606 = tpu.memref_slice %arg11[%dma_start3A_604, %dma_start3A_605] : memref<10112x128xf32, #tpu.memory_space<vmem_shared>> -> memref<10112x128xf32, #tpu.memory_space<vmem_shared>>
          tpu.enqueue_indirect_dma source(%arg10 : memref<128x128xf32, #tpu.memory_space<vmem>>) target(%dma_start3A_606 : memref<10112x128xf32, #tpu.memory_space<vmem_shared>>) offsets(%arg8 : memref<128xi32, #tpu.memory_space<vmem>>) semaphore(%run_scoped3A : memref<!tpu.dma_semaphore, #tpu.memory_space<semaphore_mem>>) {add = true}
          %dma_wait3A_607 = arith.constant 0 : i32
          %dma_wait3A_608 = arith.constant 0 : i32
          %dma_wait3A_609 = tpu.memref_slice %arg11[%dma_wait3A_607, %dma_wait3A_608] : memref<10112x128xf32, #tpu.memory_space<vmem_shared>> -> memref<10112x128xf32, #tpu.memory_space<vmem_shared>>
          tpu.wait_indirect_dma semaphore(%run_scoped3A : memref<!tpu.dma_semaphore, #tpu.memory_space<semaphore_mem>>) src(%arg10 : memref<128x128xf32, #tpu.memory_space<vmem>>) dst(%dma_wait3A_609 : memref<10112x128xf32, #tpu.memory_space<vmem_shared>>)
          tpu.yield
        }) : () -> ()
        %add3A_596 = arith.constant 3 : i32
        %add3A_597 = arith.addi %mul3A_445, %add3A_596 : i32
        %dma_start3A_598 = arith.constant 0 : i32
        %dma_start3A_599 = tpu.memref_slice %arg6[%add3A_597, %dma_start3A_598] : memref<40x128xi32, #tpu.memory_space<vmem>> -> memref<1x128xi32, #tpu.memory_space<vmem>>
        %dma_start3A_600 = tpu.memref_squeeze %dma_start3A_599 : memref<1x128xi32, #tpu.memory_space<vmem>> -> memref<128xi32, #tpu.memory_space<vmem>>
        %dma_start3A_601 = arith.constant 0 : i32
        %dma_start3A_602 = arith.constant 0 : i32
        %dma_start3A_603 = tpu.memref_slice %arg4[%dma_start3A_601, %dma_start3A_602] : memref<10000x128xf32, #tpu.memory_space<hbm>> -> memref<10000x128xf32, #tpu.memory_space<hbm>>
        tpu.enqueue_indirect_dma source(%dma_start3A_603 : memref<10000x128xf32, #tpu.memory_space<hbm>>) target(%arg10 : memref<128x128xf32, #tpu.memory_space<vmem>>) offsets(%dma_start3A_600 : memref<128xi32, #tpu.memory_space<vmem>>) semaphore(%arg13 : memref<!tpu.dma_semaphore, #tpu.memory_space<semaphore_mem>>)
      }
      %scan3A_106 = arith.constant 19 : i32
      %dma_wait3A = arith.constant 0 : i32
      %dma_wait3A_107 = arith.constant 0 : i32
      %dma_wait3A_108 = tpu.memref_slice %arg4[%dma_wait3A, %dma_wait3A_107] : memref<10000x128xf32, #tpu.memory_space<hbm>> -> memref<128x128xf32, #tpu.memory_space<hbm>>
      %dma_wait3A_109 = arith.constant 0 : i32
      %dma_wait3A_110 = arith.constant 0 : i32
      %dma_wait3A_111 = tpu.memref_slice %arg4[%dma_wait3A_109, %dma_wait3A_110] : memref<10000x128xf32, #tpu.memory_space<hbm>> -> memref<128x128xf32, #tpu.memory_space<hbm>>
      tpu.wait_dma2 semaphore(%arg12 : memref<!tpu.dma_semaphore, #tpu.memory_space<semaphore_mem>>) src(%dma_wait3A_111 : memref<128x128xf32, #tpu.memory_space<hbm>>) dst(%arg9 : memref<128x128xf32, #tpu.memory_space<vmem>>)
      %get3A = arith.constant 38 : i32
      %get3A_112 = arith.index_cast %get3A : i32 to index
      %get3A_113 = arith.constant 0 : index
      %get3A_114 = tpu.vector_load %arg7[%get3A_112, %get3A_113] {strides = array<i32>} : memref<40x128xi32, #tpu.memory_space<vmem>>, vector<1x16xi32>,
      %get3A_115 = vector.shape_cast %get3A_114 : vector<1x16xi32> to vector<16xi32>
      %swap3A = arith.constant 0 : index
      %swap3A_116 = tpu.vector_load %arg8[%swap3A] {strides = array<i32>} : memref<128xi32, #tpu.memory_space<vmem>>, vector<16xi32>,
      %swap3A_117 = vector.shape_cast %swap3A_116 : vector<16xi32> to vector<16xi32>
      %swap3A_118 = vector.shape_cast %get3A_115 : vector<16xi32> to vector<16xi32>
      tpu.vector_store %arg8[%swap3A], %swap3A_118 {strides = array<i32>} : memref<128xi32, #tpu.memory_space<vmem>>, vector<16xi32>,
      %get3A_119 = arith.constant 38 : i32
      %get3A_120 = arith.index_cast %get3A_119 : i32 to index
      %get3A_121 = arith.constant 16 : index
      %get3A_122 = tpu.vector_load %arg7[%get3A_120, %get3A_121] {strides = array<i32>} : memref<40x128xi32, #tpu.memory_space<vmem>>, vector<1x16xi32>,
      %get3A_123 = vector.shape_cast %get3A_122 : vector<1x16xi32> to vector<16xi32>
      %swap3A_124 = arith.constant 16 : index
      %swap3A_125 = tpu.vector_load %arg8[%swap3A_124] {strides = array<i32>} : memref<128xi32, #tpu.memory_space<vmem>>, vector<16xi32>,
      %swap3A_126 = vector.shape_cast %swap3A_125 : vector<16xi32> to vector<16xi32>
      %swap3A_127 = vector.shape_cast %get3A_123 : vector<16xi32> to vector<16xi32>
      tpu.vector_store %arg8[%swap3A_124], %swap3A_127 {strides = array<i32>} : memref<128xi32, #tpu.memory_space<vmem>>, vector<16xi32>,
      %get3A_128 = arith.constant 38 : i32
      %get3A_129 = arith.index_cast %get3A_128 : i32 to index
      %get3A_130 = arith.constant 32 : index
      %get3A_131 = tpu.vector_load %arg7[%get3A_129, %get3A_130] {strides = array<i32>} : memref<40x128xi32, #tpu.memory_space<vmem>>, vector<1x16xi32>,
      %get3A_132 = vector.shape_cast %get3A_131 : vector<1x16xi32> to vector<16xi32>
      %swap3A_133 = arith.constant 32 : index
      %swap3A_134 = tpu.vector_load %arg8[%swap3A_133] {strides = array<i32>} : memref<128xi32, #tpu.memory_space<vmem>>, vector<16xi32>,
      %swap3A_135 = vector.shape_cast %swap3A_134 : vector<16xi32> to vector<16xi32>
      %swap3A_136 = vector.shape_cast %get3A_132 : vector<16xi32> to vector<16xi32>
      tpu.vector_store %arg8[%swap3A_133], %swap3A_136 {strides = array<i32>} : memref<128xi32, #tpu.memory_space<vmem>>, vector<16xi32>,
      %get3A_137 = arith.constant 38 : i32
      %get3A_138 = arith.index_cast %get3A_137 : i32 to index
      %get3A_139 = arith.constant 48 : index
      %get3A_140 = tpu.vector_load %arg7[%get3A_138, %get3A_139] {strides = array<i32>} : memref<40x128xi32, #tpu.memory_space<vmem>>, vector<1x16xi32>,
      %get3A_141 = vector.shape_cast %get3A_140 : vector<1x16xi32> to vector<16xi32>
      %swap3A_142 = arith.constant 48 : index
      %swap3A_143 = tpu.vector_load %arg8[%swap3A_142] {strides = array<i32>} : memref<128xi32, #tpu.memory_space<vmem>>, vector<16xi32>,
      %swap3A_144 = vector.shape_cast %swap3A_143 : vector<16xi32> to vector<16xi32>
      %swap3A_145 = vector.shape_cast %get3A_141 : vector<16xi32> to vector<16xi32>
      tpu.vector_store %arg8[%swap3A_142], %swap3A_145 {strides = array<i32>} : memref<128xi32, #tpu.memory_space<vmem>>, vector<16xi32>,
      %get3A_146 = arith.constant 38 : i32
      %get3A_147 = arith.index_cast %get3A_146 : i32 to index
      %get3A_148 = arith.constant 64 : index
      %get3A_149 = tpu.vector_load %arg7[%get3A_147, %get3A_148] {strides = array<i32>} : memref<40x128xi32, #tpu.memory_space<vmem>>, vector<1x16xi32>,
      %get3A_150 = vector.shape_cast %get3A_149 : vector<1x16xi32> to vector<16xi32>
      %swap3A_151 = arith.constant 64 : index
      %swap3A_152 = tpu.vector_load %arg8[%swap3A_151] {strides = array<i32>} : memref<128xi32, #tpu.memory_space<vmem>>, vector<16xi32>,
      %swap3A_153 = vector.shape_cast %swap3A_152 : vector<16xi32> to vector<16xi32>
      %swap3A_154 = vector.shape_cast %get3A_150 : vector<16xi32> to vector<16xi32>
      tpu.vector_store %arg8[%swap3A_151], %swap3A_154 {strides = array<i32>} : memref<128xi32, #tpu.memory_space<vmem>>, vector<16xi32>,
      %get3A_155 = arith.constant 38 : i32
      %get3A_156 = arith.index_cast %get3A_155 : i32 to index
      %get3A_157 = arith.constant 80 : index
      %get3A_158 = tpu.vector_load %arg7[%get3A_156, %get3A_157] {strides = array<i32>} : memref<40x128xi32, #tpu.memory_space<vmem>>, vector<1x16xi32>,
      %get3A_159 = vector.shape_cast %get3A_158 : vector<1x16xi32> to vector<16xi32>
      %swap3A_160 = arith.constant 80 : index
      %swap3A_161 = tpu.vector_load %arg8[%swap3A_160] {strides = array<i32>} : memref<128xi32, #tpu.memory_space<vmem>>, vector<16xi32>,
      %swap3A_162 = vector.shape_cast %swap3A_161 : vector<16xi32> to vector<16xi32>
      %swap3A_163 = vector.shape_cast %get3A_159 : vector<16xi32> to vector<16xi32>
      tpu.vector_store %arg8[%swap3A_160], %swap3A_163 {strides = array<i32>} : memref<128xi32, #tpu.memory_space<vmem>>, vector<16xi32>,
      %get3A_164 = arith.constant 38 : i32
      %get3A_165 = arith.index_cast %get3A_164 : i32 to index
      %get3A_166 = arith.constant 96 : index
      %get3A_167 = tpu.vector_load %arg7[%get3A_165, %get3A_166] {strides = array<i32>} : memref<40x128xi32, #tpu.memory_space<vmem>>, vector<1x16xi32>,
      %get3A_168 = vector.shape_cast %get3A_167 : vector<1x16xi32> to vector<16xi32>
      %swap3A_169 = arith.constant 96 : index
      %swap3A_170 = tpu.vector_load %arg8[%swap3A_169] {strides = array<i32>} : memref<128xi32, #tpu.memory_space<vmem>>, vector<16xi32>,
      %swap3A_171 = vector.shape_cast %swap3A_170 : vector<16xi32> to vector<16xi32>
      %swap3A_172 = vector.shape_cast %get3A_168 : vector<16xi32> to vector<16xi32>
      tpu.vector_store %arg8[%swap3A_169], %swap3A_172 {strides = array<i32>} : memref<128xi32, #tpu.memory_space<vmem>>, vector<16xi32>,
      %get3A_173 = arith.constant 38 : i32
      %get3A_174 = arith.index_cast %get3A_173 : i32 to index
      %get3A_175 = arith.constant 112 : index
      %get3A_176 = tpu.vector_load %arg7[%get3A_174, %get3A_175] {strides = array<i32>} : memref<40x128xi32, #tpu.memory_space<vmem>>, vector<1x16xi32>,
      %get3A_177 = vector.shape_cast %get3A_176 : vector<1x16xi32> to vector<16xi32>
      %swap3A_178 = arith.constant 112 : index
      %swap3A_179 = tpu.vector_load %arg8[%swap3A_178] {strides = array<i32>} : memref<128xi32, #tpu.memory_space<vmem>>, vector<16xi32>,
      %swap3A_180 = vector.shape_cast %swap3A_179 : vector<16xi32> to vector<16xi32>
      %swap3A_181 = vector.shape_cast %get3A_177 : vector<16xi32> to vector<16xi32>
      tpu.vector_store %arg8[%swap3A_178], %swap3A_181 {strides = array<i32>} : memref<128xi32, #tpu.memory_space<vmem>>, vector<16xi32>,
      "tpu.region"() ({
        %run_scoped3A = tpu.sem_alloc : memref<!tpu.dma_semaphore, #tpu.memory_space<semaphore_mem>>
        %dma_start3A_443 = arith.constant 0 : i32
        %dma_start3A_444 = arith.constant 0 : i32
        %dma_start3A_445 = tpu.memref_slice %arg11[%dma_start3A_443, %dma_start3A_444] : memref<10112x128xf32, #tpu.memory_space<vmem_shared>> -> memref<10112x128xf32, #tpu.memory_space<vmem_shared>>
        tpu.enqueue_indirect_dma source(%arg9 : memref<128x128xf32, #tpu.memory_space<vmem>>) target(%dma_start3A_445 : memref<10112x128xf32, #tpu.memory_space<vmem_shared>>) offsets(%arg8 : memref<128xi32, #tpu.memory_space<vmem>>) semaphore(%run_scoped3A : memref<!tpu.dma_semaphore, #tpu.memory_space<semaphore_mem>>) {add = true}
        %dma_wait3A_446 = arith.constant 0 : i32
        %dma_wait3A_447 = arith.constant 0 : i32
        %dma_wait3A_448 = tpu.memref_slice %arg11[%dma_wait3A_446, %dma_wait3A_447] : memref<10112x128xf32, #tpu.memory_space<vmem_shared>> -> memref<10112x128xf32, #tpu.memory_space<vmem_shared>>
        tpu.wait_indirect_dma semaphore(%run_scoped3A : memref<!tpu.dma_semaphore, #tpu.memory_space<semaphore_mem>>) src(%arg9 : memref<128x128xf32, #tpu.memory_space<vmem>>) dst(%dma_wait3A_448 : memref<10112x128xf32, #tpu.memory_space<vmem_shared>>)
        tpu.yield
      }) : () -> ()
      %dma_wait3A_182 = arith.constant 0 : i32
      %dma_wait3A_183 = arith.constant 0 : i32
      %dma_wait3A_184 = tpu.memref_slice %arg4[%dma_wait3A_182, %dma_wait3A_183] : memref<10000x128xf32, #tpu.memory_space<hbm>> -> memref<128x128xf32, #tpu.memory_space<hbm>>
      %dma_wait3A_185 = arith.constant 0 : i32
      %dma_wait3A_186 = arith.constant 0 : i32
      %dma_wait3A_187 = tpu.memref_slice %arg4[%dma_wait3A_185, %dma_wait3A_186] : memref<10000x128xf32, #tpu.memory_space<hbm>> -> memref<128x128xf32, #tpu.memory_space<hbm>>
      tpu.wait_dma2 semaphore(%arg13 : memref<!tpu.dma_semaphore, #tpu.memory_space<semaphore_mem>>) src(%dma_wait3A_187 : memref<128x128xf32, #tpu.memory_space<hbm>>) dst(%arg10 : memref<128x128xf32, #tpu.memory_space<vmem>>)
      %get3A_188 = arith.constant 39 : i32
      %get3A_189 = arith.index_cast %get3A_188 : i32 to index
      %get3A_190 = arith.constant 0 : index
      %get3A_191 = tpu.vector_load %arg7[%get3A_189, %get3A_190] {strides = array<i32>} : memref<40x128xi32, #tpu.memory_space<vmem>>, vector<1x16xi32>,
      %get3A_192 = vector.shape_cast %get3A_191 : vector<1x16xi32> to vector<16xi32>
      %swap3A_193 = arith.constant 0 : index
      %swap3A_194 = tpu.vector_load %arg8[%swap3A_193] {strides = array<i32>} : memref<128xi32, #tpu.memory_space<vmem>>, vector<16xi32>,
      %swap3A_195 = vector.shape_cast %swap3A_194 : vector<16xi32> to vector<16xi32>
      %swap3A_196 = vector.shape_cast %get3A_192 : vector<16xi32> to vector<16xi32>
      tpu.vector_store %arg8[%swap3A_193], %swap3A_196 {strides = array<i32>} : memref<128xi32, #tpu.memory_space<vmem>>, vector<16xi32>,
      %get3A_197 = arith.constant 39 : i32
      %get3A_198 = arith.index_cast %get3A_197 : i32 to index
      %get3A_199 = arith.constant 16 : index
      %get3A_200 = tpu.vector_load %arg7[%get3A_198, %get3A_199] {strides = array<i32>} : memref<40x128xi32, #tpu.memory_space<vmem>>, vector<1x16xi32>,
      %get3A_201 = vector.shape_cast %get3A_200 : vector<1x16xi32> to vector<16xi32>
      %swap3A_202 = arith.constant 16 : index
      %swap3A_203 = tpu.vector_load %arg8[%swap3A_202] {strides = array<i32>} : memref<128xi32, #tpu.memory_space<vmem>>, vector<16xi32>,
      %swap3A_204 = vector.shape_cast %swap3A_203 : vector<16xi32> to vector<16xi32>
      %swap3A_205 = vector.shape_cast %get3A_201 : vector<16xi32> to vector<16xi32>
      tpu.vector_store %arg8[%swap3A_202], %swap3A_205 {strides = array<i32>} : memref<128xi32, #tpu.memory_space<vmem>>, vector<16xi32>,
      %get3A_206 = arith.constant 39 : i32
      %get3A_207 = arith.index_cast %get3A_206 : i32 to index
      %get3A_208 = arith.constant 32 : index
      %get3A_209 = tpu.vector_load %arg7[%get3A_207, %get3A_208] {strides = array<i32>} : memref<40x128xi32, #tpu.memory_space<vmem>>, vector<1x16xi32>,
      %get3A_210 = vector.shape_cast %get3A_209 : vector<1x16xi32> to vector<16xi32>
      %swap3A_211 = arith.constant 32 : index
      %swap3A_212 = tpu.vector_load %arg8[%swap3A_211] {strides = array<i32>} : memref<128xi32, #tpu.memory_space<vmem>>, vector<16xi32>,
      %swap3A_213 = vector.shape_cast %swap3A_212 : vector<16xi32> to vector<16xi32>
      %swap3A_214 = vector.shape_cast %get3A_210 : vector<16xi32> to vector<16xi32>
      tpu.vector_store %arg8[%swap3A_211], %swap3A_214 {strides = array<i32>} : memref<128xi32, #tpu.memory_space<vmem>>, vector<16xi32>,
      %get3A_215 = arith.constant 39 : i32
      %get3A_216 = arith.index_cast %get3A_215 : i32 to index
      %get3A_217 = arith.constant 48 : index
      %get3A_218 = tpu.vector_load %arg7[%get3A_216, %get3A_217] {strides = array<i32>} : memref<40x128xi32, #tpu.memory_space<vmem>>, vector<1x16xi32>,
      %get3A_219 = vector.shape_cast %get3A_218 : vector<1x16xi32> to vector<16xi32>
      %swap3A_220 = arith.constant 48 : index
      %swap3A_221 = tpu.vector_load %arg8[%swap3A_220] {strides = array<i32>} : memref<128xi32, #tpu.memory_space<vmem>>, vector<16xi32>,
      %swap3A_222 = vector.shape_cast %swap3A_221 : vector<16xi32> to vector<16xi32>
      %swap3A_223 = vector.shape_cast %get3A_219 : vector<16xi32> to vector<16xi32>
      tpu.vector_store %arg8[%swap3A_220], %swap3A_223 {strides = array<i32>} : memref<128xi32, #tpu.memory_space<vmem>>, vector<16xi32>,
      %get3A_224 = arith.constant 39 : i32
      %get3A_225 = arith.index_cast %get3A_224 : i32 to index
      %get3A_226 = arith.constant 64 : index
      %get3A_227 = tpu.vector_load %arg7[%get3A_225, %get3A_226] {strides = array<i32>} : memref<40x128xi32, #tpu.memory_space<vmem>>, vector<1x16xi32>,
      %get3A_228 = vector.shape_cast %get3A_227 : vector<1x16xi32> to vector<16xi32>
      %swap3A_229 = arith.constant 64 : index
      %swap3A_230 = tpu.vector_load %arg8[%swap3A_229] {strides = array<i32>} : memref<128xi32, #tpu.memory_space<vmem>>, vector<16xi32>,
      %swap3A_231 = vector.shape_cast %swap3A_230 : vector<16xi32> to vector<16xi32>
      %swap3A_232 = vector.shape_cast %get3A_228 : vector<16xi32> to vector<16xi32>
      tpu.vector_store %arg8[%swap3A_229], %swap3A_232 {strides = array<i32>} : memref<128xi32, #tpu.memory_space<vmem>>, vector<16xi32>,
      %get3A_233 = arith.constant 39 : i32
      %get3A_234 = arith.index_cast %get3A_233 : i32 to index
      %get3A_235 = arith.constant 80 : index
      %get3A_236 = tpu.vector_load %arg7[%get3A_234, %get3A_235] {strides = array<i32>} : memref<40x128xi32, #tpu.memory_space<vmem>>, vector<1x16xi32>,
      %get3A_237 = vector.shape_cast %get3A_236 : vector<1x16xi32> to vector<16xi32>
      %swap3A_238 = arith.constant 80 : index
      %swap3A_239 = tpu.vector_load %arg8[%swap3A_238] {strides = array<i32>} : memref<128xi32, #tpu.memory_space<vmem>>, vector<16xi32>,
      %swap3A_240 = vector.shape_cast %swap3A_239 : vector<16xi32> to vector<16xi32>
      %swap3A_241 = vector.shape_cast %get3A_237 : vector<16xi32> to vector<16xi32>
      tpu.vector_store %arg8[%swap3A_238], %swap3A_241 {strides = array<i32>} : memref<128xi32, #tpu.memory_space<vmem>>, vector<16xi32>,
      %get3A_242 = arith.constant 39 : i32
      %get3A_243 = arith.index_cast %get3A_242 : i32 to index
      %get3A_244 = arith.constant 96 : index
      %get3A_245 = tpu.vector_load %arg7[%get3A_243, %get3A_244] {strides = array<i32>} : memref<40x128xi32, #tpu.memory_space<vmem>>, vector<1x16xi32>,
      %get3A_246 = vector.shape_cast %get3A_245 : vector<1x16xi32> to vector<16xi32>
      %swap3A_247 = arith.constant 96 : index
      %swap3A_248 = tpu.vector_load %arg8[%swap3A_247] {strides = array<i32>} : memref<128xi32, #tpu.memory_space<vmem>>, vector<16xi32>,
      %swap3A_249 = vector.shape_cast %swap3A_248 : vector<16xi32> to vector<16xi32>
      %swap3A_250 = vector.shape_cast %get3A_246 : vector<16xi32> to vector<16xi32>
      tpu.vector_store %arg8[%swap3A_247], %swap3A_250 {strides = array<i32>} : memref<128xi32, #tpu.memory_space<vmem>>, vector<16xi32>,
      %get3A_251 = arith.constant 39 : i32
      %get3A_252 = arith.index_cast %get3A_251 : i32 to index
      %get3A_253 = arith.constant 112 : index
      %get3A_254 = tpu.vector_load %arg7[%get3A_252, %get3A_253] {strides = array<i32>} : memref<40x128xi32, #tpu.memory_space<vmem>>, vector<1x16xi32>,
      %get3A_255 = vector.shape_cast %get3A_254 : vector<1x16xi32> to vector<16xi32>
      %swap3A_256 = arith.constant 112 : index
      %swap3A_257 = tpu.vector_load %arg8[%swap3A_256] {strides = array<i32>} : memref<128xi32, #tpu.memory_space<vmem>>, vector<16xi32>,
      %swap3A_258 = vector.shape_cast %swap3A_257 : vector<16xi32> to vector<16xi32>
      %swap3A_259 = vector.shape_cast %get3A_255 : vector<16xi32> to vector<16xi32>
      tpu.vector_store %arg8[%swap3A_256], %swap3A_259 {strides = array<i32>} : memref<128xi32, #tpu.memory_space<vmem>>, vector<16xi32>,
      "tpu.region"() ({
        %run_scoped3A = tpu.sem_alloc : memref<!tpu.dma_semaphore, #tpu.memory_space<semaphore_mem>>
        %dma_start3A_443 = arith.constant 0 : i32
        %dma_start3A_444 = arith.constant 0 : i32
        %dma_start3A_445 = tpu.memref_slice %arg11[%dma_start3A_443, %dma_start3A_444] : memref<10112x128xf32, #tpu.memory_space<vmem_shared>> -> memref<10112x128xf32, #tpu.memory_space<vmem_shared>>
        tpu.enqueue_indirect_dma source(%arg10 : memref<128x128xf32, #tpu.memory_space<vmem>>) target(%dma_start3A_445 : memref<10112x128xf32, #tpu.memory_space<vmem_shared>>) offsets(%arg8 : memref<128xi32, #tpu.memory_space<vmem>>) semaphore(%run_scoped3A : memref<!tpu.dma_semaphore, #tpu.memory_space<semaphore_mem>>) {add = true}
        %dma_wait3A_446 = arith.constant 0 : i32
        %dma_wait3A_447 = arith.constant 0 : i32
        %dma_wait3A_448 = tpu.memref_slice %arg11[%dma_wait3A_446, %dma_wait3A_447] : memref<10112x128xf32, #tpu.memory_space<vmem_shared>> -> memref<10112x128xf32, #tpu.memory_space<vmem_shared>>
        tpu.wait_indirect_dma semaphore(%run_scoped3A : memref<!tpu.dma_semaphore, #tpu.memory_space<semaphore_mem>>) src(%arg10 : memref<128x128xf32, #tpu.memory_space<vmem>>) dst(%dma_wait3A_448 : memref<10112x128xf32, #tpu.memory_space<vmem_shared>>)
        tpu.yield
      }) : () -> ()
      %mul3A_260 = arith.constant 80 : i32
      %mul3A_261 = arith.muli %arg1, %mul3A_260 : i32
      %add3A_262 = arith.constant 1280 : i32
      %add3A_263 = arith.addi %add3A_262, %mul3A_261 : i32
      %add3A_264 = arith.constant 40 : i32
      %add3A_265 = arith.addi %add3A_263, %add3A_264 : i32
      %multiple_of3A_266 = tpu.assume_multiple %add3A_265, 8 : i32
      "tpu.region"() ({
        %run_scoped3A = tpu.sem_alloc : memref<!tpu.dma_semaphore, #tpu.memory_space<semaphore_mem>>
        %dma_start3A_443 = arith.constant 0 : i32
        %dma_start3A_444 = tpu.memref_slice %arg2[%multiple_of3A_266, %dma_start3A_443] : memref<2560x128xi32, #tpu.memory_space<hbm>> -> memref<40x128xi32, #tpu.memory_space<hbm>>
        %dma_start3A_445 = arith.constant 0 : i32
        %dma_start3A_446 = tpu.memref_slice %arg2[%multiple_of3A_266, %dma_start3A_445] : memref<2560x128xi32, #tpu.memory_space<hbm>> -> memref<40x128xi32, #tpu.memory_space<hbm>>
        tpu.enqueue_dma source(%dma_start3A_446 : memref<40x128xi32, #tpu.memory_space<hbm>>) target(%arg6 : memref<40x128xi32, #tpu.memory_space<vmem>>) target_semaphore(%run_scoped3A : memref<!tpu.dma_semaphore, #tpu.memory_space<semaphore_mem>>)
        %dma_wait3A_447 = arith.constant 0 : i32
        %dma_wait3A_448 = tpu.memref_slice %arg2[%multiple_of3A_266, %dma_wait3A_447] : memref<2560x128xi32, #tpu.memory_space<hbm>> -> memref<40x128xi32, #tpu.memory_space<hbm>>
        %dma_wait3A_449 = arith.constant 0 : i32
        %dma_wait3A_450 = tpu.memref_slice %arg2[%multiple_of3A_266, %dma_wait3A_449] : memref<2560x128xi32, #tpu.memory_space<hbm>> -> memref<40x128xi32, #tpu.memory_space<hbm>>
        tpu.wait_dma2 semaphore(%run_scoped3A : memref<!tpu.dma_semaphore, #tpu.memory_space<semaphore_mem>>) src(%dma_wait3A_450 : memref<40x128xi32, #tpu.memory_space<hbm>>) dst(%arg6 : memref<40x128xi32, #tpu.memory_space<vmem>>)
        tpu.yield
      }) : () -> ()
      "tpu.region"() ({
        %run_scoped3A = tpu.sem_alloc : memref<!tpu.dma_semaphore, #tpu.memory_space<semaphore_mem>>
        %dma_start3A_443 = arith.constant 0 : i32
        %dma_start3A_444 = tpu.memref_slice %arg3[%multiple_of3A_266, %dma_start3A_443] : memref<2560x128xi32, #tpu.memory_space<hbm>> -> memref<40x128xi32, #tpu.memory_space<hbm>>
        %dma_start3A_445 = arith.constant 0 : i32
        %dma_start3A_446 = tpu.memref_slice %arg3[%multiple_of3A_266, %dma_start3A_445] : memref<2560x128xi32, #tpu.memory_space<hbm>> -> memref<40x128xi32, #tpu.memory_space<hbm>>
        tpu.enqueue_dma source(%dma_start3A_446 : memref<40x128xi32, #tpu.memory_space<hbm>>) target(%arg7 : memref<40x128xi32, #tpu.memory_space<vmem>>) target_semaphore(%run_scoped3A : memref<!tpu.dma_semaphore, #tpu.memory_space<semaphore_mem>>)
        %dma_wait3A_447 = arith.constant 0 : i32
        %dma_wait3A_448 = tpu.memref_slice %arg3[%multiple_of3A_266, %dma_wait3A_447] : memref<2560x128xi32, #tpu.memory_space<hbm>> -> memref<40x128xi32, #tpu.memory_space<hbm>>
        %dma_wait3A_449 = arith.constant 0 : i32
        %dma_wait3A_450 = tpu.memref_slice %arg3[%multiple_of3A_266, %dma_wait3A_449] : memref<2560x128xi32, #tpu.memory_space<hbm>> -> memref<40x128xi32, #tpu.memory_space<hbm>>
        tpu.wait_dma2 semaphore(%run_scoped3A : memref<!tpu.dma_semaphore, #tpu.memory_space<semaphore_mem>>) src(%dma_wait3A_450 : memref<40x128xi32, #tpu.memory_space<hbm>>) dst(%arg7 : memref<40x128xi32, #tpu.memory_space<vmem>>)
        tpu.yield
      }) : () -> ()
      %dma_start3A_267 = arith.constant 0 : i32
      %dma_start3A_268 = arith.constant 0 : i32
      %dma_start3A_269 = tpu.memref_slice %arg6[%dma_start3A_267, %dma_start3A_268] : memref<40x128xi32, #tpu.memory_space<vmem>> -> memref<1x128xi32, #tpu.memory_space<vmem>>
      %dma_start3A_270 = tpu.memref_squeeze %dma_start3A_269 : memref<1x128xi32, #tpu.memory_space<vmem>> -> memref<128xi32, #tpu.memory_space<vmem>>
      %dma_start3A_271 = arith.constant 0 : i32
      %dma_start3A_272 = arith.constant 0 : i32
      %dma_start3A_273 = tpu.memref_slice %arg4[%dma_start3A_271, %dma_start3A_272] : memref<10000x128xf32, #tpu.memory_space<hbm>> -> memref<10000x128xf32, #tpu.memory_space<hbm>>
      tpu.enqueue_indirect_dma source(%dma_start3A_273 : memref<10000x128xf32, #tpu.memory_space<hbm>>) target(%arg9 : memref<128x128xf32, #tpu.memory_space<vmem>>) offsets(%dma_start3A_270 : memref<128xi32, #tpu.memory_space<vmem>>) semaphore(%arg12 : memref<!tpu.dma_semaphore, #tpu.memory_space<semaphore_mem>>)
      %dma_start3A_274 = arith.constant 1 : i32
      %dma_start3A_275 = arith.constant 0 : i32
      %dma_start3A_276 = tpu.memref_slice %arg6[%dma_start3A_274, %dma_start3A_275] : memref<40x128xi32, #tpu.memory_space<vmem>> -> memref<1x128xi32, #tpu.memory_space<vmem>>
      %dma_start3A_277 = tpu.memref_squeeze %dma_start3A_276 : memref<1x128xi32, #tpu.memory_space<vmem>> -> memref<128xi32, #tpu.memory_space<vmem>>
      %dma_start3A_278 = arith.constant 0 : i32
      %dma_start3A_279 = arith.constant 0 : i32
      %dma_start3A_280 = tpu.memref_slice %arg4[%dma_start3A_278, %dma_start3A_279] : memref<10000x128xf32, #tpu.memory_space<hbm>> -> memref<10000x128xf32, #tpu.memory_space<hbm>>
      tpu.enqueue_indirect_dma source(%dma_start3A_280 : memref<10000x128xf32, #tpu.memory_space<hbm>>) target(%arg10 : memref<128x128xf32, #tpu.memory_space<vmem>>) offsets(%dma_start3A_277 : memref<128xi32, #tpu.memory_space<vmem>>) semaphore(%arg13 : memref<!tpu.dma_semaphore, #tpu.memory_space<semaphore_mem>>)
      %scan3A_281 = arith.constant 0 : i32
      %scan3A_282 = arith.constant 0 : i32
      %scan3A_283 = arith.constant 19 : i32
      %scan3A_284 = arith.addi %scan3A_282, %scan3A_283 : i32
      %scan3A_285 = arith.constant 1 : i32
      scf.for %scan3A_443 = %scan3A_282 to %scan3A_284 step %scan3A_285  : i32 {
        %mul3A_444 = arith.constant 2 : i32
        %mul3A_445 = arith.muli %mul3A_444, %scan3A_443 : i32
        %dma_wait3A_446 = arith.constant 0 : i32
        %dma_wait3A_447 = arith.constant 0 : i32
        %dma_wait3A_448 = tpu.memref_slice %arg4[%dma_wait3A_446, %dma_wait3A_447] : memref<10000x128xf32, #tpu.memory_space<hbm>> -> memref<128x128xf32, #tpu.memory_space<hbm>>
        %dma_wait3A_449 = arith.constant 0 : i32
        %dma_wait3A_450 = arith.constant 0 : i32
        %dma_wait3A_451 = tpu.memref_slice %arg4[%dma_wait3A_449, %dma_wait3A_450] : memref<10000x128xf32, #tpu.memory_space<hbm>> -> memref<128x128xf32, #tpu.memory_space<hbm>>
        tpu.wait_dma2 semaphore(%arg12 : memref<!tpu.dma_semaphore, #tpu.memory_space<semaphore_mem>>) src(%dma_wait3A_451 : memref<128x128xf32, #tpu.memory_space<hbm>>) dst(%arg9 : memref<128x128xf32, #tpu.memory_space<vmem>>)
        %get3A_452 = arith.index_cast %mul3A_445 : i32 to index
        %get3A_453 = arith.constant 0 : index
        %get3A_454 = tpu.vector_load %arg7[%get3A_452, %get3A_453] {strides = array<i32>} : memref<40x128xi32, #tpu.memory_space<vmem>>, vector<1x16xi32>,
        %get3A_455 = vector.shape_cast %get3A_454 : vector<1x16xi32> to vector<16xi32>
        %swap3A_456 = arith.constant 0 : index
        %swap3A_457 = tpu.vector_load %arg8[%swap3A_456] {strides = array<i32>} : memref<128xi32, #tpu.memory_space<vmem>>, vector<16xi32>,
        %swap3A_458 = vector.shape_cast %swap3A_457 : vector<16xi32> to vector<16xi32>
        %swap3A_459 = vector.shape_cast %get3A_455 : vector<16xi32> to vector<16xi32>
        tpu.vector_store %arg8[%swap3A_456], %swap3A_459 {strides = array<i32>} : memref<128xi32, #tpu.memory_space<vmem>>, vector<16xi32>,
        %get3A_460 = arith.index_cast %mul3A_445 : i32 to index
        %get3A_461 = arith.constant 16 : index
        %get3A_462 = tpu.vector_load %arg7[%get3A_460, %get3A_461] {strides = array<i32>} : memref<40x128xi32, #tpu.memory_space<vmem>>, vector<1x16xi32>,
        %get3A_463 = vector.shape_cast %get3A_462 : vector<1x16xi32> to vector<16xi32>
        %swap3A_464 = arith.constant 16 : index
        %swap3A_465 = tpu.vector_load %arg8[%swap3A_464] {strides = array<i32>} : memref<128xi32, #tpu.memory_space<vmem>>, vector<16xi32>,
        %swap3A_466 = vector.shape_cast %swap3A_465 : vector<16xi32> to vector<16xi32>
        %swap3A_467 = vector.shape_cast %get3A_463 : vector<16xi32> to vector<16xi32>
        tpu.vector_store %arg8[%swap3A_464], %swap3A_467 {strides = array<i32>} : memref<128xi32, #tpu.memory_space<vmem>>, vector<16xi32>,
        %get3A_468 = arith.index_cast %mul3A_445 : i32 to index
        %get3A_469 = arith.constant 32 : index
        %get3A_470 = tpu.vector_load %arg7[%get3A_468, %get3A_469] {strides = array<i32>} : memref<40x128xi32, #tpu.memory_space<vmem>>, vector<1x16xi32>,
        %get3A_471 = vector.shape_cast %get3A_470 : vector<1x16xi32> to vector<16xi32>
        %swap3A_472 = arith.constant 32 : index
        %swap3A_473 = tpu.vector_load %arg8[%swap3A_472] {strides = array<i32>} : memref<128xi32, #tpu.memory_space<vmem>>, vector<16xi32>,
        %swap3A_474 = vector.shape_cast %swap3A_473 : vector<16xi32> to vector<16xi32>
        %swap3A_475 = vector.shape_cast %get3A_471 : vector<16xi32> to vector<16xi32>
        tpu.vector_store %arg8[%swap3A_472], %swap3A_475 {strides = array<i32>} : memref<128xi32, #tpu.memory_space<vmem>>, vector<16xi32>,
        %get3A_476 = arith.index_cast %mul3A_445 : i32 to index
        %get3A_477 = arith.constant 48 : index
        %get3A_478 = tpu.vector_load %arg7[%get3A_476, %get3A_477] {strides = array<i32>} : memref<40x128xi32, #tpu.memory_space<vmem>>, vector<1x16xi32>,
        %get3A_479 = vector.shape_cast %get3A_478 : vector<1x16xi32> to vector<16xi32>
        %swap3A_480 = arith.constant 48 : index
        %swap3A_481 = tpu.vector_load %arg8[%swap3A_480] {strides = array<i32>} : memref<128xi32, #tpu.memory_space<vmem>>, vector<16xi32>,
        %swap3A_482 = vector.shape_cast %swap3A_481 : vector<16xi32> to vector<16xi32>
        %swap3A_483 = vector.shape_cast %get3A_479 : vector<16xi32> to vector<16xi32>
        tpu.vector_store %arg8[%swap3A_480], %swap3A_483 {strides = array<i32>} : memref<128xi32, #tpu.memory_space<vmem>>, vector<16xi32>,
        %get3A_484 = arith.index_cast %mul3A_445 : i32 to index
        %get3A_485 = arith.constant 64 : index
        %get3A_486 = tpu.vector_load %arg7[%get3A_484, %get3A_485] {strides = array<i32>} : memref<40x128xi32, #tpu.memory_space<vmem>>, vector<1x16xi32>,
        %get3A_487 = vector.shape_cast %get3A_486 : vector<1x16xi32> to vector<16xi32>
        %swap3A_488 = arith.constant 64 : index
        %swap3A_489 = tpu.vector_load %arg8[%swap3A_488] {strides = array<i32>} : memref<128xi32, #tpu.memory_space<vmem>>, vector<16xi32>,
        %swap3A_490 = vector.shape_cast %swap3A_489 : vector<16xi32> to vector<16xi32>
        %swap3A_491 = vector.shape_cast %get3A_487 : vector<16xi32> to vector<16xi32>
        tpu.vector_store %arg8[%swap3A_488], %swap3A_491 {strides = array<i32>} : memref<128xi32, #tpu.memory_space<vmem>>, vector<16xi32>,
        %get3A_492 = arith.index_cast %mul3A_445 : i32 to index
        %get3A_493 = arith.constant 80 : index
        %get3A_494 = tpu.vector_load %arg7[%get3A_492, %get3A_493] {strides = array<i32>} : memref<40x128xi32, #tpu.memory_space<vmem>>, vector<1x16xi32>,
        %get3A_495 = vector.shape_cast %get3A_494 : vector<1x16xi32> to vector<16xi32>
        %swap3A_496 = arith.constant 80 : index
        %swap3A_497 = tpu.vector_load %arg8[%swap3A_496] {strides = array<i32>} : memref<128xi32, #tpu.memory_space<vmem>>, vector<16xi32>,
        %swap3A_498 = vector.shape_cast %swap3A_497 : vector<16xi32> to vector<16xi32>
        %swap3A_499 = vector.shape_cast %get3A_495 : vector<16xi32> to vector<16xi32>
        tpu.vector_store %arg8[%swap3A_496], %swap3A_499 {strides = array<i32>} : memref<128xi32, #tpu.memory_space<vmem>>, vector<16xi32>,
        %get3A_500 = arith.index_cast %mul3A_445 : i32 to index
        %get3A_501 = arith.constant 96 : index
        %get3A_502 = tpu.vector_load %arg7[%get3A_500, %get3A_501] {strides = array<i32>} : memref<40x128xi32, #tpu.memory_space<vmem>>, vector<1x16xi32>,
        %get3A_503 = vector.shape_cast %get3A_502 : vector<1x16xi32> to vector<16xi32>
        %swap3A_504 = arith.constant 96 : index
        %swap3A_505 = tpu.vector_load %arg8[%swap3A_504] {strides = array<i32>} : memref<128xi32, #tpu.memory_space<vmem>>, vector<16xi32>,
        %swap3A_506 = vector.shape_cast %swap3A_505 : vector<16xi32> to vector<16xi32>
        %swap3A_507 = vector.shape_cast %get3A_503 : vector<16xi32> to vector<16xi32>
        tpu.vector_store %arg8[%swap3A_504], %swap3A_507 {strides = array<i32>} : memref<128xi32, #tpu.memory_space<vmem>>, vector<16xi32>,
        %get3A_508 = arith.index_cast %mul3A_445 : i32 to index
        %get3A_509 = arith.constant 112 : index
        %get3A_510 = tpu.vector_load %arg7[%get3A_508, %get3A_509] {strides = array<i32>} : memref<40x128xi32, #tpu.memory_space<vmem>>, vector<1x16xi32>,
        %get3A_511 = vector.shape_cast %get3A_510 : vector<1x16xi32> to vector<16xi32>
        %swap3A_512 = arith.constant 112 : index
        %swap3A_513 = tpu.vector_load %arg8[%swap3A_512] {strides = array<i32>} : memref<128xi32, #tpu.memory_space<vmem>>, vector<16xi32>,
        %swap3A_514 = vector.shape_cast %swap3A_513 : vector<16xi32> to vector<16xi32>
        %swap3A_515 = vector.shape_cast %get3A_511 : vector<16xi32> to vector<16xi32>
        tpu.vector_store %arg8[%swap3A_512], %swap3A_515 {strides = array<i32>} : memref<128xi32, #tpu.memory_space<vmem>>, vector<16xi32>,
        "tpu.region"() ({
          %run_scoped3A = tpu.sem_alloc : memref<!tpu.dma_semaphore, #tpu.memory_space<semaphore_mem>>
          %dma_start3A_604 = arith.constant 0 : i32
          %dma_start3A_605 = arith.constant 0 : i32
          %dma_start3A_606 = tpu.memref_slice %arg11[%dma_start3A_604, %dma_start3A_605] : memref<10112x128xf32, #tpu.memory_space<vmem_shared>> -> memref<10112x128xf32, #tpu.memory_space<vmem_shared>>
          tpu.enqueue_indirect_dma source(%arg9 : memref<128x128xf32, #tpu.memory_space<vmem>>) target(%dma_start3A_606 : memref<10112x128xf32, #tpu.memory_space<vmem_shared>>) offsets(%arg8 : memref<128xi32, #tpu.memory_space<vmem>>) semaphore(%run_scoped3A : memref<!tpu.dma_semaphore, #tpu.memory_space<semaphore_mem>>) {add = true}
          %dma_wait3A_607 = arith.constant 0 : i32
          %dma_wait3A_608 = arith.constant 0 : i32
          %dma_wait3A_609 = tpu.memref_slice %arg11[%dma_wait3A_607, %dma_wait3A_608] : memref<10112x128xf32, #tpu.memory_space<vmem_shared>> -> memref<10112x128xf32, #tpu.memory_space<vmem_shared>>
          tpu.wait_indirect_dma semaphore(%run_scoped3A : memref<!tpu.dma_semaphore, #tpu.memory_space<semaphore_mem>>) src(%arg9 : memref<128x128xf32, #tpu.memory_space<vmem>>) dst(%dma_wait3A_609 : memref<10112x128xf32, #tpu.memory_space<vmem_shared>>)
          tpu.yield
        }) : () -> ()
        %add3A_516 = arith.constant 2 : i32
        %add3A_517 = arith.addi %mul3A_445, %add3A_516 : i32
        %dma_start3A_518 = arith.constant 0 : i32
        %dma_start3A_519 = tpu.memref_slice %arg6[%add3A_517, %dma_start3A_518] : memref<40x128xi32, #tpu.memory_space<vmem>> -> memref<1x128xi32, #tpu.memory_space<vmem>>
        %dma_start3A_520 = tpu.memref_squeeze %dma_start3A_519 : memref<1x128xi32, #tpu.memory_space<vmem>> -> memref<128xi32, #tpu.memory_space<vmem>>
        %dma_start3A_521 = arith.constant 0 : i32
        %dma_start3A_522 = arith.constant 0 : i32
        %dma_start3A_523 = tpu.memref_slice %arg4[%dma_start3A_521, %dma_start3A_522] : memref<10000x128xf32, #tpu.memory_space<hbm>> -> memref<10000x128xf32, #tpu.memory_space<hbm>>
        tpu.enqueue_indirect_dma source(%dma_start3A_523 : memref<10000x128xf32, #tpu.memory_space<hbm>>) target(%arg9 : memref<128x128xf32, #tpu.memory_space<vmem>>) offsets(%dma_start3A_520 : memref<128xi32, #tpu.memory_space<vmem>>) semaphore(%arg12 : memref<!tpu.dma_semaphore, #tpu.memory_space<semaphore_mem>>)
        %dma_wait3A_524 = arith.constant 0 : i32
        %dma_wait3A_525 = arith.constant 0 : i32
        %dma_wait3A_526 = tpu.memref_slice %arg4[%dma_wait3A_524, %dma_wait3A_525] : memref<10000x128xf32, #tpu.memory_space<hbm>> -> memref<128x128xf32, #tpu.memory_space<hbm>>
        %dma_wait3A_527 = arith.constant 0 : i32
        %dma_wait3A_528 = arith.constant 0 : i32
        %dma_wait3A_529 = tpu.memref_slice %arg4[%dma_wait3A_527, %dma_wait3A_528] : memref<10000x128xf32, #tpu.memory_space<hbm>> -> memref<128x128xf32, #tpu.memory_space<hbm>>
        tpu.wait_dma2 semaphore(%arg13 : memref<!tpu.dma_semaphore, #tpu.memory_space<semaphore_mem>>) src(%dma_wait3A_529 : memref<128x128xf32, #tpu.memory_space<hbm>>) dst(%arg10 : memref<128x128xf32, #tpu.memory_space<vmem>>)
        %add3A_530 = arith.constant 1 : i32
        %add3A_531 = arith.addi %mul3A_445, %add3A_530 : i32
        %get3A_532 = arith.index_cast %add3A_531 : i32 to index
        %get3A_533 = arith.constant 0 : index
        %get3A_534 = tpu.vector_load %arg7[%get3A_532, %get3A_533] {strides = array<i32>} : memref<40x128xi32, #tpu.memory_space<vmem>>, vector<1x16xi32>,
        %get3A_535 = vector.shape_cast %get3A_534 : vector<1x16xi32> to vector<16xi32>
        %swap3A_536 = arith.constant 0 : index
        %swap3A_537 = tpu.vector_load %arg8[%swap3A_536] {strides = array<i32>} : memref<128xi32, #tpu.memory_space<vmem>>, vector<16xi32>,
        %swap3A_538 = vector.shape_cast %swap3A_537 : vector<16xi32> to vector<16xi32>
        %swap3A_539 = vector.shape_cast %get3A_535 : vector<16xi32> to vector<16xi32>
        tpu.vector_store %arg8[%swap3A_536], %swap3A_539 {strides = array<i32>} : memref<128xi32, #tpu.memory_space<vmem>>, vector<16xi32>,
        %get3A_540 = arith.index_cast %add3A_531 : i32 to index
        %get3A_541 = arith.constant 16 : index
        %get3A_542 = tpu.vector_load %arg7[%get3A_540, %get3A_541] {strides = array<i32>} : memref<40x128xi32, #tpu.memory_space<vmem>>, vector<1x16xi32>,
        %get3A_543 = vector.shape_cast %get3A_542 : vector<1x16xi32> to vector<16xi32>
        %swap3A_544 = arith.constant 16 : index
        %swap3A_545 = tpu.vector_load %arg8[%swap3A_544] {strides = array<i32>} : memref<128xi32, #tpu.memory_space<vmem>>, vector<16xi32>,
        %swap3A_546 = vector.shape_cast %swap3A_545 : vector<16xi32> to vector<16xi32>
        %swap3A_547 = vector.shape_cast %get3A_543 : vector<16xi32> to vector<16xi32>
        tpu.vector_store %arg8[%swap3A_544], %swap3A_547 {strides = array<i32>} : memref<128xi32, #tpu.memory_space<vmem>>, vector<16xi32>,
        %get3A_548 = arith.index_cast %add3A_531 : i32 to index
        %get3A_549 = arith.constant 32 : index
        %get3A_550 = tpu.vector_load %arg7[%get3A_548, %get3A_549] {strides = array<i32>} : memref<40x128xi32, #tpu.memory_space<vmem>>, vector<1x16xi32>,
        %get3A_551 = vector.shape_cast %get3A_550 : vector<1x16xi32> to vector<16xi32>
        %swap3A_552 = arith.constant 32 : index
        %swap3A_553 = tpu.vector_load %arg8[%swap3A_552] {strides = array<i32>} : memref<128xi32, #tpu.memory_space<vmem>>, vector<16xi32>,
        %swap3A_554 = vector.shape_cast %swap3A_553 : vector<16xi32> to vector<16xi32>
        %swap3A_555 = vector.shape_cast %get3A_551 : vector<16xi32> to vector<16xi32>
        tpu.vector_store %arg8[%swap3A_552], %swap3A_555 {strides = array<i32>} : memref<128xi32, #tpu.memory_space<vmem>>, vector<16xi32>,
        %get3A_556 = arith.index_cast %add3A_531 : i32 to index
        %get3A_557 = arith.constant 48 : index
        %get3A_558 = tpu.vector_load %arg7[%get3A_556, %get3A_557] {strides = array<i32>} : memref<40x128xi32, #tpu.memory_space<vmem>>, vector<1x16xi32>,
        %get3A_559 = vector.shape_cast %get3A_558 : vector<1x16xi32> to vector<16xi32>
        %swap3A_560 = arith.constant 48 : index
        %swap3A_561 = tpu.vector_load %arg8[%swap3A_560] {strides = array<i32>} : memref<128xi32, #tpu.memory_space<vmem>>, vector<16xi32>,
        %swap3A_562 = vector.shape_cast %swap3A_561 : vector<16xi32> to vector<16xi32>
        %swap3A_563 = vector.shape_cast %get3A_559 : vector<16xi32> to vector<16xi32>
        tpu.vector_store %arg8[%swap3A_560], %swap3A_563 {strides = array<i32>} : memref<128xi32, #tpu.memory_space<vmem>>, vector<16xi32>,
        %get3A_564 = arith.index_cast %add3A_531 : i32 to index
        %get3A_565 = arith.constant 64 : index
        %get3A_566 = tpu.vector_load %arg7[%get3A_564, %get3A_565] {strides = array<i32>} : memref<40x128xi32, #tpu.memory_space<vmem>>, vector<1x16xi32>,
        %get3A_567 = vector.shape_cast %get3A_566 : vector<1x16xi32> to vector<16xi32>
        %swap3A_568 = arith.constant 64 : index
        %swap3A_569 = tpu.vector_load %arg8[%swap3A_568] {strides = array<i32>} : memref<128xi32, #tpu.memory_space<vmem>>, vector<16xi32>,
        %swap3A_570 = vector.shape_cast %swap3A_569 : vector<16xi32> to vector<16xi32>
        %swap3A_571 = vector.shape_cast %get3A_567 : vector<16xi32> to vector<16xi32>
        tpu.vector_store %arg8[%swap3A_568], %swap3A_571 {strides = array<i32>} : memref<128xi32, #tpu.memory_space<vmem>>, vector<16xi32>,
        %get3A_572 = arith.index_cast %add3A_531 : i32 to index
        %get3A_573 = arith.constant 80 : index
        %get3A_574 = tpu.vector_load %arg7[%get3A_572, %get3A_573] {strides = array<i32>} : memref<40x128xi32, #tpu.memory_space<vmem>>, vector<1x16xi32>,
        %get3A_575 = vector.shape_cast %get3A_574 : vector<1x16xi32> to vector<16xi32>
        %swap3A_576 = arith.constant 80 : index
        %swap3A_577 = tpu.vector_load %arg8[%swap3A_576] {strides = array<i32>} : memref<128xi32, #tpu.memory_space<vmem>>, vector<16xi32>,
        %swap3A_578 = vector.shape_cast %swap3A_577 : vector<16xi32> to vector<16xi32>
        %swap3A_579 = vector.shape_cast %get3A_575 : vector<16xi32> to vector<16xi32>
        tpu.vector_store %arg8[%swap3A_576], %swap3A_579 {strides = array<i32>} : memref<128xi32, #tpu.memory_space<vmem>>, vector<16xi32>,
        %get3A_580 = arith.index_cast %add3A_531 : i32 to index
        %get3A_581 = arith.constant 96 : index
        %get3A_582 = tpu.vector_load %arg7[%get3A_580, %get3A_581] {strides = array<i32>} : memref<40x128xi32, #tpu.memory_space<vmem>>, vector<1x16xi32>,
        %get3A_583 = vector.shape_cast %get3A_582 : vector<1x16xi32> to vector<16xi32>
        %swap3A_584 = arith.constant 96 : index
        %swap3A_585 = tpu.vector_load %arg8[%swap3A_584] {strides = array<i32>} : memref<128xi32, #tpu.memory_space<vmem>>, vector<16xi32>,
        %swap3A_586 = vector.shape_cast %swap3A_585 : vector<16xi32> to vector<16xi32>
        %swap3A_587 = vector.shape_cast %get3A_583 : vector<16xi32> to vector<16xi32>
        tpu.vector_store %arg8[%swap3A_584], %swap3A_587 {strides = array<i32>} : memref<128xi32, #tpu.memory_space<vmem>>, vector<16xi32>,
        %get3A_588 = arith.index_cast %add3A_531 : i32 to index
        %get3A_589 = arith.constant 112 : index
        %get3A_590 = tpu.vector_load %arg7[%get3A_588, %get3A_589] {strides = array<i32>} : memref<40x128xi32, #tpu.memory_space<vmem>>, vector<1x16xi32>,
        %get3A_591 = vector.shape_cast %get3A_590 : vector<1x16xi32> to vector<16xi32>
        %swap3A_592 = arith.constant 112 : index
        %swap3A_593 = tpu.vector_load %arg8[%swap3A_592] {strides = array<i32>} : memref<128xi32, #tpu.memory_space<vmem>>, vector<16xi32>,
        %swap3A_594 = vector.shape_cast %swap3A_593 : vector<16xi32> to vector<16xi32>
        %swap3A_595 = vector.shape_cast %get3A_591 : vector<16xi32> to vector<16xi32>
        tpu.vector_store %arg8[%swap3A_592], %swap3A_595 {strides = array<i32>} : memref<128xi32, #tpu.memory_space<vmem>>, vector<16xi32>,
        "tpu.region"() ({
          %run_scoped3A = tpu.sem_alloc : memref<!tpu.dma_semaphore, #tpu.memory_space<semaphore_mem>>
          %dma_start3A_604 = arith.constant 0 : i32
          %dma_start3A_605 = arith.constant 0 : i32
          %dma_start3A_606 = tpu.memref_slice %arg11[%dma_start3A_604, %dma_start3A_605] : memref<10112x128xf32, #tpu.memory_space<vmem_shared>> -> memref<10112x128xf32, #tpu.memory_space<vmem_shared>>
          tpu.enqueue_indirect_dma source(%arg10 : memref<128x128xf32, #tpu.memory_space<vmem>>) target(%dma_start3A_606 : memref<10112x128xf32, #tpu.memory_space<vmem_shared>>) offsets(%arg8 : memref<128xi32, #tpu.memory_space<vmem>>) semaphore(%run_scoped3A : memref<!tpu.dma_semaphore, #tpu.memory_space<semaphore_mem>>) {add = true}
          %dma_wait3A_607 = arith.constant 0 : i32
          %dma_wait3A_608 = arith.constant 0 : i32
          %dma_wait3A_609 = tpu.memref_slice %arg11[%dma_wait3A_607, %dma_wait3A_608] : memref<10112x128xf32, #tpu.memory_space<vmem_shared>> -> memref<10112x128xf32, #tpu.memory_space<vmem_shared>>
          tpu.wait_indirect_dma semaphore(%run_scoped3A : memref<!tpu.dma_semaphore, #tpu.memory_space<semaphore_mem>>) src(%arg10 : memref<128x128xf32, #tpu.memory_space<vmem>>) dst(%dma_wait3A_609 : memref<10112x128xf32, #tpu.memory_space<vmem_shared>>)
          tpu.yield
        }) : () -> ()
        %add3A_596 = arith.constant 3 : i32
        %add3A_597 = arith.addi %mul3A_445, %add3A_596 : i32
        %dma_start3A_598 = arith.constant 0 : i32
        %dma_start3A_599 = tpu.memref_slice %arg6[%add3A_597, %dma_start3A_598] : memref<40x128xi32, #tpu.memory_space<vmem>> -> memref<1x128xi32, #tpu.memory_space<vmem>>
        %dma_start3A_600 = tpu.memref_squeeze %dma_start3A_599 : memref<1x128xi32, #tpu.memory_space<vmem>> -> memref<128xi32, #tpu.memory_space<vmem>>
        %dma_start3A_601 = arith.constant 0 : i32
        %dma_start3A_602 = arith.constant 0 : i32
        %dma_start3A_603 = tpu.memref_slice %arg4[%dma_start3A_601, %dma_start3A_602] : memref<10000x128xf32, #tpu.memory_space<hbm>> -> memref<10000x128xf32, #tpu.memory_space<hbm>>
        tpu.enqueue_indirect_dma source(%dma_start3A_603 : memref<10000x128xf32, #tpu.memory_space<hbm>>) target(%arg10 : memref<128x128xf32, #tpu.memory_space<vmem>>) offsets(%dma_start3A_600 : memref<128xi32, #tpu.memory_space<vmem>>) semaphore(%arg13 : memref<!tpu.dma_semaphore, #tpu.memory_space<semaphore_mem>>)
      }
      %scan3A_286 = arith.constant 19 : i32
      %dma_wait3A_287 = arith.constant 0 : i32
      %dma_wait3A_288 = arith.constant 0 : i32
      %dma_wait3A_289 = tpu.memref_slice %arg4[%dma_wait3A_287, %dma_wait3A_288] : memref<10000x128xf32, #tpu.memory_space<hbm>> -> memref<128x128xf32, #tpu.memory_space<hbm>>
      %dma_wait3A_290 = arith.constant 0 : i32
      %dma_wait3A_291 = arith.constant 0 : i32
      %dma_wait3A_292 = tpu.memref_slice %arg4[%dma_wait3A_290, %dma_wait3A_291] : memref<10000x128xf32, #tpu.memory_space<hbm>> -> memref<128x128xf32, #tpu.memory_space<hbm>>
      tpu.wait_dma2 semaphore(%arg12 : memref<!tpu.dma_semaphore, #tpu.memory_space<semaphore_mem>>) src(%dma_wait3A_292 : memref<128x128xf32, #tpu.memory_space<hbm>>) dst(%arg9 : memref<128x128xf32, #tpu.memory_space<vmem>>)
      %get3A_293 = arith.constant 38 : i32
      %get3A_294 = arith.index_cast %get3A_293 : i32 to index
      %get3A_295 = arith.constant 0 : index
      %get3A_296 = tpu.vector_load %arg7[%get3A_294, %get3A_295] {strides = array<i32>} : memref<40x128xi32, #tpu.memory_space<vmem>>, vector<1x16xi32>,
      %get3A_297 = vector.shape_cast %get3A_296 : vector<1x16xi32> to vector<16xi32>
      %swap3A_298 = arith.constant 0 : index
      %swap3A_299 = tpu.vector_load %arg8[%swap3A_298] {strides = array<i32>} : memref<128xi32, #tpu.memory_space<vmem>>, vector<16xi32>,
      %swap3A_300 = vector.shape_cast %swap3A_299 : vector<16xi32> to vector<16xi32>
      %swap3A_301 = vector.shape_cast %get3A_297 : vector<16xi32> to vector<16xi32>
      tpu.vector_store %arg8[%swap3A_298], %swap3A_301 {strides = array<i32>} : memref<128xi32, #tpu.memory_space<vmem>>, vector<16xi32>,
      %get3A_302 = arith.constant 38 : i32
      %get3A_303 = arith.index_cast %get3A_302 : i32 to index
      %get3A_304 = arith.constant 16 : index
      %get3A_305 = tpu.vector_load %arg7[%get3A_303, %get3A_304] {strides = array<i32>} : memref<40x128xi32, #tpu.memory_space<vmem>>, vector<1x16xi32>,
      %get3A_306 = vector.shape_cast %get3A_305 : vector<1x16xi32> to vector<16xi32>
      %swap3A_307 = arith.constant 16 : index
      %swap3A_308 = tpu.vector_load %arg8[%swap3A_307] {strides = array<i32>} : memref<128xi32, #tpu.memory_space<vmem>>, vector<16xi32>,
      %swap3A_309 = vector.shape_cast %swap3A_308 : vector<16xi32> to vector<16xi32>
      %swap3A_310 = vector.shape_cast %get3A_306 : vector<16xi32> to vector<16xi32>
      tpu.vector_store %arg8[%swap3A_307], %swap3A_310 {strides = array<i32>} : memref<128xi32, #tpu.memory_space<vmem>>, vector<16xi32>,
      %get3A_311 = arith.constant 38 : i32
      %get3A_312 = arith.index_cast %get3A_311 : i32 to index
      %get3A_313 = arith.constant 32 : index
      %get3A_314 = tpu.vector_load %arg7[%get3A_312, %get3A_313] {strides = array<i32>} : memref<40x128xi32, #tpu.memory_space<vmem>>, vector<1x16xi32>,
      %get3A_315 = vector.shape_cast %get3A_314 : vector<1x16xi32> to vector<16xi32>
      %swap3A_316 = arith.constant 32 : index
      %swap3A_317 = tpu.vector_load %arg8[%swap3A_316] {strides = array<i32>} : memref<128xi32, #tpu.memory_space<vmem>>, vector<16xi32>,
      %swap3A_318 = vector.shape_cast %swap3A_317 : vector<16xi32> to vector<16xi32>
      %swap3A_319 = vector.shape_cast %get3A_315 : vector<16xi32> to vector<16xi32>
      tpu.vector_store %arg8[%swap3A_316], %swap3A_319 {strides = array<i32>} : memref<128xi32, #tpu.memory_space<vmem>>, vector<16xi32>,
      %get3A_320 = arith.constant 38 : i32
      %get3A_321 = arith.index_cast %get3A_320 : i32 to index
      %get3A_322 = arith.constant 48 : index
      %get3A_323 = tpu.vector_load %arg7[%get3A_321, %get3A_322] {strides = array<i32>} : memref<40x128xi32, #tpu.memory_space<vmem>>, vector<1x16xi32>,
      %get3A_324 = vector.shape_cast %get3A_323 : vector<1x16xi32> to vector<16xi32>
      %swap3A_325 = arith.constant 48 : index
      %swap3A_326 = tpu.vector_load %arg8[%swap3A_325] {strides = array<i32>} : memref<128xi32, #tpu.memory_space<vmem>>, vector<16xi32>,
      %swap3A_327 = vector.shape_cast %swap3A_326 : vector<16xi32> to vector<16xi32>
      %swap3A_328 = vector.shape_cast %get3A_324 : vector<16xi32> to vector<16xi32>
      tpu.vector_store %arg8[%swap3A_325], %swap3A_328 {strides = array<i32>} : memref<128xi32, #tpu.memory_space<vmem>>, vector<16xi32>,
      %get3A_329 = arith.constant 38 : i32
      %get3A_330 = arith.index_cast %get3A_329 : i32 to index
      %get3A_331 = arith.constant 64 : index
      %get3A_332 = tpu.vector_load %arg7[%get3A_330, %get3A_331] {strides = array<i32>} : memref<40x128xi32, #tpu.memory_space<vmem>>, vector<1x16xi32>,
      %get3A_333 = vector.shape_cast %get3A_332 : vector<1x16xi32> to vector<16xi32>
      %swap3A_334 = arith.constant 64 : index
      %swap3A_335 = tpu.vector_load %arg8[%swap3A_334] {strides = array<i32>} : memref<128xi32, #tpu.memory_space<vmem>>, vector<16xi32>,
      %swap3A_336 = vector.shape_cast %swap3A_335 : vector<16xi32> to vector<16xi32>
      %swap3A_337 = vector.shape_cast %get3A_333 : vector<16xi32> to vector<16xi32>
      tpu.vector_store %arg8[%swap3A_334], %swap3A_337 {strides = array<i32>} : memref<128xi32, #tpu.memory_space<vmem>>, vector<16xi32>,
      %get3A_338 = arith.constant 38 : i32
      %get3A_339 = arith.index_cast %get3A_338 : i32 to index
      %get3A_340 = arith.constant 80 : index
      %get3A_341 = tpu.vector_load %arg7[%get3A_339, %get3A_340] {strides = array<i32>} : memref<40x128xi32, #tpu.memory_space<vmem>>, vector<1x16xi32>,
      %get3A_342 = vector.shape_cast %get3A_341 : vector<1x16xi32> to vector<16xi32>
      %swap3A_343 = arith.constant 80 : index
      %swap3A_344 = tpu.vector_load %arg8[%swap3A_343] {strides = array<i32>} : memref<128xi32, #tpu.memory_space<vmem>>, vector<16xi32>,
      %swap3A_345 = vector.shape_cast %swap3A_344 : vector<16xi32> to vector<16xi32>
      %swap3A_346 = vector.shape_cast %get3A_342 : vector<16xi32> to vector<16xi32>
      tpu.vector_store %arg8[%swap3A_343], %swap3A_346 {strides = array<i32>} : memref<128xi32, #tpu.memory_space<vmem>>, vector<16xi32>,
      %get3A_347 = arith.constant 38 : i32
      %get3A_348 = arith.index_cast %get3A_347 : i32 to index
      %get3A_349 = arith.constant 96 : index
      %get3A_350 = tpu.vector_load %arg7[%get3A_348, %get3A_349] {strides = array<i32>} : memref<40x128xi32, #tpu.memory_space<vmem>>, vector<1x16xi32>,
      %get3A_351 = vector.shape_cast %get3A_350 : vector<1x16xi32> to vector<16xi32>
      %swap3A_352 = arith.constant 96 : index
      %swap3A_353 = tpu.vector_load %arg8[%swap3A_352] {strides = array<i32>} : memref<128xi32, #tpu.memory_space<vmem>>, vector<16xi32>,
      %swap3A_354 = vector.shape_cast %swap3A_353 : vector<16xi32> to vector<16xi32>
      %swap3A_355 = vector.shape_cast %get3A_351 : vector<16xi32> to vector<16xi32>
      tpu.vector_store %arg8[%swap3A_352], %swap3A_355 {strides = array<i32>} : memref<128xi32, #tpu.memory_space<vmem>>, vector<16xi32>,
      %get3A_356 = arith.constant 38 : i32
      %get3A_357 = arith.index_cast %get3A_356 : i32 to index
      %get3A_358 = arith.constant 112 : index
      %get3A_359 = tpu.vector_load %arg7[%get3A_357, %get3A_358] {strides = array<i32>} : memref<40x128xi32, #tpu.memory_space<vmem>>, vector<1x16xi32>,
      %get3A_360 = vector.shape_cast %get3A_359 : vector<1x16xi32> to vector<16xi32>
      %swap3A_361 = arith.constant 112 : index
      %swap3A_362 = tpu.vector_load %arg8[%swap3A_361] {strides = array<i32>} : memref<128xi32, #tpu.memory_space<vmem>>, vector<16xi32>,
      %swap3A_363 = vector.shape_cast %swap3A_362 : vector<16xi32> to vector<16xi32>
      %swap3A_364 = vector.shape_cast %get3A_360 : vector<16xi32> to vector<16xi32>
      tpu.vector_store %arg8[%swap3A_361], %swap3A_364 {strides = array<i32>} : memref<128xi32, #tpu.memory_space<vmem>>, vector<16xi32>,
      "tpu.region"() ({
        %run_scoped3A = tpu.sem_alloc : memref<!tpu.dma_semaphore, #tpu.memory_space<semaphore_mem>>
        %dma_start3A_443 = arith.constant 0 : i32
        %dma_start3A_444 = arith.constant 0 : i32
        %dma_start3A_445 = tpu.memref_slice %arg11[%dma_start3A_443, %dma_start3A_444] : memref<10112x128xf32, #tpu.memory_space<vmem_shared>> -> memref<10112x128xf32, #tpu.memory_space<vmem_shared>>
        tpu.enqueue_indirect_dma source(%arg9 : memref<128x128xf32, #tpu.memory_space<vmem>>) target(%dma_start3A_445 : memref<10112x128xf32, #tpu.memory_space<vmem_shared>>) offsets(%arg8 : memref<128xi32, #tpu.memory_space<vmem>>) semaphore(%run_scoped3A : memref<!tpu.dma_semaphore, #tpu.memory_space<semaphore_mem>>) {add = true}
        %dma_wait3A_446 = arith.constant 0 : i32
        %dma_wait3A_447 = arith.constant 0 : i32
        %dma_wait3A_448 = tpu.memref_slice %arg11[%dma_wait3A_446, %dma_wait3A_447] : memref<10112x128xf32, #tpu.memory_space<vmem_shared>> -> memref<10112x128xf32, #tpu.memory_space<vmem_shared>>
        tpu.wait_indirect_dma semaphore(%run_scoped3A : memref<!tpu.dma_semaphore, #tpu.memory_space<semaphore_mem>>) src(%arg9 : memref<128x128xf32, #tpu.memory_space<vmem>>) dst(%dma_wait3A_448 : memref<10112x128xf32, #tpu.memory_space<vmem_shared>>)
        tpu.yield
      }) : () -> ()
      %dma_wait3A_365 = arith.constant 0 : i32
      %dma_wait3A_366 = arith.constant 0 : i32
      %dma_wait3A_367 = tpu.memref_slice %arg4[%dma_wait3A_365, %dma_wait3A_366] : memref<10000x128xf32, #tpu.memory_space<hbm>> -> memref<128x128xf32, #tpu.memory_space<hbm>>
      %dma_wait3A_368 = arith.constant 0 : i32
      %dma_wait3A_369 = arith.constant 0 : i32
      %dma_wait3A_370 = tpu.memref_slice %arg4[%dma_wait3A_368, %dma_wait3A_369] : memref<10000x128xf32, #tpu.memory_space<hbm>> -> memref<128x128xf32, #tpu.memory_space<hbm>>
      tpu.wait_dma2 semaphore(%arg13 : memref<!tpu.dma_semaphore, #tpu.memory_space<semaphore_mem>>) src(%dma_wait3A_370 : memref<128x128xf32, #tpu.memory_space<hbm>>) dst(%arg10 : memref<128x128xf32, #tpu.memory_space<vmem>>)
      %get3A_371 = arith.constant 39 : i32
      %get3A_372 = arith.index_cast %get3A_371 : i32 to index
      %get3A_373 = arith.constant 0 : index
      %get3A_374 = tpu.vector_load %arg7[%get3A_372, %get3A_373] {strides = array<i32>} : memref<40x128xi32, #tpu.memory_space<vmem>>, vector<1x16xi32>,
      %get3A_375 = vector.shape_cast %get3A_374 : vector<1x16xi32> to vector<16xi32>
      %swap3A_376 = arith.constant 0 : index
      %swap3A_377 = tpu.vector_load %arg8[%swap3A_376] {strides = array<i32>} : memref<128xi32, #tpu.memory_space<vmem>>, vector<16xi32>,
      %swap3A_378 = vector.shape_cast %swap3A_377 : vector<16xi32> to vector<16xi32>
      %swap3A_379 = vector.shape_cast %get3A_375 : vector<16xi32> to vector<16xi32>
      tpu.vector_store %arg8[%swap3A_376], %swap3A_379 {strides = array<i32>} : memref<128xi32, #tpu.memory_space<vmem>>, vector<16xi32>,
      %get3A_380 = arith.constant 39 : i32
      %get3A_381 = arith.index_cast %get3A_380 : i32 to index
      %get3A_382 = arith.constant 16 : index
      %get3A_383 = tpu.vector_load %arg7[%get3A_381, %get3A_382] {strides = array<i32>} : memref<40x128xi32, #tpu.memory_space<vmem>>, vector<1x16xi32>,
      %get3A_384 = vector.shape_cast %get3A_383 : vector<1x16xi32> to vector<16xi32>
      %swap3A_385 = arith.constant 16 : index
      %swap3A_386 = tpu.vector_load %arg8[%swap3A_385] {strides = array<i32>} : memref<128xi32, #tpu.memory_space<vmem>>, vector<16xi32>,
      %swap3A_387 = vector.shape_cast %swap3A_386 : vector<16xi32> to vector<16xi32>
      %swap3A_388 = vector.shape_cast %get3A_384 : vector<16xi32> to vector<16xi32>
      tpu.vector_store %arg8[%swap3A_385], %swap3A_388 {strides = array<i32>} : memref<128xi32, #tpu.memory_space<vmem>>, vector<16xi32>,
      %get3A_389 = arith.constant 39 : i32
      %get3A_390 = arith.index_cast %get3A_389 : i32 to index
      %get3A_391 = arith.constant 32 : index
      %get3A_392 = tpu.vector_load %arg7[%get3A_390, %get3A_391] {strides = array<i32>} : memref<40x128xi32, #tpu.memory_space<vmem>>, vector<1x16xi32>,
      %get3A_393 = vector.shape_cast %get3A_392 : vector<1x16xi32> to vector<16xi32>
      %swap3A_394 = arith.constant 32 : index
      %swap3A_395 = tpu.vector_load %arg8[%swap3A_394] {strides = array<i32>} : memref<128xi32, #tpu.memory_space<vmem>>, vector<16xi32>,
      %swap3A_396 = vector.shape_cast %swap3A_395 : vector<16xi32> to vector<16xi32>
      %swap3A_397 = vector.shape_cast %get3A_393 : vector<16xi32> to vector<16xi32>
      tpu.vector_store %arg8[%swap3A_394], %swap3A_397 {strides = array<i32>} : memref<128xi32, #tpu.memory_space<vmem>>, vector<16xi32>,
      %get3A_398 = arith.constant 39 : i32
      %get3A_399 = arith.index_cast %get3A_398 : i32 to index
      %get3A_400 = arith.constant 48 : index
      %get3A_401 = tpu.vector_load %arg7[%get3A_399, %get3A_400] {strides = array<i32>} : memref<40x128xi32, #tpu.memory_space<vmem>>, vector<1x16xi32>,
      %get3A_402 = vector.shape_cast %get3A_401 : vector<1x16xi32> to vector<16xi32>
      %swap3A_403 = arith.constant 48 : index
      %swap3A_404 = tpu.vector_load %arg8[%swap3A_403] {strides = array<i32>} : memref<128xi32, #tpu.memory_space<vmem>>, vector<16xi32>,
      %swap3A_405 = vector.shape_cast %swap3A_404 : vector<16xi32> to vector<16xi32>
      %swap3A_406 = vector.shape_cast %get3A_402 : vector<16xi32> to vector<16xi32>
      tpu.vector_store %arg8[%swap3A_403], %swap3A_406 {strides = array<i32>} : memref<128xi32, #tpu.memory_space<vmem>>, vector<16xi32>,
      %get3A_407 = arith.constant 39 : i32
      %get3A_408 = arith.index_cast %get3A_407 : i32 to index
      %get3A_409 = arith.constant 64 : index
      %get3A_410 = tpu.vector_load %arg7[%get3A_408, %get3A_409] {strides = array<i32>} : memref<40x128xi32, #tpu.memory_space<vmem>>, vector<1x16xi32>,
      %get3A_411 = vector.shape_cast %get3A_410 : vector<1x16xi32> to vector<16xi32>
      %swap3A_412 = arith.constant 64 : index
      %swap3A_413 = tpu.vector_load %arg8[%swap3A_412] {strides = array<i32>} : memref<128xi32, #tpu.memory_space<vmem>>, vector<16xi32>,
      %swap3A_414 = vector.shape_cast %swap3A_413 : vector<16xi32> to vector<16xi32>
      %swap3A_415 = vector.shape_cast %get3A_411 : vector<16xi32> to vector<16xi32>
      tpu.vector_store %arg8[%swap3A_412], %swap3A_415 {strides = array<i32>} : memref<128xi32, #tpu.memory_space<vmem>>, vector<16xi32>,
      %get3A_416 = arith.constant 39 : i32
      %get3A_417 = arith.index_cast %get3A_416 : i32 to index
      %get3A_418 = arith.constant 80 : index
      %get3A_419 = tpu.vector_load %arg7[%get3A_417, %get3A_418] {strides = array<i32>} : memref<40x128xi32, #tpu.memory_space<vmem>>, vector<1x16xi32>,
      %get3A_420 = vector.shape_cast %get3A_419 : vector<1x16xi32> to vector<16xi32>
      %swap3A_421 = arith.constant 80 : index
      %swap3A_422 = tpu.vector_load %arg8[%swap3A_421] {strides = array<i32>} : memref<128xi32, #tpu.memory_space<vmem>>, vector<16xi32>,
      %swap3A_423 = vector.shape_cast %swap3A_422 : vector<16xi32> to vector<16xi32>
      %swap3A_424 = vector.shape_cast %get3A_420 : vector<16xi32> to vector<16xi32>
      tpu.vector_store %arg8[%swap3A_421], %swap3A_424 {strides = array<i32>} : memref<128xi32, #tpu.memory_space<vmem>>, vector<16xi32>,
      %get3A_425 = arith.constant 39 : i32
      %get3A_426 = arith.index_cast %get3A_425 : i32 to index
      %get3A_427 = arith.constant 96 : index
      %get3A_428 = tpu.vector_load %arg7[%get3A_426, %get3A_427] {strides = array<i32>} : memref<40x128xi32, #tpu.memory_space<vmem>>, vector<1x16xi32>,
      %get3A_429 = vector.shape_cast %get3A_428 : vector<1x16xi32> to vector<16xi32>
      %swap3A_430 = arith.constant 96 : index
      %swap3A_431 = tpu.vector_load %arg8[%swap3A_430] {strides = array<i32>} : memref<128xi32, #tpu.memory_space<vmem>>, vector<16xi32>,
      %swap3A_432 = vector.shape_cast %swap3A_431 : vector<16xi32> to vector<16xi32>
      %swap3A_433 = vector.shape_cast %get3A_429 : vector<16xi32> to vector<16xi32>
      tpu.vector_store %arg8[%swap3A_430], %swap3A_433 {strides = array<i32>} : memref<128xi32, #tpu.memory_space<vmem>>, vector<16xi32>,
      %get3A_434 = arith.constant 39 : i32
      %get3A_435 = arith.index_cast %get3A_434 : i32 to index
      %get3A_436 = arith.constant 112 : index
      %get3A_437 = tpu.vector_load %arg7[%get3A_435, %get3A_436] {strides = array<i32>} : memref<40x128xi32, #tpu.memory_space<vmem>>, vector<1x16xi32>,
      %get3A_438 = vector.shape_cast %get3A_437 : vector<1x16xi32> to vector<16xi32>
      %swap3A_439 = arith.constant 112 : index
      %swap3A_440 = tpu.vector_load %arg8[%swap3A_439] {strides = array<i32>} : memref<128xi32, #tpu.memory_space<vmem>>, vector<16xi32>,
      %swap3A_441 = vector.shape_cast %swap3A_440 : vector<16xi32> to vector<16xi32>
      %swap3A_442 = vector.shape_cast %get3A_438 : vector<16xi32> to vector<16xi32>
      tpu.vector_store %arg8[%swap3A_439], %swap3A_442 {strides = array<i32>} : memref<128xi32, #tpu.memory_space<vmem>>, vector<16xi32>,
      "tpu.region"() ({
        %run_scoped3A = tpu.sem_alloc : memref<!tpu.dma_semaphore, #tpu.memory_space<semaphore_mem>>
        %dma_start3A_443 = arith.constant 0 : i32
        %dma_start3A_444 = arith.constant 0 : i32
        %dma_start3A_445 = tpu.memref_slice %arg11[%dma_start3A_443, %dma_start3A_444] : memref<10112x128xf32, #tpu.memory_space<vmem_shared>> -> memref<10112x128xf32, #tpu.memory_space<vmem_shared>>
        tpu.enqueue_indirect_dma source(%arg10 : memref<128x128xf32, #tpu.memory_space<vmem>>) target(%dma_start3A_445 : memref<10112x128xf32, #tpu.memory_space<vmem_shared>>) offsets(%arg8 : memref<128xi32, #tpu.memory_space<vmem>>) semaphore(%run_scoped3A : memref<!tpu.dma_semaphore, #tpu.memory_space<semaphore_mem>>) {add = true}
        %dma_wait3A_446 = arith.constant 0 : i32
        %dma_wait3A_447 = arith.constant 0 : i32
        %dma_wait3A_448 = tpu.memref_slice %arg11[%dma_wait3A_446, %dma_wait3A_447] : memref<10112x128xf32, #tpu.memory_space<vmem_shared>> -> memref<10112x128xf32, #tpu.memory_space<vmem_shared>>
        tpu.wait_indirect_dma semaphore(%run_scoped3A : memref<!tpu.dma_semaphore, #tpu.memory_space<semaphore_mem>>) src(%arg10 : memref<128x128xf32, #tpu.memory_space<vmem>>) dst(%dma_wait3A_448 : memref<10112x128xf32, #tpu.memory_space<vmem_shared>>)
        tpu.yield
      }) : () -> ()
    } else {
    }
    %barrier3A_42 = arith.constant 0 : index
    tpu.barrier barrier_id(%barrier3A_42)
    %sub3A_43 = arith.constant 79 : i32
    %sub3A_44 = arith.subi %sub3A_43, %arg1 : i32
    %add3A_45 = arith.constant 16 : i32
    %add3A_46 = arith.addi %sub3A_44, %add3A_45 : i32
    %sub3A_47 = arith.constant 1 : i32
    %sub3A_48 = arith.subi %add3A_46, %sub3A_47 : i32
    %jit3A_49 = arith.constant 16 : i32
    %div3A_50 = arith.divsi %sub3A_48, %jit3A_49 : i32
    %sign3A_51 = arith.constant 0 : i32
    %sign3A_52 = arith.cmpi sgt, %sub3A_48, %sign3A_51 : i32
    %sign3A_53 = arith.extui %sign3A_52 : i1 to i32
    %sign3A_54 = arith.constant 0 : i32
    %sign3A_55 = arith.cmpi slt, %sub3A_48, %sign3A_54 : i32
    %sign3A_56 = arith.extui %sign3A_55 : i1 to i32
    %sign3A_57 = arith.subi %sign3A_53, %sign3A_56 : i32
    %sign3A_58 = arith.constant 0 : i32
    %sign3A_59 = arith.cmpi sgt, %jit3A_49, %sign3A_58 : i32
    %sign3A_60 = arith.extui %sign3A_59 : i1 to i32
    %sign3A_61 = arith.constant 0 : i32
    %sign3A_62 = arith.cmpi slt, %jit3A_49, %sign3A_61 : i32
    %sign3A_63 = arith.extui %sign3A_62 : i1 to i32
    %sign3A_64 = arith.subi %sign3A_60, %sign3A_63 : i32
    %ne3A_65 = arith.cmpi ne, %sign3A_57, %sign3A_64 : i32
    %rem3A_66 = arith.remsi %sub3A_48, %jit3A_49 : i32
    %ne3A_67 = arith.constant 0 : i32
    %ne3A_68 = arith.cmpi ne, %rem3A_66, %ne3A_67 : i32
    %and3A_69 = arith.andi %ne3A_65, %ne3A_68 : i1
    %sub3A_70 = arith.constant 1 : i32
    %sub3A_71 = arith.subi %div3A_50, %sub3A_70 : i32
    %select_n3A_72 = arith.select %and3A_69, %sub3A_71, %div3A_50 : i32
    %while3A_73 = arith.constant 0 : i32
    %while3A_74 = arith.constant 0 : i32
    %while3A_75 = arith.subi %select_n3A_72, %while3A_74 : i32
    %while3A_76 = arith.addi %while3A_74, %while3A_75 : i32
    %while3A_77 = arith.constant 1 : i32
    %while3A_78 = arith.divsi %while3A_75, %while3A_77 : i32
    %while3A_79 = arith.muli %while3A_78, %while3A_77 : i32
    %while3A_80 = arith.addi %while3A_74, %while3A_79 : i32
    %while3A_81 = arith.constant 1 : i32
    scf.for %while3A_83 = %while3A_74 to %while3A_80 step %while3A_81  : i32 {
      %mul3A = arith.constant 16 : i32
      %mul3A_84 = arith.muli %while3A_83, %mul3A : i32
      %add3A_85 = arith.addi %arg1, %mul3A_84 : i32
      %mul3A_86 = arith.constant 128 : i32
      %mul3A_87 = arith.muli %add3A_85, %mul3A_86 : i32
      %multiple_of3A = tpu.assume_multiple %mul3A_87, 8 : i32
      "tpu.region"() ({
        %run_scoped3A = tpu.sem_alloc : memref<!tpu.dma_semaphore, #tpu.memory_space<semaphore_mem>>
        %dma_start3A = arith.constant 0 : i32
        %dma_start3A_88 = tpu.memref_slice %arg11[%multiple_of3A, %dma_start3A] : memref<10112x128xf32, #tpu.memory_space<vmem_shared>> -> memref<128x128xf32, #tpu.memory_space<vmem_shared>>
        %dma_start3A_89 = arith.constant 0 : i32
        %dma_start3A_90 = tpu.memref_slice %arg11[%multiple_of3A, %dma_start3A_89] : memref<10112x128xf32, #tpu.memory_space<vmem_shared>> -> memref<128x128xf32, #tpu.memory_space<vmem_shared>>
        tpu.enqueue_dma source(%dma_start3A_90 : memref<128x128xf32, #tpu.memory_space<vmem_shared>>) target(%arg9 : memref<128x128xf32, #tpu.memory_space<vmem>>) target_semaphore(%run_scoped3A : memref<!tpu.dma_semaphore, #tpu.memory_space<semaphore_mem>>)
        %dma_wait3A = arith.constant 0 : i32
        %dma_wait3A_91 = tpu.memref_slice %arg11[%multiple_of3A, %dma_wait3A] : memref<10112x128xf32, #tpu.memory_space<vmem_shared>> -> memref<128x128xf32, #tpu.memory_space<vmem_shared>>
        %dma_wait3A_92 = arith.constant 0 : i32
        %dma_wait3A_93 = tpu.memref_slice %arg11[%multiple_of3A, %dma_wait3A_92] : memref<10112x128xf32, #tpu.memory_space<vmem_shared>> -> memref<128x128xf32, #tpu.memory_space<vmem_shared>>
        tpu.wait_dma2 semaphore(%run_scoped3A : memref<!tpu.dma_semaphore, #tpu.memory_space<semaphore_mem>>) src(%dma_wait3A_93 : memref<128x128xf32, #tpu.memory_space<vmem_shared>>) dst(%arg9 : memref<128x128xf32, #tpu.memory_space<vmem>>)
        tpu.yield
      }) : () -> ()
      "tpu.region"() ({
        %run_scoped3A = tpu.sem_alloc : memref<!tpu.dma_semaphore, #tpu.memory_space<semaphore_mem>>
        %dma_start3A = arith.constant 0 : i32
        %dma_start3A_88 = tpu.memref_slice %arg5[%arg0, %multiple_of3A, %dma_start3A] : memref<2x10112x128xf32, #tpu.memory_space<hbm>> -> memref<1x128x128xf32, #tpu.memory_space<hbm>>
        %dma_start3A_89 = tpu.memref_squeeze %dma_start3A_88 : memref<1x128x128xf32, #tpu.memory_space<hbm>> -> memref<128x128xf32, #tpu.memory_space<hbm>>
        %dma_start3A_90 = arith.constant 0 : i32
        %dma_start3A_91 = tpu.memref_slice %arg5[%arg0, %multiple_of3A, %dma_start3A_90] : memref<2x10112x128xf32, #tpu.memory_space<hbm>> -> memref<1x128x128xf32, #tpu.memory_space<hbm>>
        %dma_start3A_92 = tpu.memref_squeeze %dma_start3A_91 : memref<1x128x128xf32, #tpu.memory_space<hbm>> -> memref<128x128xf32, #tpu.memory_space<hbm>>
        tpu.enqueue_dma source(%arg9 : memref<128x128xf32, #tpu.memory_space<vmem>>) target(%dma_start3A_92 : memref<128x128xf32, #tpu.memory_space<hbm>>) target_semaphore(%run_scoped3A : memref<!tpu.dma_semaphore, #tpu.memory_space<semaphore_mem>>)
        %dma_wait3A = arith.constant 0 : i32
        %dma_wait3A_93 = tpu.memref_slice %arg5[%arg0, %multiple_of3A, %dma_wait3A] : memref<2x10112x128xf32, #tpu.memory_space<hbm>> -> memref<1x128x128xf32, #tpu.memory_space<hbm>>
        %dma_wait3A_94 = tpu.memref_squeeze %dma_wait3A_93 : memref<1x128x128xf32, #tpu.memory_space<hbm>> -> memref<128x128xf32, #tpu.memory_space<hbm>>
        %dma_wait3A_95 = arith.constant 0 : i32
        %dma_wait3A_96 = tpu.memref_slice %arg5[%arg0, %multiple_of3A, %dma_wait3A_95] : memref<2x10112x128xf32, #tpu.memory_space<hbm>> -> memref<1x128x128xf32, #tpu.memory_space<hbm>>
        %dma_wait3A_97 = tpu.memref_squeeze %dma_wait3A_96 : memref<1x128x128xf32, #tpu.memory_space<hbm>> -> memref<128x128xf32, #tpu.memory_space<hbm>>
        tpu.wait_dma2 semaphore(%run_scoped3A : memref<!tpu.dma_semaphore, #tpu.memory_space<semaphore_mem>>) src(%arg9 : memref<128x128xf32, #tpu.memory_space<vmem>>) dst(%dma_wait3A_97 : memref<128x128xf32, #tpu.memory_space<hbm>>)
        tpu.yield
      }) : () -> ()
    }
    %while3A_82 = arith.constant 1 : i32
    scf.for %while3A_83 = %while3A_80 to %while3A_76 step %while3A_82  : i32 {
      %mul3A = arith.constant 16 : i32
      %mul3A_84 = arith.muli %while3A_83, %mul3A : i32
      %add3A_85 = arith.addi %arg1, %mul3A_84 : i32
      %mul3A_86 = arith.constant 128 : i32
      %mul3A_87 = arith.muli %add3A_85, %mul3A_86 : i32
      %multiple_of3A = tpu.assume_multiple %mul3A_87, 8 : i32
      "tpu.region"() ({
        %run_scoped3A = tpu.sem_alloc : memref<!tpu.dma_semaphore, #tpu.memory_space<semaphore_mem>>
        %dma_start3A = arith.constant 0 : i32
        %dma_start3A_88 = tpu.memref_slice %arg11[%multiple_of3A, %dma_start3A] : memref<10112x128xf32, #tpu.memory_space<vmem_shared>> -> memref<128x128xf32, #tpu.memory_space<vmem_shared>>
        %dma_start3A_89 = arith.constant 0 : i32
        %dma_start3A_90 = tpu.memref_slice %arg11[%multiple_of3A, %dma_start3A_89] : memref<10112x128xf32, #tpu.memory_space<vmem_shared>> -> memref<128x128xf32, #tpu.memory_space<vmem_shared>>
        tpu.enqueue_dma source(%dma_start3A_90 : memref<128x128xf32, #tpu.memory_space<vmem_shared>>) target(%arg9 : memref<128x128xf32, #tpu.memory_space<vmem>>) target_semaphore(%run_scoped3A : memref<!tpu.dma_semaphore, #tpu.memory_space<semaphore_mem>>)
        %dma_wait3A = arith.constant 0 : i32
        %dma_wait3A_91 = tpu.memref_slice %arg11[%multiple_of3A, %dma_wait3A] : memref<10112x128xf32, #tpu.memory_space<vmem_shared>> -> memref<128x128xf32, #tpu.memory_space<vmem_shared>>
        %dma_wait3A_92 = arith.constant 0 : i32
        %dma_wait3A_93 = tpu.memref_slice %arg11[%multiple_of3A, %dma_wait3A_92] : memref<10112x128xf32, #tpu.memory_space<vmem_shared>> -> memref<128x128xf32, #tpu.memory_space<vmem_shared>>
        tpu.wait_dma2 semaphore(%run_scoped3A : memref<!tpu.dma_semaphore, #tpu.memory_space<semaphore_mem>>) src(%dma_wait3A_93 : memref<128x128xf32, #tpu.memory_space<vmem_shared>>) dst(%arg9 : memref<128x128xf32, #tpu.memory_space<vmem>>)
        tpu.yield
      }) : () -> ()
      "tpu.region"() ({
        %run_scoped3A = tpu.sem_alloc : memref<!tpu.dma_semaphore, #tpu.memory_space<semaphore_mem>>
        %dma_start3A = arith.constant 0 : i32
        %dma_start3A_88 = tpu.memref_slice %arg5[%arg0, %multiple_of3A, %dma_start3A] : memref<2x10112x128xf32, #tpu.memory_space<hbm>> -> memref<1x128x128xf32, #tpu.memory_space<hbm>>
        %dma_start3A_89 = tpu.memref_squeeze %dma_start3A_88 : memref<1x128x128xf32, #tpu.memory_space<hbm>> -> memref<128x128xf32, #tpu.memory_space<hbm>>
        %dma_start3A_90 = arith.constant 0 : i32
        %dma_start3A_91 = tpu.memref_slice %arg5[%arg0, %multiple_of3A, %dma_start3A_90] : memref<2x10112x128xf32, #tpu.memory_space<hbm>> -> memref<1x128x128xf32, #tpu.memory_space<hbm>>
        %dma_start3A_92 = tpu.memref_squeeze %dma_start3A_91 : memref<1x128x128xf32, #tpu.memory_space<hbm>> -> memref<128x128xf32, #tpu.memory_space<hbm>>
        tpu.enqueue_dma source(%arg9 : memref<128x128xf32, #tpu.memory_space<vmem>>) target(%dma_start3A_92 : memref<128x128xf32, #tpu.memory_space<hbm>>) target_semaphore(%run_scoped3A : memref<!tpu.dma_semaphore, #tpu.memory_space<semaphore_mem>>)
        %dma_wait3A = arith.constant 0 : i32
        %dma_wait3A_93 = tpu.memref_slice %arg5[%arg0, %multiple_of3A, %dma_wait3A] : memref<2x10112x128xf32, #tpu.memory_space<hbm>> -> memref<1x128x128xf32, #tpu.memory_space<hbm>>
        %dma_wait3A_94 = tpu.memref_squeeze %dma_wait3A_93 : memref<1x128x128xf32, #tpu.memory_space<hbm>> -> memref<128x128xf32, #tpu.memory_space<hbm>>
        %dma_wait3A_95 = arith.constant 0 : i32
        %dma_wait3A_96 = tpu.memref_slice %arg5[%arg0, %multiple_of3A, %dma_wait3A_95] : memref<2x10112x128xf32, #tpu.memory_space<hbm>> -> memref<1x128x128xf32, #tpu.memory_space<hbm>>
        %dma_wait3A_97 = tpu.memref_squeeze %dma_wait3A_96 : memref<1x128x128xf32, #tpu.memory_space<hbm>> -> memref<128x128xf32, #tpu.memory_space<hbm>>
        tpu.wait_dma2 semaphore(%run_scoped3A : memref<!tpu.dma_semaphore, #tpu.memory_space<semaphore_mem>>) src(%arg9 : memref<128x128xf32, #tpu.memory_space<vmem>>) dst(%dma_wait3A_97 : memref<128x128xf32, #tpu.memory_space<hbm>>)
        tpu.yield
      }) : () -> ()
    }
    return
  }
}

module attributes {stable_mosaic.version = 14 : i64} {
  func.func @tch(%arg0: i32, %arg1: memref<2000x128xf32, #tpu.memory_space<vmem>>, %arg2: memref<128x128xf32, #tpu.memory_space<vmem>>, %arg3: memref<1x128xf32, #tpu.memory_space<vmem>>, %arg4: memref<2000x128xf32, #tpu.memory_space<vmem>>) attributes {dimension_semantics = [#tpu.dimension_semantics<arbitrary>], iteration_bounds = array<i64: 5>, scalar_prefetch = 0 : i64, scratch_operands = 0 : i64, tpu.core_type = #tpu.core_type<tc>, window_params = [{transform_indices = @transform_0, window_bounds = array<i64: 2000, 128>}, {pipeline_mode = #tpu.pipeline_mode<synchronous>, transform_indices = @transform_1, window_bounds = array<i64: 128, 128>}, {pipeline_mode = #tpu.pipeline_mode<synchronous>, transform_indices = @transform_2, window_bounds = array<i64: 1, 128>}, {transform_indices = @transform_3, window_bounds = array<i64: 2000, 128>}]} {
    %get3A = arith.constant 0 : index
    %get3A_0 = arith.constant 0 : index
    %get3A_1 = vector.load %arg1[%get3A, %get3A_0] : memref<2000x128xf32, #tpu.memory_space<vmem>>, vector<2000x128xf32>
    %get3A_2 = arith.constant 0 : index
    %get3A_3 = arith.constant 0 : index
    %get3A_4 = vector.load %arg2[%get3A_2, %get3A_3] : memref<128x128xf32, #tpu.memory_space<vmem>>, vector<128x128xf32>
    %dot_general3A = arith.constant dense<0.000000e+00> : vector<2000x128xf32>
    %dot_general3A_5 = tpu.matmul %get3A_1, %get3A_4, %dot_general3A {dimension_numbers = #tpu.dot_dimension_numbers<[1], [0], [0], [1], [0, 0, 1, 1], [], []>, transpose_lhs_hint = false} : vector<2000x128xf32>, vector<128x128xf32>, vector<2000x128xf32> -> vector<2000x128xf32>
    %get3A_6 = arith.constant 0 : index
    %get3A_7 = arith.constant 0 : index
    %get3A_8 = vector.load %arg3[%get3A_6, %get3A_7] : memref<1x128xf32, #tpu.memory_space<vmem>>, vector<1x128xf32>
    %add3A = vector.broadcast %get3A_8 : vector<1x128xf32> to vector<2000x128xf32>
    %add3A_9 = arith.addf %dot_general3A_5, %add3A : vector<2000x128xf32>
    %swap3A = arith.constant 0 : index
    %swap3A_10 = arith.constant 0 : index
    %swap3A_11 = vector.load %arg4[%swap3A, %swap3A_10] : memref<2000x128xf32, #tpu.memory_space<vmem>>, vector<2000x128xf32>
    tpu.vector_store %arg4[%swap3A, %swap3A_10], %add3A_9 {strides = array<i32>} : memref<2000x128xf32, #tpu.memory_space<vmem>>, vector<2000x128xf32>,
    return
  }
  func.func @transform_0(%arg0: i32) -> (i32, i32) {
    %c0_i32 = arith.constant 0 : i32
    %c0_i32_0 = arith.constant 0 : i32
    return %arg0, %c0_i32 : i32, i32
  }
  func.func @transform_1(%arg0: i32) -> (i32, i32) {
    %c0_i32 = arith.constant 0 : i32
    %c0_i32_0 = arith.constant 0 : i32
    %c0_i32_1 = arith.constant 0 : i32
    return %c0_i32, %c0_i32_0 : i32, i32
  }
  func.func @transform_2(%arg0: i32) -> (i32, i32) {
    %c0_i32 = arith.constant 0 : i32
    %c0_i32_0 = arith.constant 0 : i32
    %c0_i32_1 = arith.constant 0 : i32
    return %c0_i32, %c0_i32_0 : i32, i32
  }
  func.func @transform_3(%arg0: i32) -> (i32, i32) {
    %c0_i32 = arith.constant 0 : i32
    %c0_i32_0 = arith.constant 0 : i32
    return %arg0, %c0_i32 : i32, i32
  }
}

module attributes {stable_mosaic.version = 14 : i64} {
  func.func @tc1(%arg0: i32, %arg1: memref<2000x128xf32, #tpu.memory_space<vmem>>, %arg2: memref<2000x2xf32, #tpu.memory_space<vmem>>, %arg3: memref<2000x128xf32, #tpu.memory_space<vmem>>, %arg4: memref<2000x1xf32, #tpu.memory_space<vmem>>) attributes {dimension_semantics = [#tpu.dimension_semantics<arbitrary>], iteration_bounds = array<i64: 5>, scalar_prefetch = 0 : i64, scratch_operands = 0 : i64, tpu.core_type = #tpu.core_type<tc>, window_params = [{transform_indices = @transform_0, window_bounds = array<i64: 2000, 128>}, {transform_indices = @transform_1, window_bounds = array<i64: 2000, 2>}, {transform_indices = @transform_2, window_bounds = array<i64: 2000, 128>}, {transform_indices = @transform_3, window_bounds = array<i64: 2000, 1>}]} {
    %get3A = arith.constant 0 : index
    %get3A_0 = arith.constant 0 : index
    %get3A_1 = vector.load %arg2[%get3A, %get3A_0] : memref<2000x2xf32, #tpu.memory_space<vmem>>, vector<2000x1xf32>
    %get3A_2 = vector.shape_cast %get3A_1 : vector<2000x1xf32> to vector<2000xf32>
    %get3A_3 = arith.constant 0 : index
    %get3A_4 = arith.constant 1 : index
    %get3A_5 = vector.load %arg2[%get3A_3, %get3A_4] : memref<2000x2xf32, #tpu.memory_space<vmem>>, vector<2000x1xf32>
    %get3A_6 = vector.shape_cast %get3A_5 : vector<2000x1xf32> to vector<2000xf32>
    %add3A = arith.addf %get3A_2, %get3A_6 : vector<2000xf32>
    %add3A_7 = arith.constant 1.000000e+00 : f32
    %add3A_8 = vector.broadcast %add3A_7 : f32 to vector<2000xf32>
    %add3A_9 = arith.addf %add3A, %add3A_8 : vector<2000xf32>
    %rsqrt3A = math.rsqrt %add3A_9 : vector<2000xf32>
    %get3A_10 = arith.constant 0 : index
    %get3A_11 = arith.constant 0 : index
    %get3A_12 = vector.load %arg1[%get3A_10, %get3A_11] : memref<2000x128xf32, #tpu.memory_space<vmem>>, vector<2000x128xf32>
    %broadcast_in_dim3A = vector.shape_cast %rsqrt3A : vector<2000xf32> to vector<2000x1xf32>
    %mul3A = vector.broadcast %broadcast_in_dim3A : vector<2000x1xf32> to vector<2000x128xf32>
    %mul3A_13 = arith.mulf %get3A_12, %mul3A : vector<2000x128xf32>
    %swap3A = arith.constant 0 : index
    %swap3A_14 = arith.constant 0 : index
    %swap3A_15 = vector.load %arg3[%swap3A, %swap3A_14] : memref<2000x128xf32, #tpu.memory_space<vmem>>, vector<2000x128xf32>
    tpu.vector_store %arg3[%swap3A, %swap3A_14], %mul3A_13 {strides = array<i32>} : memref<2000x128xf32, #tpu.memory_space<vmem>>, vector<2000x128xf32>,
    %broadcast_in_dim3A_16 = vector.shape_cast %rsqrt3A : vector<2000xf32> to vector<2000x1xf32>
    %swap3A_17 = arith.constant 0 : index
    %swap3A_18 = arith.constant 0 : index
    %swap3A_19 = vector.load %arg4[%swap3A_17, %swap3A_18] : memref<2000x1xf32, #tpu.memory_space<vmem>>, vector<2000x1xf32>
    tpu.vector_store %arg4[%swap3A_17, %swap3A_18], %broadcast_in_dim3A_16 {strides = array<i32>} : memref<2000x1xf32, #tpu.memory_space<vmem>>, vector<2000x1xf32>,
    return
  }
  func.func @transform_0(%arg0: i32) -> (i32, i32) {
    %c0_i32 = arith.constant 0 : i32
    %c0_i32_0 = arith.constant 0 : i32
    return %arg0, %c0_i32 : i32, i32
  }
  func.func @transform_1(%arg0: i32) -> (i32, i32) {
    %c0_i32 = arith.constant 0 : i32
    %c0_i32_0 = arith.constant 0 : i32
    return %arg0, %c0_i32 : i32, i32
  }
  func.func @transform_2(%arg0: i32) -> (i32, i32) {
    %c0_i32 = arith.constant 0 : i32
    %c0_i32_0 = arith.constant 0 : i32
    return %arg0, %c0_i32 : i32, i32
  }
  func.func @transform_3(%arg0: i32) -> (i32, i32) {
    %c0_i32 = arith.constant 0 : i32
    %c0_i32_0 = arith.constant 0 : i32
    return %arg0, %c0_i32 : i32, i32
  }
}

module attributes {stable_mosaic.version = 14 : i64} {
  func.func @tc2(%arg0: i32, %arg1: memref<2x2000x128xf32, #tpu.memory_space<vmem>>, %arg2: memref<2000x128xf32, #tpu.memory_space<vmem>>, %arg3: memref<2000x1xf32, #tpu.memory_space<vmem>>, %arg4: memref<2000x128xf32, #tpu.memory_space<vmem>>) attributes {dimension_semantics = [#tpu.dimension_semantics<arbitrary>], iteration_bounds = array<i64: 5>, scalar_prefetch = 0 : i64, scratch_operands = 0 : i64, tpu.core_type = #tpu.core_type<tc>, window_params = [{transform_indices = @transform_0, window_bounds = array<i64: 2, 2000, 128>}, {transform_indices = @transform_1, window_bounds = array<i64: 2000, 128>}, {transform_indices = @transform_2, window_bounds = array<i64: 2000, 1>}, {transform_indices = @transform_3, window_bounds = array<i64: 2000, 128>}]} {
    %get3A = arith.constant 0 : index
    %get3A_0 = arith.constant 0 : index
    %get3A_1 = vector.load %arg3[%get3A, %get3A_0] : memref<2000x1xf32, #tpu.memory_space<vmem>>, vector<2000x1xf32>
    %get3A_2 = arith.constant 0 : index
    %get3A_3 = arith.constant 0 : index
    %get3A_4 = arith.constant 0 : index
    %get3A_5 = vector.load %arg1[%get3A_2, %get3A_3, %get3A_4] : memref<2x2000x128xf32, #tpu.memory_space<vmem>>, vector<1x2000x128xf32>
    %get3A_6 = vector.shape_cast %get3A_5 : vector<1x2000x128xf32> to vector<2000x128xf32>
    %get3A_7 = arith.constant 1 : index
    %get3A_8 = arith.constant 0 : index
    %get3A_9 = arith.constant 0 : index
    %get3A_10 = vector.load %arg1[%get3A_7, %get3A_8, %get3A_9] : memref<2x2000x128xf32, #tpu.memory_space<vmem>>, vector<1x2000x128xf32>
    %get3A_11 = vector.shape_cast %get3A_10 : vector<1x2000x128xf32> to vector<2000x128xf32>
    %add3A = arith.addf %get3A_6, %get3A_11 : vector<2000x128xf32>
    %get3A_12 = arith.constant 0 : index
    %get3A_13 = arith.constant 0 : index
    %get3A_14 = vector.load %arg2[%get3A_12, %get3A_13] : memref<2000x128xf32, #tpu.memory_space<vmem>>, vector<2000x128xf32>
    %add3A_15 = arith.addf %add3A, %get3A_14 : vector<2000x128xf32>
    %mul3A = vector.broadcast %get3A_1 : vector<2000x1xf32> to vector<2000x128xf32>
    %mul3A_16 = arith.mulf %mul3A, %add3A_15 : vector<2000x128xf32>
    %swap3A = arith.constant 0 : index
    %swap3A_17 = arith.constant 0 : index
    %swap3A_18 = vector.load %arg4[%swap3A, %swap3A_17] : memref<2000x128xf32, #tpu.memory_space<vmem>>, vector<2000x128xf32>
    tpu.vector_store %arg4[%swap3A, %swap3A_17], %mul3A_16 {strides = array<i32>} : memref<2000x128xf32, #tpu.memory_space<vmem>>, vector<2000x128xf32>,
    return
  }
  func.func @transform_0(%arg0: i32) -> (i32, i32, i32) {
    %c0_i32 = arith.constant 0 : i32
    %c0_i32_0 = arith.constant 0 : i32
    %c0_i32_1 = arith.constant 0 : i32
    return %c0_i32, %arg0, %c0_i32_0 : i32, i32, i32
  }
  func.func @transform_1(%arg0: i32) -> (i32, i32) {
    %c0_i32 = arith.constant 0 : i32
    %c0_i32_0 = arith.constant 0 : i32
    return %arg0, %c0_i32 : i32, i32
  }
  func.func @transform_2(%arg0: i32) -> (i32, i32) {
    %c0_i32 = arith.constant 0 : i32
    %c0_i32_0 = arith.constant 0 : i32
    return %arg0, %c0_i32 : i32, i32
  }
  func.func @transform_3(%arg0: i32) -> (i32, i32) {
    %c0_i32 = arith.constant 0 : i32
    %c0_i32_0 = arith.constant 0 : i32
    return %arg0, %c0_i32 : i32, i32
  }
}

</mosaic_0001>

<sc_bundles>
// kernel: kernel.10.cloned.1.call-start
scs
__scs_entry_jumppad:
0x0: {  	(pc) =	sbr.rel $0x88, $3  }
0x1: {  	(tag) =	ssettag $0x0;
	lr =	simm.s32 $0x1  }
0x2: {  	[smem:$0x3F9D] =	sst lr;
	_ =	strace $0xD0000000  }
0x3: {  	_ = 	snop  }
0x4: {  	_ = 	snop  }
0x5: {  	_ = 	snop  }
0x6: {  	_ = 	snop  }
0x7: {  	_ = 	snop  }
__scs_overlays_trampoline_lowered:
0x8: {  	[smem:$0x3FAC] =	sst s0  }
0x9: {  	[smem:$0x3FAD] =	sst s1  }
0xa: {  	[smem:$0x3FAE] =	sst s2  }
0xb: {  	[smem:$0x3FAF] =	sst s3  }
0xc: {  	[smem:$0x3FB0] =	sst s4  }
0xd: {  	[smem:$0x3FB1] =	sst s5  }
0xe: {  	[smem:$0x3FB2] =	sst s6  }
0xf: {  	[smem:$0x3FB3] =	sst s7  }
0x10: {  	[smem:$0x3FB4] =	sst s8  }
0x11: {  	[smem:$0x3FB5] =	sst s9;
	s0 =	simm.s32 @!p0 $0x0  }
0x12: {  	s1 =	sld [smem:$0x3F9B];
	s0 =	simm.s32 @p0 $0x1  }
0x13: {  	[smem:$0x3FB6] =	sst s0;
	s0 =	simm.s32 @!p1 $0x0  }
0x14: {  	s2 =	sld [smem:$0x3F9A];
	s0 =	simm.s32 @p1 $0x1  }
0x15: {  	[smem:$0x3FB7] =	sst s0;
	s0 =	simm.s32 @!p2 $0x0  }
0x16: {  	s3 =	sld [smem:$0x3FDB];
	s0 =	simm.s32 @p2 $0x1  }
0x17: {  	s4 =	simm.s32 $0x1BF5;
	[smem:$0x3FB9] =	sst s0  }
0x18: {  	s0 =	sld [smem:$0x3F9C];
	_ =	swait.ge [sflag:s4], $0x0  }
0x19: {  	s7 =	sld [smem:$0x3F9D]  }
0x1a: {  	s8 =	sadd.s32 $0xFFFFE003, lr  }
0x1b: {  	s9 =	sadd.s32 $0xFFFFFEF7, lr;
	s5 =	simm.s32 $0xFFFFFFFF;
	p2 =	slt.u32 s8, $0xFFFFF086  }
0x1c: {  	p1 =	slt.u32 s9, $0xF7A;
	s5 =	simm.s32 @!p2 $0x0  }
0x1d: {  	s5 =	simm.s32 @p1 $0x1;
	p0 =	seq.s32 s7, s2  }
0x1e: {  	s7 =	smul.u32 @!p0 $0xF7A, s2;
	p2 =	seq.s32 @!p0 s5, $0x0  }
0x1f: {  	s9 =	smul.u32 $0xF7A, s1;
	s8 =	simm.s32 @!p0 $0x1BF5;
	p2 =	por !p2, p0  }
0x20: {  	[sflag:s8] =	ssyncset.s32 @!p0 $0xFFFFF086;
	s6 =	sadd.s32 @!p0 s3, s7;
	s7 =	simm.s32 @!p0 $0x108  }
0x21: {  	s3 =	sadd.s32 s3, s9;
	s6 =	sadd.s32 @!p0 $0x88, s6;
	s7 =	simm.s32 @p2 $0x1082  }
0x22: {  	[simem:s7], [sflag:s8] =	dma.local @!p0 [hbm:s6], $0xF7A  }
0x23: {  	s9 =	sor.u32 $0xD0000000, s2;
	s6 =	simm.s32 $0x108;
	_ =	swait.ge @!p0 [sflag:s8], $0x0  }
0x24: {  	s3 =	sadd.s32 $0x88, s3;
	s6 =	simm.s32 @!p1 $0x1082;
	[sflag:s4] =	ssyncset.s32 $0xFFFFF086  }
0x25: {  	[simem:s6], [sflag:s4] =	dma.local [hbm:s3], $0xF7A  }
0x26: {  	[smem:$0x3F9D] =	sst s1;
	(tag) =	ssettag s2;
	_ =	strace s9  }
0x27: {  	s1 =	sld [smem:$0x3FAD]  }
0x28: {  	s2 =	sld [smem:$0x3FAE]  }
0x29: {  	s4 =	sld [smem:$0x3FB0]  }
0x2a: {  	p0 =	seq.s32 s5, $0x0;
	s5 =	sld [smem:$0x3FB1]  }
0x2b: {  	s6 =	sld [smem:$0x3FB2]  }
0x2c: {  	s7 =	sld [smem:$0x3FB3]  }
0x2d: {  	s3 =	simm.s32 $0x108;
	s8 =	sld [smem:$0x3FB4]  }
0x2e: {  	s3 =	simm.s32 @!p0 $0x1082;
	s9 =	sld [smem:$0x3FB5]  }
0x2f: {  	lr =	sadd.s32 s0, s3;
	s0 =	sld [smem:$0x3FAC]  }
0x30: {  	s3 =	sld [smem:$0x3FAF]  }
0x31: {  	[smem:$0x3FB8] =	sst s10  }
0x32: {  	s10 =	sld [smem:$0x3FB6];
	_ =	sdelay $0x3  }
0x33: {  	p0 =	seq.s32 s10, $0x1;
	s10 =	sld [smem:$0x3FB8];
	_ =	sdelay $0x3  }
0x34: {  	[smem:$0x3FB8] =	sst s10  }
0x35: {  	s10 =	sld [smem:$0x3FB7];
	_ =	sdelay $0x3  }
0x36: {  	p1 =	seq.s32 s10, $0x1;
	s10 =	sld [smem:$0x3FB8];
	_ =	sdelay $0x3  }
0x37: {  	[smem:$0x3FB8] =	sst s10  }
0x38: {  	s10 =	sld [smem:$0x3FB9]  }
0x39: {  	_ = 	snop;
	(pc) =	sbr.ind lr, $3  }
0x3a: {  	_ = 	snop  }
0x3b: {  	_ = 	snop  }
0x3c: {  	p2 =	seq.s32 s10, $0x1;
	s10 =	sld [smem:$0x3FB8]  }
0x3d: {  	_ =	shalt  }
0x3e: {  	_ =	shalt  }
0x3f: {  	_ =	shalt  }
0x40: {  	_ =	shalt  }
0x41: {  	_ =	shalt  }
0x42: {  	_ =	shalt  }
0x43: {  	_ =	shalt  }
0x44: {  	_ =	shalt  }
0x45: {  	_ =	shalt  }
0x46: {  	_ =	shalt  }
0x47: {  	_ =	shalt  }
0x48: {  	_ =	shalt  }
0x49: {  	_ =	shalt  }
0x4a: {  	_ =	shalt  }
0x4b: {  	_ =	shalt  }
0x4c: {  	_ =	shalt  }
0x4d: {  	_ =	shalt  }
0x4e: {  	_ =	shalt  }
0x4f: {  	_ =	shalt  }
0x50: {  	_ =	shalt  }
0x51: {  	_ =	shalt  }
0x52: {  	_ =	shalt  }
0x53: {  	_ =	shalt  }
0x54: {  	_ =	shalt  }
0x55: {  	_ =	shalt  }
0x56: {  	_ =	shalt  }
0x57: {  	_ =	shalt  }
0x58: {  	_ =	shalt  }
0x59: {  	_ =	shalt  }
0x5a: {  	_ =	shalt  }
0x5b: {  	_ =	shalt  }
0x5c: {  	_ =	shalt  }
0x5d: {  	_ =	shalt  }
0x5e: {  	_ =	shalt  }
0x5f: {  	_ =	shalt  }
0x60: {  	_ =	shalt  }
0x61: {  	_ =	shalt  }
0x62: {  	_ =	shalt  }
0x63: {  	_ =	shalt  }
0x64: {  	_ =	shalt  }
0x65: {  	_ =	shalt  }
0x66: {  	_ =	shalt  }
0x67: {  	_ =	shalt  }
0x68: {  	_ =	shalt  }
0x69: {  	_ =	shalt  }
0x6a: {  	_ =	shalt  }
0x6b: {  	_ =	shalt  }
0x6c: {  	_ =	shalt  }
0x6d: {  	_ =	shalt  }
0x6e: {  	_ =	shalt  }
0x6f: {  	_ =	shalt  }
0x70: {  	_ =	shalt  }
0x71: {  	_ =	shalt  }
0x72: {  	_ =	shalt  }
0x73: {  	_ =	shalt  }
0x74: {  	_ =	shalt  }
0x75: {  	_ =	shalt  }
0x76: {  	_ =	shalt  }
0x77: {  	_ =	shalt  }
0x78: {  	_ =	shalt  }
0x79: {  	_ =	shalt  }
0x7a: {  	_ =	shalt  }
0x7b: {  	_ =	shalt  }
0x7c: {  	_ =	shalt  }
0x7d: {  	_ =	shalt  }
0x7e: {  	_ =	shalt  }
0x7f: {  	_ =	shalt  }
0x80: {  	_ =	shalt  }
0x81: {  	_ =	shalt  }
0x82: {  	_ =	shalt  }
0x83: {  	_ =	shalt  }
0x84: {  	_ =	shalt  }
0x85: {  	_ =	shalt  }
0x86: {  	_ =	shalt  }
0x87: {  	_ =	shalt  }
.Lfunc_end0:
.L_simem_size_0:
called_computation.1_lowered:
.L_overlay_start_0:
0x88: {  	s2 =	sld [smem:$0x3FD9]  }
0x89: {  	s3 =	sld [smem:$0x3FFE];
	_ =	sdelay $0x1  }
0x8a: {  	s1 =	srdreg.scid  }
0x8b: {  	s0 =	sand.u32 $0x1, s1  }
0x8c: {  	s17 =	sshll.u32 s0, $0xA;
	s2 =	sadd.s32 s3, s2  }
0x8d: {  	s2 =	sadd.s32 s2, s17  }
0x8e: {  	[smem:$0x3FC4] =	sst s2  }
0x8f: {  	_ = 	snop  }
0x90: {  	s2 =	sld [smem:$0x3FD0];
	(tm) =	ssettm $0x1  }
0x91: {  	s18 =	sld [smem:$0x3FFB];
	_ =	sdelay $0x3  }
0x92: {  	_ =	strace s18  }
0x93: {  	s3 =	sld [smem:$0x3FFC];
	_ =	sdelay $0x3  }
0x94: {  	_ =	strace s3  }
0x95: {  	s3 =	sld [smem:$0x3FFD];
	_ =	sdelay $0x3  }
0x96: {  	_ =	strace s3  }
0x97: {  	_ =	strace $0x8FFFFFFF  }
0x98: {  	s19 =	sld [smem:$0x3FDB];
	_ =	sdelay $0x1  }
0x99: {  	s4 =	simm.s32 $_scs_section_size  }
0x9a: {  	s5 =	simm.s32 $_size__tile_overlayer_lowered;
	s6 =	simm.s32 $_tile_overlayer_lowered  }
0x9b: {  	s22 =	simm.s32 $0x1BFF;
	s21 =	sshll.u32 s6, $0x1;
	s3 =	sadd.s32 s4, s19  }
0x9c: {  	s7 =	simm.s32 $0x0;
	s20 =	sshll.u32 s5, $0x1;
	s5 =	sadd.s32 s21, s3  }
0x9d: {  	[timem:s7], [sflag:s22] =	dma.local [hbm:s5], s20  }
0x9e: {  	_ =	swait.ge [sflag:s22], s20  }
0x9f: {  	s4 =	ssub.s32 $0x0, s20;
	[sflag:s22] =	ssyncset.done $0x0  }
0xa0: {  	[sflag:s22] =	ssyncadd.s32 s4;
	_ =	sdelay $0x1  }
0xa1: {  	s23 =	simm.s32 $0x1B8B  }
0xa2: {  	_ =	swait.ge [sflag:s23], $0x1  }
0xa3: {  	[sflag:s23] =	ssyncset.done $0x0  }
0xa4: {  	s25 =	simm.s32 $0x1B8E;
	s24 =	sld [smem:$0x3FFE];
	[sflag:s23] =	ssyncadd.s32 $0xFFFFFFFF  }
0xa5: {  	s26 =	simm.s32 $execute0_lowered;
	[smem:$0x3FD2] =	sst s25  }
0xa6: {  	s5 =	sshll.u32 s26, $0x1;
	_ =	strace $0x80000049;
	[dreg:$0x1] =	wrdreg $0xFFFFFFFF  }
0xa7: {  	s28 =	simm.s32 $_size_execute0_lowered;
	s3 =	sadd.s32 s3, s5;
	[dreg:$0x0] =	wrdreg $0x0  }
0xa8: {  	s5 =	sshll.u32 s28, $0x1;
	[dreg:$0x2] =	wrdreg s3  }
0xa9: {  	[dreg:$0x3] =	wrdreg s5  }
0xaa: {  	[dreg:$0x4] =	wrdreg $0xC0  }
0xab: {  	_ =	task [dreg:s7], $0x5FFFF  }
0xac: {  	[dreg:$0x1] =	wrdreg $0xFFFFFFFF  }
0xad: {  	[dreg:$0x0] =	wrdreg $0x60  }
0xae: {  	[dreg:$0x2] =	wrdreg s24  }
0xaf: {  	[dreg:$0x3] =	wrdreg s2  }
0xb0: {  	[dreg:$0x4] =	wrdreg $0xA8800  }
0xb1: {  	[dreg:$0x5] =	wrdreg $0x9  }
0xb2: {  	_ =	task.clear_ibuf [dreg:s7], $0x6FFFF;
	_ =	strace $0x90000049  }
0xb3: {  	s29 =	simm.s32 $0x9;
	_ =	strace $0x8000004B  }
0xb4: {  	_ =	swait.ge [sflag:s29], $0x1  }
0xb5: {  	[sflag:s29] =	ssyncadd.s32 $0xFFFFFFFF  }
0xb6: {  	_ =	strace $0x9000004B  }
0xb7: {  	_ =	sfence  }
0xb8: {  	s30 =	sld [smem:$0x0];
	_ =	sdelay $0x2  }
0xb9: {  	s31 =	sshll.u32 s1, $0xD;
	s1 =	sshrl.u32 s1, $0x2  }
0xba: {  	s3 =	sand.u32 $0x4000, s31;
	s1 =	sadd.s32 s1, s30  }
0xbb: {  	s0 =	sor.u32 s3, s0;
	s1 =	sshll.u32 s1, $0x11  }
0xbc: {  	s0 =	sor.u32 s1, s0  }
0xbd: {  	s0 =	sadd.s32 $0x8F2B, s0  }
0xbe: {  	[sflag:s0] =	ssyncadd.remote.s32 $0x1  }
0xbf: {  	_ =	sfence.sel $0xFFFF  }
0xc0: {  	[dreg:$0x0] =	wrdreg $0xFFFFFFFF;
	(pc) =	sbr.abs _section_cstart, $3  }
0xc1: {  	[dreg:$0x1] =	wrdreg $0xFFFFFFFF  }
0xc2: {  	_ =	task.clear_ibuf [dreg:s7], $0x2FFFF;
	_ =	strace $0x9FFFFFFF  }
0xc3: {  	(tm) =	ssettm $0x7FFFFFFF  }
tec
execute0_lowered:
.L_overlay_start_1:
0x0: {  	(tag) =	ssettag $0x1  }
0x1: {  	s5 =	rddreg [dreg:$0x0]  }
0x2: {  	s1 =	rddreg [dreg:$0x1]  }
0x3: {  	s2 =	rddreg [dreg:$0x2]  }
0x4: {  	s0 =	rddreg [dreg:$0x3]  }
0x5: {  	s4 =	simm.s32 $0x0;
	s3 =	srdreg.scid;
	s18 =	simm.s32 $0x3  }
0x6: {  	s19 =	simm.s32 $0x1400;
	s20 =	simm.s32 $0x80;
	s21 =	simm.s32 $0x6880  }
0x7: {  	s22 =	simm.s32 $0x1;
	s23 =	simm.s32 $0x2800;
	s24 =	simm.s32 $0x2  }
0x8: {  	s25 =	simm.s32 $0x0;
	[smem:$0x7FF] =	sst s4;
	s7 =	sand.u32 $0x1, s3  }
0x9: {  	s3 =	stileid.u32;
	s13 =	sadd.s32 $0x1C00, s5;
	s14 =	sadd.s32 $0xBC00, s5  }
0xa: {  	s6 =	smul.u32 $0x13C000, s7;
	_ =	strace $0x8000004A;
	s8 =	sshll.u32 s3, $0xE  }
0xb: {  	s9 =	ssub.s32 $0x2, s7;
	s11 =	smul.u32 $0x2800, s3;
	s29 =	ssub.s32 $0x5E, s3  }
0xc: {  	s30 =	smul.u32 $0x500, s3;
	p0 =	seq.s32 s7, $0x1;
	s10 =	sshrl.u32 s9, $0x1  }
0xd: {  	s6 =	sadd.s32 s8, s6;
	s15 =	ssub.s32 s9, s10;
	s11 =	sshrl.u32 s11, $0x3  }
0xe: {  	s7 =	sadd.s32 s13, s30;
	s6 =	sshrl.u32 s6, $0x3;
	s31 =	sadd.s32 $0x280, s11  }
0xf: {  	s12 =	sadd.s32 $0x5000, s11;
	s17 =	sadd.s32 $0x5280, s11;
	s15 =	smax.u32 s15, $0x1  }
0x10: {  	s16 =	sadd.s32 s6, s5;
	s5 =	sshrl.u32 s29, $0x4;
	s6 =	sadd.s32 s8, s2  }
0x11: {  	s8 =	sadd.s32 s14, s30;
	s9 =	sadd.s32 s13, s31;
	s10 =	sadd.s32 s14, s31  }
0x12: {  	s11 =	sadd.s32 s13, s12;
	s12 =	sadd.s32 s14, s12;
	s13 =	sadd.s32 s13, s17  }
0x13: {  	v0 =	vimm.f32 $0.0e+00;
	s14 =	sadd.s32 s14, s17;
	s17 =	simm.s32 $0x2880;
	s16 =	sadd.s32 $0x15C00, s16  }
.LBB2_1:
0x14: {  	s26 =	simm.s32 $0x0;
	s28 =	simm.s32 $0x200  }
.LBB2_2:
0x15: {  	p1 =	sne.s32 s28, $0xFE00;
	[tilespmem:s26+$0x28F0] =	vst v0  }
0x16: {  	[tilespmem:s26+$0x2880] =	vst v0  }
0x17: {  	[tilespmem:s26+$0x2890] =	vst v0  }
.Ltmp0:
0x18: {  	[tilespmem:s26+$0x28A0] =	vst v0;
	(pc) =	sbr.rel @p1 .LBB2_2-.Ltmp0, $4  }
0x19: {  	[tilespmem:s26+$0x28B0] =	vst v0  }
0x1a: {  	[tilespmem:s26+$0x28C0] =	vst v0  }
0x1b: {  	[tilespmem:s26+$0x28D0] =	vst v0  }
0x1c: {  	[tilespmem:s26+$0x28E0] =	vst v0;
	s26 =	sshra.s32 s28, $0x2;
	s28 =	sadd.s32 $0x200, s28  }
0x1d: {  	[tilespmem:s26+$0x28F0] =	vst v0  }
0x1e: {  	[tilespmem:s26+$0x2880] =	vst v0  }
0x1f: {  	[tilespmem:s26+$0x2890] =	vst v0  }
0x20: {  	[tilespmem:s26+$0x28A0] =	vst v0  }
0x21: {  	[tilespmem:s26+$0x28B0] =	vst v0  }
0x22: {  	[tilespmem:s26+$0x28C0] =	vst v0;
	p1 =	sne.s32 s5, $0x1  }
.Ltmp1:
0x23: {  	[tilespmem:s26+$0x28D0] =	vst v0;
	(pc) =	sbr.rel @!p1 .LBB2_5-.Ltmp1, $4  }
0x24: {  	[tilespmem:s26+$0x28E0] =	vst v0  }
0x25: {  	[spmem:s6] =	stream.linear.scatter [tilespmem:s17], [sflag:$0x3], $0x4000, $0x38;
	[tilespmem:$0x1E480] =	vst v63  }
0x26: {  	_ =	swait.ge [sflag:s18], $0x4000  }
0x27: {  	s26 =	sadd.s32 $0xFFFFFFFF, s5;
	s28 =	smov.u32 s6;
	[sflag:s18] =	ssyncset.done $0x0  }
.LBB2_4:
0x28: {  	p2 =	sne.s32 s26, $0x1;
	[sflag:s18] =	ssyncadd.s32 $0xFFFFC000;
	s28 =	sadd.s32 $0x40000, s28  }
.Ltmp2:
0x29: {  	s26 =	sadd.s32 $0xFFFFFFFF, s26;
	(pc) =	sbr.rel @p2 .LBB2_4-.Ltmp2, $4  }
0x2a: {  	_ = 	snop  }
0x2b: {  	[spmem:s28] =	stream.linear.scatter [tilespmem:s17], [sflag:$0x3], $0x4000, $0x38;
	[tilespmem:$0x1E480] =	vst v63  }
0x2c: {  	_ =	swait.ge [sflag:s18], $0x4000  }
0x2d: {  	[sflag:s18] =	ssyncset.done $0x0  }
.LBB2_5:
.Ltmp3:
0x2e: {  	(pc) =	sbr.rel @!p0 .LBB2_6-.Ltmp3, $4  }
0x2f: {  	_ = 	snop  }
0x30: {  	[sflag:s18] =	ssyncadd.s32 $0xFFFFC000  }
0x31: {  	[bflag:$0x0] =	sbarrier.arrive $0xFFFF  }
0x32: {  	s26 =	simm.s32 $0x0  }
0x33: {  	[tilespmem:s26], [sflag:$0x3] =	stream.linear.gather [hbm4b:s11+s26], $0x1400, $0x38;
	[tilespmem:$0x1E480] =	vst v63  }
0x34: {  	_ =	swait.ge [sflag:s18], $0x1400  }
0x35: {  	[sflag:s18] =	ssyncset.done $0x0  }
0x36: {  	[sflag:s18] =	ssyncadd.s32 $0xFFFFEC00  }
0x37: {  	[tilespmem:s19], [sflag:$0x3] =	stream.linear.gather [hbm4b:s12+s26], $0x1400, $0x38;
	[tilespmem:$0x1E480] =	vst v63  }
0x38: {  	_ =	swait.ge [sflag:s18], $0x1400  }
0x39: {  	[sflag:s18] =	ssyncset.done $0x0  }
0x3a: {  	[sflag:s18] =	ssyncadd.s32 $0xFFFFEC00  }
0x3b: {  	[tilespmem:s17], [sflag:$0x1] =	stream.indirect.gather [hbm4b:s1+s20], $0x80, s26, s20, $0xb8;
	[tilespmem:$0x1E480] =	vst v63  }
0x3c: {  	_ = 	snop  }
0x3d: {  	[tilespmem:s21], [sflag:$0x2] =	stream.indirect.gather [hbm4b:s1+s20], $0x80, s20, s20, $0xb8;
	[tilespmem:$0x1E480] =	vst v63  }
0x3e: {  	_ =	swait.ge [sflag:s22], $0x4000  }
0x3f: {  	[sflag:s22] =	ssyncset.done $0x0  }
0x40: {  	s31 =	simm.s32 $0x0;
	[sflag:s22] =	ssyncadd.s32 $0xFFFFC000  }
0x41: {  	v1 =	vld [tilespmem:s31+$0x1400];
	_ =	sdelay $0x4  }
0x42: {  	[tilespmem:$0x2800] =	vst v1  }
0x43: {  	v1 =	vld [tilespmem:s31+$0x1410];
	_ =	sdelay $0x4  }
0x44: {  	[tilespmem:$0x2810] =	vst v1  }
0x45: {  	v1 =	vld [tilespmem:s31+$0x1420];
	_ =	sdelay $0x4  }
0x46: {  	[tilespmem:$0x2820] =	vst v1  }
0x47: {  	v1 =	vld [tilespmem:s31+$0x1430];
	_ =	sdelay $0x4  }
0x48: {  	[tilespmem:$0x2830] =	vst v1  }
0x49: {  	v1 =	vld [tilespmem:s31+$0x1440];
	_ =	sdelay $0x4  }
0x4a: {  	[tilespmem:$0x2840] =	vst v1  }
0x4b: {  	v1 =	vld [tilespmem:s31+$0x1450];
	_ =	sdelay $0x4  }
0x4c: {  	[tilespmem:$0x2850] =	vst v1  }
0x4d: {  	v1 =	vld [tilespmem:s31+$0x1460];
	_ =	sdelay $0x4  }
0x4e: {  	[tilespmem:$0x2860] =	vst v1  }
0x4f: {  	v1 =	vld [tilespmem:s31+$0x1470];
	_ =	sdelay $0x4  }
0x50: {  	[tilespmem:$0x2870] =	vst v1  }
0x51: {  	[spmem:s2] =	stream.indirect.scatter.add.f32 [tilespmem:s17], [sflag:$0x3], $0x80, s23, s20, $0xb8;
	[tilespmem:$0x1E480] =	vst v63  }
0x52: {  	_ =	swait.ge [sflag:s18], $0x4000  }
0x53: {  	[sflag:s18] =	ssyncset.done $0x0  }
0x54: {  	s28 =	simm.s32 $0x100;
	[sflag:s18] =	ssyncadd.s32 $0xFFFFC000  }
0x55: {  	[tilespmem:s17], [sflag:$0x1] =	stream.indirect.gather [hbm4b:s1+s20], $0x80, s28, s20, $0xb8;
	[tilespmem:$0x1E480] =	vst v63  }
0x56: {  	_ =	swait.ge [sflag:s24], $0x4000  }
0x57: {  	[sflag:s24] =	ssyncset.done $0x0  }
0x58: {  	[sflag:s24] =	ssyncadd.s32 $0xFFFFC000  }
0x59: {  	v1 =	vld [tilespmem:s31+$0x1480];
	_ =	sdelay $0x4  }
0x5a: {  	[tilespmem:$0x2800] =	vst v1  }
0x5b: {  	v1 =	vld [tilespmem:s31+$0x1490];
	_ =	sdelay $0x4  }
0x5c: {  	[tilespmem:$0x2810] =	vst v1  }
0x5d: {  	v1 =	vld [tilespmem:s31+$0x14A0];
	_ =	sdelay $0x4  }
0x5e: {  	[tilespmem:$0x2820] =	vst v1  }
0x5f: {  	v1 =	vld [tilespmem:s31+$0x14B0];
	_ =	sdelay $0x4  }
0x60: {  	[tilespmem:$0x2830] =	vst v1  }
0x61: {  	v1 =	vld [tilespmem:s31+$0x14C0];
	_ =	sdelay $0x4  }
0x62: {  	[tilespmem:$0x2840] =	vst v1  }
0x63: {  	v1 =	vld [tilespmem:s31+$0x14D0];
	_ =	sdelay $0x4  }
0x64: {  	[tilespmem:$0x2850] =	vst v1  }
0x65: {  	v1 =	vld [tilespmem:s31+$0x14E0];
	_ =	sdelay $0x4  }
0x66: {  	[tilespmem:$0x2860] =	vst v1  }
0x67: {  	v1 =	vld [tilespmem:s31+$0x14F0];
	_ =	sdelay $0x4  }
0x68: {  	[tilespmem:$0x2870] =	vst v1  }
0x69: {  	[spmem:s2] =	stream.indirect.scatter.add.f32 [tilespmem:s21], [sflag:$0x3], $0x80, s23, s20, $0xb8;
	[tilespmem:$0x1E480] =	vst v63  }
0x6a: {  	_ =	swait.ge [sflag:s18], $0x4000  }
0x6b: {  	[sflag:s18] =	ssyncset.done $0x0  }
0x6c: {  	s26 =	simm.s32 $0x400;
	s28 =	simm.s32 $0x180;
	[sflag:s18] =	ssyncadd.s32 $0xFFFFC000  }
.LBB2_12:
0x6d: {  	[tilespmem:s21], [sflag:$0x2] =	stream.indirect.gather [hbm4b:s1+s20], $0x80, s28, s20, $0xb8;
	[tilespmem:$0x1E480] =	vst v63  }
0x6e: {  	s28 =	smov.u32 s26  }
0x6f: {  	p2 =	sne.s32 s26, $0x4800;
	s26 =	sadd.s32 $0x400, s26;
	_ =	swait.ge [sflag:s22], $0x4000  }
0x70: {  	[sflag:s22] =	ssyncset.done $0x0  }
0x71: {  	s28 =	sshra.s32 s28, $0x2;
	[sflag:s22] =	ssyncadd.s32 $0xFFFFC000  }
0x72: {  	v1 =	vld [tilespmem:s28+$0x1400];
	_ =	sdelay $0x4  }
0x73: {  	[tilespmem:$0x2800] =	vst v1  }
0x74: {  	v1 =	vld [tilespmem:s28+$0x1410];
	_ =	sdelay $0x4  }
0x75: {  	[tilespmem:$0x2810] =	vst v1  }
0x76: {  	v1 =	vld [tilespmem:s28+$0x1420];
	_ =	sdelay $0x4  }
0x77: {  	[tilespmem:$0x2820] =	vst v1  }
0x78: {  	v1 =	vld [tilespmem:s28+$0x1430];
	_ =	sdelay $0x4  }
0x79: {  	[tilespmem:$0x2830] =	vst v1  }
0x7a: {  	v1 =	vld [tilespmem:s28+$0x1440];
	_ =	sdelay $0x4  }
0x7b: {  	[tilespmem:$0x2840] =	vst v1  }
0x7c: {  	v1 =	vld [tilespmem:s28+$0x1450];
	_ =	sdelay $0x4  }
0x7d: {  	[tilespmem:$0x2850] =	vst v1  }
0x7e: {  	v1 =	vld [tilespmem:s28+$0x1460];
	_ =	sdelay $0x4  }
0x7f: {  	[tilespmem:$0x2860] =	vst v1  }
0x80: {  	v1 =	vld [tilespmem:s28+$0x1470];
	_ =	sdelay $0x4  }
0x81: {  	[tilespmem:$0x2870] =	vst v1  }
0x82: {  	[spmem:s2] =	stream.indirect.scatter.add.f32 [tilespmem:s17], [sflag:$0x3], $0x80, s23, s20, $0xb8;
	[tilespmem:$0x1E480] =	vst v63  }
0x83: {  	_ =	swait.ge [sflag:s18], $0x4000  }
0x84: {  	[sflag:s18] =	ssyncset.done $0x0  }
0x85: {  	s29 =	sadd.s32 $0x100, s28;
	[sflag:s18] =	ssyncadd.s32 $0xFFFFC000  }
0x86: {  	[tilespmem:s17], [sflag:$0x1] =	stream.indirect.gather [hbm4b:s1+s20], $0x80, s29, s20, $0xb8;
	[tilespmem:$0x1E480] =	vst v63  }
0x87: {  	_ =	swait.ge [sflag:s24], $0x4000  }
0x88: {  	[sflag:s24] =	ssyncset.done $0x0  }
0x89: {  	[sflag:s24] =	ssyncadd.s32 $0xFFFFC000  }
0x8a: {  	v1 =	vld [tilespmem:s28+$0x1480];
	_ =	sdelay $0x4  }
0x8b: {  	[tilespmem:$0x2800] =	vst v1  }
0x8c: {  	v1 =	vld [tilespmem:s28+$0x1490];
	_ =	sdelay $0x4  }
0x8d: {  	[tilespmem:$0x2810] =	vst v1  }
0x8e: {  	v1 =	vld [tilespmem:s28+$0x14A0];
	_ =	sdelay $0x4  }
0x8f: {  	[tilespmem:$0x2820] =	vst v1  }
0x90: {  	v1 =	vld [tilespmem:s28+$0x14B0];
	_ =	sdelay $0x4  }
0x91: {  	[tilespmem:$0x2830] =	vst v1  }
0x92: {  	v1 =	vld [tilespmem:s28+$0x14C0];
	_ =	sdelay $0x4  }
0x93: {  	[tilespmem:$0x2840] =	vst v1  }
0x94: {  	v1 =	vld [tilespmem:s28+$0x14D0];
	_ =	sdelay $0x4  }
0x95: {  	[tilespmem:$0x2850] =	vst v1  }
0x96: {  	v1 =	vld [tilespmem:s28+$0x14E0];
	_ =	sdelay $0x4  }
0x97: {  	[tilespmem:$0x2860] =	vst v1  }
0x98: {  	v1 =	vld [tilespmem:s28+$0x14F0];
	_ =	sdelay $0x4  }
.Ltmp4:
0x99: {  	[tilespmem:$0x2870] =	vst v1;
	(pc) =	sbr.rel @p2 .LBB2_12-.Ltmp4, $4  }
0x9a: {  	[spmem:s2] =	stream.indirect.scatter.add.f32 [tilespmem:s21], [sflag:$0x3], $0x80, s23, s20, $0xb8;
	[tilespmem:$0x1E480] =	vst v63  }
0x9b: {  	_ =	swait.ge [sflag:s18], $0x4000  }
0x9c: {  	[sflag:s18] =	ssyncset.done $0x0  }
0x9d: {  	s28 =	sadd.s32 $0x180, s28;
	[sflag:s18] =	ssyncadd.s32 $0xFFFFC000  }
0x9e: {  	[tilespmem:s21], [sflag:$0x2] =	stream.indirect.gather [hbm4b:s1+s20], $0x80, s28, s20, $0xb8;
	[tilespmem:$0x1E480] =	vst v63  }
0x9f: {  	_ =	swait.ge [sflag:s22], $0x4000  }
0xa0: {  	[sflag:s22] =	ssyncset.done $0x0  }
0xa1: {  	[sflag:s22] =	ssyncadd.s32 $0xFFFFC000  }
0xa2: {  	v1 =	vld [tilespmem:$0x2700]  }
0xa3: {  	v2 =	vld [tilespmem:$0x2710]  }
0xa4: {  	v3 =	vld [tilespmem:$0x2720]  }
0xa5: {  	v4 =	vld [tilespmem:$0x2730]  }
0xa6: {  	v5 =	vld [tilespmem:$0x2740]  }
0xa7: {  	[tilespmem:$0x2800] =	vst v1;
	v1 =	vld [tilespmem:$0x2750]  }
0xa8: {  	[tilespmem:$0x2810] =	vst v2;
	v2 =	vld [tilespmem:$0x2760]  }
0xa9: {  	[tilespmem:$0x2820] =	vst v3;
	v3 =	vld [tilespmem:$0x2770]  }
0xaa: {  	[tilespmem:$0x2830] =	vst v4  }
0xab: {  	[tilespmem:$0x2840] =	vst v5  }
0xac: {  	[tilespmem:$0x2850] =	vst v1  }
0xad: {  	[tilespmem:$0x2860] =	vst v2  }
0xae: {  	[tilespmem:$0x2870] =	vst v3  }
0xaf: {  	[spmem:s2] =	stream.indirect.scatter.add.f32 [tilespmem:s17], [sflag:$0x3], $0x80, s23, s20, $0xb8;
	[tilespmem:$0x1E480] =	vst v63  }
0xb0: {  	_ =	swait.ge [sflag:s18], $0x4000  }
0xb1: {  	[sflag:s18] =	ssyncset.done $0x0  }
0xb2: {  	[sflag:s18] =	ssyncadd.s32 $0xFFFFC000  }
0xb3: {  	_ =	swait.ge [sflag:s24], $0x4000  }
0xb4: {  	[sflag:s24] =	ssyncset.done $0x0  }
0xb5: {  	[sflag:s24] =	ssyncadd.s32 $0xFFFFC000  }
0xb6: {  	v1 =	vld [tilespmem:$0x2780]  }
0xb7: {  	v2 =	vld [tilespmem:$0x2790]  }
0xb8: {  	v3 =	vld [tilespmem:$0x27A0]  }
0xb9: {  	v62 =	vld [tilespmem:$0x27B0]  }
0xba: {  	v63 =	vld [tilespmem:$0x27C0]  }
0xbb: {  	[tilespmem:$0x2800] =	vst v1;
	v1 =	vld [tilespmem:$0x27D0]  }
0xbc: {  	[tilespmem:$0x2810] =	vst v2;
	v2 =	vld [tilespmem:$0x27E0]  }
0xbd: {  	[tilespmem:$0x2820] =	vst v3;
	v3 =	vld [tilespmem:$0x27F0]  }
0xbe: {  	[tilespmem:$0x2830] =	vst v62  }
0xbf: {  	[tilespmem:$0x2840] =	vst v63  }
0xc0: {  	[tilespmem:$0x2850] =	vst v1  }
0xc1: {  	[tilespmem:$0x2860] =	vst v2  }
0xc2: {  	[tilespmem:$0x2870] =	vst v3  }
0xc3: {  	[spmem:s2] =	stream.indirect.scatter.add.f32 [tilespmem:s21], [sflag:$0x3], $0x80, s23, s20, $0xb8;
	[tilespmem:$0x1E480] =	vst v63  }
0xc4: {  	_ =	swait.ge [sflag:s18], $0x4000  }
0xc5: {  	[sflag:s18] =	ssyncset.done $0x0  }
0xc6: {  	s26 =	simm.s32 $0x0;
	[sflag:s18] =	ssyncadd.s32 $0xFFFFC000  }
0xc7: {  	[tilespmem:s26], [sflag:$0x3] =	stream.linear.gather [hbm4b:s13+s26], $0x1400, $0x38;
	[tilespmem:$0x1E480] =	vst v63  }
0xc8: {  	_ =	swait.ge [sflag:s18], $0x1400  }
0xc9: {  	[sflag:s18] =	ssyncset.done $0x0  }
0xca: {  	[sflag:s18] =	ssyncadd.s32 $0xFFFFEC00  }
0xcb: {  	[tilespmem:s19], [sflag:$0x3] =	stream.linear.gather [hbm4b:s14+s26], $0x1400, $0x38;
	[tilespmem:$0x1E480] =	vst v63  }
0xcc: {  	_ =	swait.ge [sflag:s18], $0x1400  }
0xcd: {  	[sflag:s18] =	ssyncset.done $0x0  }
0xce: {  	[sflag:s18] =	ssyncadd.s32 $0xFFFFEC00  }
0xcf: {  	[tilespmem:s17], [sflag:$0x1] =	stream.indirect.gather [hbm4b:s1+s20], $0x80, s26, s20, $0xb8;
	[tilespmem:$0x1E480] =	vst v63  }
0xd0: {  	_ = 	snop  }
0xd1: {  	[tilespmem:s21], [sflag:$0x2] =	stream.indirect.gather [hbm4b:s1+s20], $0x80, s20, s20, $0xb8;
	[tilespmem:$0x1E480] =	vst v63  }
0xd2: {  	_ =	swait.ge [sflag:s22], $0x4000  }
0xd3: {  	[sflag:s22] =	ssyncset.done $0x0  }
0xd4: {  	s31 =	simm.s32 $0x0;
	[sflag:s22] =	ssyncadd.s32 $0xFFFFC000  }
0xd5: {  	v1 =	vld [tilespmem:s31+$0x1400];
	_ =	sdelay $0x4  }
0xd6: {  	[tilespmem:$0x2800] =	vst v1  }
0xd7: {  	v1 =	vld [tilespmem:s31+$0x1410];
	_ =	sdelay $0x4  }
0xd8: {  	[tilespmem:$0x2810] =	vst v1  }
0xd9: {  	v1 =	vld [tilespmem:s31+$0x1420];
	_ =	sdelay $0x4  }
0xda: {  	[tilespmem:$0x2820] =	vst v1  }
0xdb: {  	v1 =	vld [tilespmem:s31+$0x1430];
	_ =	sdelay $0x4  }
0xdc: {  	[tilespmem:$0x2830] =	vst v1  }
0xdd: {  	v1 =	vld [tilespmem:s31+$0x1440];
	_ =	sdelay $0x4  }
0xde: {  	[tilespmem:$0x2840] =	vst v1  }
0xdf: {  	v1 =	vld [tilespmem:s31+$0x1450];
	_ =	sdelay $0x4  }
0xe0: {  	[tilespmem:$0x2850] =	vst v1  }
0xe1: {  	v1 =	vld [tilespmem:s31+$0x1460];
	_ =	sdelay $0x4  }
0xe2: {  	[tilespmem:$0x2860] =	vst v1  }
0xe3: {  	v1 =	vld [tilespmem:s31+$0x1470];
	_ =	sdelay $0x4  }
0xe4: {  	[tilespmem:$0x2870] =	vst v1  }
0xe5: {  	[spmem:s2] =	stream.indirect.scatter.add.f32 [tilespmem:s17], [sflag:$0x3], $0x80, s23, s20, $0xb8;
	[tilespmem:$0x1E480] =	vst v63  }
0xe6: {  	_ =	swait.ge [sflag:s18], $0x4000  }
0xe7: {  	[sflag:s18] =	ssyncset.done $0x0  }
0xe8: {  	s28 =	simm.s32 $0x100;
	[sflag:s18] =	ssyncadd.s32 $0xFFFFC000  }
0xe9: {  	[tilespmem:s17], [sflag:$0x1] =	stream.indirect.gather [hbm4b:s1+s20], $0x80, s28, s20, $0xb8;
	[tilespmem:$0x1E480] =	vst v63  }
0xea: {  	_ =	swait.ge [sflag:s24], $0x4000  }
0xeb: {  	[sflag:s24] =	ssyncset.done $0x0  }
0xec: {  	[sflag:s24] =	ssyncadd.s32 $0xFFFFC000  }
0xed: {  	v1 =	vld [tilespmem:s31+$0x1480];
	_ =	sdelay $0x4  }
0xee: {  	[tilespmem:$0x2800] =	vst v1  }
0xef: {  	v1 =	vld [tilespmem:s31+$0x1490];
	_ =	sdelay $0x4  }
0xf0: {  	[tilespmem:$0x2810] =	vst v1  }
0xf1: {  	v1 =	vld [tilespmem:s31+$0x14A0];
	_ =	sdelay $0x4  }
0xf2: {  	[tilespmem:$0x2820] =	vst v1  }
0xf3: {  	v1 =	vld [tilespmem:s31+$0x14B0];
	_ =	sdelay $0x4  }
0xf4: {  	[tilespmem:$0x2830] =	vst v1  }
0xf5: {  	v1 =	vld [tilespmem:s31+$0x14C0];
	_ =	sdelay $0x4  }
0xf6: {  	[tilespmem:$0x2840] =	vst v1  }
0xf7: {  	v1 =	vld [tilespmem:s31+$0x14D0];
	_ =	sdelay $0x4  }
0xf8: {  	[tilespmem:$0x2850] =	vst v1  }
0xf9: {  	v1 =	vld [tilespmem:s31+$0x14E0];
	_ =	sdelay $0x4  }
0xfa: {  	[tilespmem:$0x2860] =	vst v1  }
0xfb: {  	v1 =	vld [tilespmem:s31+$0x14F0];
	_ =	sdelay $0x4  }
0xfc: {  	[tilespmem:$0x2870] =	vst v1  }
0xfd: {  	[spmem:s2] =	stream.indirect.scatter.add.f32 [tilespmem:s21], [sflag:$0x3], $0x80, s23, s20, $0xb8;
	[tilespmem:$0x1E480] =	vst v63  }
0xfe: {  	_ =	swait.ge [sflag:s18], $0x4000  }
0xff: {  	[sflag:s18] =	ssyncset.done $0x0  }
0x100: {  	s26 =	simm.s32 $0x400;
	s28 =	simm.s32 $0x180;
	[sflag:s18] =	ssyncadd.s32 $0xFFFFC000  }
.LBB2_14:
0x101: {  	[tilespmem:s21], [sflag:$0x2] =	stream.indirect.gather [hbm4b:s1+s20], $0x80, s28, s20, $0xb8;
	[tilespmem:$0x1E480] =	vst v63  }
0x102: {  	s28 =	smov.u32 s26  }
0x103: {  	p2 =	sne.s32 s26, $0x4800;
	s26 =	sadd.s32 $0x400, s26;
	_ =	swait.ge [sflag:s22], $0x4000  }
0x104: {  	[sflag:s22] =	ssyncset.done $0x0  }
0x105: {  	s28 =	sshra.s32 s28, $0x2;
	[sflag:s22] =	ssyncadd.s32 $0xFFFFC000  }
0x106: {  	v1 =	vld [tilespmem:s28+$0x1400];
	_ =	sdelay $0x4  }
0x107: {  	[tilespmem:$0x2800] =	vst v1  }
0x108: {  	v1 =	vld [tilespmem:s28+$0x1410];
	_ =	sdelay $0x4  }
0x109: {  	[tilespmem:$0x2810] =	vst v1  }
0x10a: {  	v1 =	vld [tilespmem:s28+$0x1420];
	_ =	sdelay $0x4  }
0x10b: {  	[tilespmem:$0x2820] =	vst v1  }
0x10c: {  	v1 =	vld [tilespmem:s28+$0x1430];
	_ =	sdelay $0x4  }
0x10d: {  	[tilespmem:$0x2830] =	vst v1  }
0x10e: {  	v1 =	vld [tilespmem:s28+$0x1440];
	_ =	sdelay $0x4  }
0x10f: {  	[tilespmem:$0x2840] =	vst v1  }
0x110: {  	v1 =	vld [tilespmem:s28+$0x1450];
	_ =	sdelay $0x4  }
0x111: {  	[tilespmem:$0x2850] =	vst v1  }
0x112: {  	v1 =	vld [tilespmem:s28+$0x1460];
	_ =	sdelay $0x4  }
0x113: {  	[tilespmem:$0x2860] =	vst v1  }
0x114: {  	v1 =	vld [tilespmem:s28+$0x1470];
	_ =	sdelay $0x4  }
0x115: {  	[tilespmem:$0x2870] =	vst v1  }
0x116: {  	[spmem:s2] =	stream.indirect.scatter.add.f32 [tilespmem:s17], [sflag:$0x3], $0x80, s23, s20, $0xb8;
	[tilespmem:$0x1E480] =	vst v63  }
0x117: {  	_ =	swait.ge [sflag:s18], $0x4000  }
0x118: {  	[sflag:s18] =	ssyncset.done $0x0  }
0x119: {  	s29 =	sadd.s32 $0x100, s28;
	[sflag:s18] =	ssyncadd.s32 $0xFFFFC000  }
0x11a: {  	[tilespmem:s17], [sflag:$0x1] =	stream.indirect.gather [hbm4b:s1+s20], $0x80, s29, s20, $0xb8;
	[tilespmem:$0x1E480] =	vst v63  }
0x11b: {  	_ =	swait.ge [sflag:s24], $0x4000  }
0x11c: {  	[sflag:s24] =	ssyncset.done $0x0  }
0x11d: {  	[sflag:s24] =	ssyncadd.s32 $0xFFFFC000  }
0x11e: {  	v1 =	vld [tilespmem:s28+$0x1480];
	_ =	sdelay $0x4  }
0x11f: {  	[tilespmem:$0x2800] =	vst v1  }
0x120: {  	v1 =	vld [tilespmem:s28+$0x1490];
	_ =	sdelay $0x4  }
0x121: {  	[tilespmem:$0x2810] =	vst v1  }
0x122: {  	v1 =	vld [tilespmem:s28+$0x14A0];
	_ =	sdelay $0x4  }
0x123: {  	[tilespmem:$0x2820] =	vst v1  }
0x124: {  	v1 =	vld [tilespmem:s28+$0x14B0];
	_ =	sdelay $0x4  }
0x125: {  	[tilespmem:$0x2830] =	vst v1  }
0x126: {  	v1 =	vld [tilespmem:s28+$0x14C0];
	_ =	sdelay $0x4  }
0x127: {  	[tilespmem:$0x2840] =	vst v1  }
0x128: {  	v1 =	vld [tilespmem:s28+$0x14D0];
	_ =	sdelay $0x4  }
0x129: {  	[tilespmem:$0x2850] =	vst v1  }
0x12a: {  	v1 =	vld [tilespmem:s28+$0x14E0];
	_ =	sdelay $0x4  }
0x12b: {  	[tilespmem:$0x2860] =	vst v1  }
0x12c: {  	v1 =	vld [tilespmem:s28+$0x14F0];
	_ =	sdelay $0x4  }
.Ltmp5:
0x12d: {  	[tilespmem:$0x2870] =	vst v1;
	(pc) =	sbr.rel @p2 .LBB2_14-.Ltmp5, $4  }
0x12e: {  	[spmem:s2] =	stream.indirect.scatter.add.f32 [tilespmem:s21], [sflag:$0x3], $0x80, s23, s20, $0xb8;
	[tilespmem:$0x1E480] =	vst v63  }
0x12f: {  	_ =	swait.ge [sflag:s18], $0x4000  }
0x130: {  	[sflag:s18] =	ssyncset.done $0x0  }
0x131: {  	s28 =	sadd.s32 $0x180, s28;
	[sflag:s18] =	ssyncadd.s32 $0xFFFFC000  }
.Ltmp6:
0x132: {  	(pc) =	sbr.rel .LBB2_16-.Ltmp6, $2  }
0x133: {  	_ =	sdelay $0x2  }
0x134: {  	[tilespmem:s21], [sflag:$0x2] =	stream.indirect.gather [hbm4b:s1+s20], $0x80, s28, s20, $0xb8;
	[tilespmem:$0x1E480] =	vst v63  }
.LBB2_6:
0x135: {  	[tilespmem:s26], [sflag:$0x3] =	stream.linear.gather [hbm4b:s7+s26], $0x1400, $0x38;
	[tilespmem:$0x1E480] =	vst v63  }
0x136: {  	_ =	swait.ge [sflag:s18], $0x1400  }
0x137: {  	[sflag:s18] =	ssyncset.done $0x0  }
0x138: {  	[sflag:s18] =	ssyncadd.s32 $0xFFFFEC00  }
0x139: {  	[tilespmem:s19], [sflag:$0x3] =	stream.linear.gather [hbm4b:s8+s26], $0x1400, $0x38;
	[tilespmem:$0x1E480] =	vst v63  }
0x13a: {  	_ =	swait.ge [sflag:s18], $0x1400  }
0x13b: {  	[sflag:s18] =	ssyncset.done $0x0  }
0x13c: {  	[sflag:s18] =	ssyncadd.s32 $0xFFFFEC00  }
0x13d: {  	[tilespmem:s17], [sflag:$0x1] =	stream.indirect.gather [hbm4b:s1+s20], $0x80, s26, s20, $0xb8;
	[tilespmem:$0x1E480] =	vst v63  }
0x13e: {  	_ = 	snop  }
0x13f: {  	[tilespmem:s21], [sflag:$0x2] =	stream.indirect.gather [hbm4b:s1+s20], $0x80, s20, s20, $0xb8;
	[tilespmem:$0x1E480] =	vst v63  }
0x140: {  	_ =	swait.ge [sflag:s22], $0x4000  }
0x141: {  	[sflag:s22] =	ssyncset.done $0x0  }
0x142: {  	s31 =	simm.s32 $0x0;
	[sflag:s22] =	ssyncadd.s32 $0xFFFFC000  }
0x143: {  	v1 =	vld [tilespmem:s31+$0x1400];
	_ =	sdelay $0x4  }
0x144: {  	[tilespmem:$0x2800] =	vst v1  }
0x145: {  	v1 =	vld [tilespmem:s31+$0x1410];
	_ =	sdelay $0x4  }
0x146: {  	[tilespmem:$0x2810] =	vst v1  }
0x147: {  	v1 =	vld [tilespmem:s31+$0x1420];
	_ =	sdelay $0x4  }
0x148: {  	[tilespmem:$0x2820] =	vst v1  }
0x149: {  	v1 =	vld [tilespmem:s31+$0x1430];
	_ =	sdelay $0x4  }
0x14a: {  	[tilespmem:$0x2830] =	vst v1  }
0x14b: {  	v1 =	vld [tilespmem:s31+$0x1440];
	_ =	sdelay $0x4  }
0x14c: {  	[tilespmem:$0x2840] =	vst v1  }
0x14d: {  	v1 =	vld [tilespmem:s31+$0x1450];
	_ =	sdelay $0x4  }
0x14e: {  	[tilespmem:$0x2850] =	vst v1  }
0x14f: {  	v1 =	vld [tilespmem:s31+$0x1460];
	_ =	sdelay $0x4  }
0x150: {  	[tilespmem:$0x2860] =	vst v1  }
0x151: {  	v1 =	vld [tilespmem:s31+$0x1470];
	_ =	sdelay $0x4  }
0x152: {  	[tilespmem:$0x2870] =	vst v1  }
0x153: {  	[spmem:s2] =	stream.indirect.scatter.add.f32 [tilespmem:s17], [sflag:$0x3], $0x80, s23, s20, $0xb8;
	[tilespmem:$0x1E480] =	vst v63  }
0x154: {  	_ =	swait.ge [sflag:s18], $0x4000  }
0x155: {  	[sflag:s18] =	ssyncset.done $0x0  }
0x156: {  	s28 =	simm.s32 $0x100;
	[sflag:s18] =	ssyncadd.s32 $0xFFFFC000  }
0x157: {  	[tilespmem:s17], [sflag:$0x1] =	stream.indirect.gather [hbm4b:s1+s20], $0x80, s28, s20, $0xb8;
	[tilespmem:$0x1E480] =	vst v63  }
0x158: {  	_ =	swait.ge [sflag:s24], $0x4000  }
0x159: {  	[sflag:s24] =	ssyncset.done $0x0  }
0x15a: {  	[sflag:s24] =	ssyncadd.s32 $0xFFFFC000  }
0x15b: {  	v1 =	vld [tilespmem:s31+$0x1480];
	_ =	sdelay $0x4  }
0x15c: {  	[tilespmem:$0x2800] =	vst v1  }
0x15d: {  	v1 =	vld [tilespmem:s31+$0x1490];
	_ =	sdelay $0x4  }
0x15e: {  	[tilespmem:$0x2810] =	vst v1  }
0x15f: {  	v1 =	vld [tilespmem:s31+$0x14A0];
	_ =	sdelay $0x4  }
0x160: {  	[tilespmem:$0x2820] =	vst v1  }
0x161: {  	v1 =	vld [tilespmem:s31+$0x14B0];
	_ =	sdelay $0x4  }
0x162: {  	[tilespmem:$0x2830] =	vst v1  }
0x163: {  	v1 =	vld [tilespmem:s31+$0x14C0];
	_ =	sdelay $0x4  }
0x164: {  	[tilespmem:$0x2840] =	vst v1  }
0x165: {  	v1 =	vld [tilespmem:s31+$0x14D0];
	_ =	sdelay $0x4  }
0x166: {  	[tilespmem:$0x2850] =	vst v1  }
0x167: {  	v1 =	vld [tilespmem:s31+$0x14E0];
	_ =	sdelay $0x4  }
0x168: {  	[tilespmem:$0x2860] =	vst v1  }
0x169: {  	v1 =	vld [tilespmem:s31+$0x14F0];
	_ =	sdelay $0x4  }
0x16a: {  	[tilespmem:$0x2870] =	vst v1  }
0x16b: {  	[spmem:s2] =	stream.indirect.scatter.add.f32 [tilespmem:s21], [sflag:$0x3], $0x80, s23, s20, $0xb8;
	[tilespmem:$0x1E480] =	vst v63  }
0x16c: {  	_ =	swait.ge [sflag:s18], $0x4000  }
0x16d: {  	[sflag:s18] =	ssyncset.done $0x0  }
0x16e: {  	s26 =	simm.s32 $0x400;
	s28 =	simm.s32 $0x180;
	[sflag:s18] =	ssyncadd.s32 $0xFFFFC000  }
.LBB2_7:
0x16f: {  	[tilespmem:s21], [sflag:$0x2] =	stream.indirect.gather [hbm4b:s1+s20], $0x80, s28, s20, $0xb8;
	[tilespmem:$0x1E480] =	vst v63  }
0x170: {  	s28 =	smov.u32 s26  }
0x171: {  	p2 =	sne.s32 s26, $0x4800;
	s26 =	sadd.s32 $0x400, s26;
	_ =	swait.ge [sflag:s22], $0x4000  }
0x172: {  	[sflag:s22] =	ssyncset.done $0x0  }
0x173: {  	s28 =	sshra.s32 s28, $0x2;
	[sflag:s22] =	ssyncadd.s32 $0xFFFFC000  }
0x174: {  	v1 =	vld [tilespmem:s28+$0x1400];
	_ =	sdelay $0x4  }
0x175: {  	[tilespmem:$0x2800] =	vst v1  }
0x176: {  	v1 =	vld [tilespmem:s28+$0x1410];
	_ =	sdelay $0x4  }
0x177: {  	[tilespmem:$0x2810] =	vst v1  }
0x178: {  	v1 =	vld [tilespmem:s28+$0x1420];
	_ =	sdelay $0x4  }
0x179: {  	[tilespmem:$0x2820] =	vst v1  }
0x17a: {  	v1 =	vld [tilespmem:s28+$0x1430];
	_ =	sdelay $0x4  }
0x17b: {  	[tilespmem:$0x2830] =	vst v1  }
0x17c: {  	v1 =	vld [tilespmem:s28+$0x1440];
	_ =	sdelay $0x4  }
0x17d: {  	[tilespmem:$0x2840] =	vst v1  }
0x17e: {  	v1 =	vld [tilespmem:s28+$0x1450];
	_ =	sdelay $0x4  }
0x17f: {  	[tilespmem:$0x2850] =	vst v1  }
0x180: {  	v1 =	vld [tilespmem:s28+$0x1460];
	_ =	sdelay $0x4  }
0x181: {  	[tilespmem:$0x2860] =	vst v1  }
0x182: {  	v1 =	vld [tilespmem:s28+$0x1470];
	_ =	sdelay $0x4  }
0x183: {  	[tilespmem:$0x2870] =	vst v1  }
0x184: {  	[spmem:s2] =	stream.indirect.scatter.add.f32 [tilespmem:s17], [sflag:$0x3], $0x80, s23, s20, $0xb8;
	[tilespmem:$0x1E480] =	vst v63  }
0x185: {  	_ =	swait.ge [sflag:s18], $0x4000  }
0x186: {  	[sflag:s18] =	ssyncset.done $0x0  }
0x187: {  	s29 =	sadd.s32 $0x100, s28;
	[sflag:s18] =	ssyncadd.s32 $0xFFFFC000  }
0x188: {  	[tilespmem:s17], [sflag:$0x1] =	stream.indirect.gather [hbm4b:s1+s20], $0x80, s29, s20, $0xb8;
	[tilespmem:$0x1E480] =	vst v63  }
0x189: {  	_ =	swait.ge [sflag:s24], $0x4000  }
0x18a: {  	[sflag:s24] =	ssyncset.done $0x0  }
0x18b: {  	[sflag:s24] =	ssyncadd.s32 $0xFFFFC000  }
0x18c: {  	v1 =	vld [tilespmem:s28+$0x1480];
	_ =	sdelay $0x4  }
0x18d: {  	[tilespmem:$0x2800] =	vst v1  }
0x18e: {  	v1 =	vld [tilespmem:s28+$0x1490];
	_ =	sdelay $0x4  }
0x18f: {  	[tilespmem:$0x2810] =	vst v1  }
0x190: {  	v1 =	vld [tilespmem:s28+$0x14A0];
	_ =	sdelay $0x4  }
0x191: {  	[tilespmem:$0x2820] =	vst v1  }
0x192: {  	v1 =	vld [tilespmem:s28+$0x14B0];
	_ =	sdelay $0x4  }
0x193: {  	[tilespmem:$0x2830] =	vst v1  }
0x194: {  	v1 =	vld [tilespmem:s28+$0x14C0];
	_ =	sdelay $0x4  }
0x195: {  	[tilespmem:$0x2840] =	vst v1  }
0x196: {  	v1 =	vld [tilespmem:s28+$0x14D0];
	_ =	sdelay $0x4  }
0x197: {  	[tilespmem:$0x2850] =	vst v1  }
0x198: {  	v1 =	vld [tilespmem:s28+$0x14E0];
	_ =	sdelay $0x4  }
0x199: {  	[tilespmem:$0x2860] =	vst v1  }
0x19a: {  	v1 =	vld [tilespmem:s28+$0x14F0];
	_ =	sdelay $0x4  }
.Ltmp7:
0x19b: {  	[tilespmem:$0x2870] =	vst v1;
	(pc) =	sbr.rel @p2 .LBB2_7-.Ltmp7, $4  }
0x19c: {  	[spmem:s2] =	stream.indirect.scatter.add.f32 [tilespmem:s21], [sflag:$0x3], $0x80, s23, s20, $0xb8;
	[tilespmem:$0x1E480] =	vst v63  }
0x19d: {  	_ =	swait.ge [sflag:s18], $0x4000  }
0x19e: {  	[sflag:s18] =	ssyncset.done $0x0  }
0x19f: {  	s28 =	sadd.s32 $0x180, s28;
	[sflag:s18] =	ssyncadd.s32 $0xFFFFC000  }
0x1a0: {  	[tilespmem:s21], [sflag:$0x2] =	stream.indirect.gather [hbm4b:s1+s20], $0x80, s28, s20, $0xb8;
	[tilespmem:$0x1E480] =	vst v63  }
0x1a1: {  	_ =	swait.ge [sflag:s22], $0x4000  }
0x1a2: {  	[sflag:s22] =	ssyncset.done $0x0  }
0x1a3: {  	[sflag:s22] =	ssyncadd.s32 $0xFFFFC000  }
0x1a4: {  	v1 =	vld [tilespmem:$0x2700]  }
0x1a5: {  	v2 =	vld [tilespmem:$0x2710]  }
0x1a6: {  	v3 =	vld [tilespmem:$0x2720]  }
0x1a7: {  	v4 =	vld [tilespmem:$0x2730]  }
0x1a8: {  	v5 =	vld [tilespmem:$0x2740]  }
0x1a9: {  	[tilespmem:$0x2800] =	vst v1;
	v1 =	vld [tilespmem:$0x2750]  }
0x1aa: {  	[tilespmem:$0x2810] =	vst v2;
	v2 =	vld [tilespmem:$0x2760]  }
0x1ab: {  	[tilespmem:$0x2820] =	vst v3;
	v3 =	vld [tilespmem:$0x2770]  }
0x1ac: {  	[tilespmem:$0x2830] =	vst v4  }
0x1ad: {  	[tilespmem:$0x2840] =	vst v5  }
0x1ae: {  	[tilespmem:$0x2850] =	vst v1  }
0x1af: {  	[tilespmem:$0x2860] =	vst v2  }
0x1b0: {  	[tilespmem:$0x2870] =	vst v3  }
0x1b1: {  	[spmem:s2] =	stream.indirect.scatter.add.f32 [tilespmem:s17], [sflag:$0x3], $0x80, s23, s20, $0xb8;
	[tilespmem:$0x1E480] =	vst v63  }
0x1b2: {  	_ =	swait.ge [sflag:s18], $0x4000  }
0x1b3: {  	[sflag:s18] =	ssyncset.done $0x0  }
0x1b4: {  	[sflag:s18] =	ssyncadd.s32 $0xFFFFC000  }
0x1b5: {  	_ =	swait.ge [sflag:s24], $0x4000  }
0x1b6: {  	[sflag:s24] =	ssyncset.done $0x0  }
0x1b7: {  	[sflag:s24] =	ssyncadd.s32 $0xFFFFC000  }
0x1b8: {  	v1 =	vld [tilespmem:$0x2780]  }
0x1b9: {  	v2 =	vld [tilespmem:$0x2790]  }
0x1ba: {  	v3 =	vld [tilespmem:$0x27A0]  }
0x1bb: {  	v62 =	vld [tilespmem:$0x27B0]  }
0x1bc: {  	v63 =	vld [tilespmem:$0x27C0]  }
0x1bd: {  	[tilespmem:$0x2800] =	vst v1;
	v1 =	vld [tilespmem:$0x27D0]  }
0x1be: {  	[tilespmem:$0x2810] =	vst v2;
	v2 =	vld [tilespmem:$0x27E0]  }
0x1bf: {  	[tilespmem:$0x2820] =	vst v3;
	v3 =	vld [tilespmem:$0x27F0]  }
0x1c0: {  	[tilespmem:$0x2830] =	vst v62  }
0x1c1: {  	[tilespmem:$0x2840] =	vst v63  }
0x1c2: {  	[tilespmem:$0x2850] =	vst v1  }
0x1c3: {  	[tilespmem:$0x2860] =	vst v2  }
0x1c4: {  	[tilespmem:$0x2870] =	vst v3  }
0x1c5: {  	[spmem:s2] =	stream.indirect.scatter.add.f32 [tilespmem:s21], [sflag:$0x3], $0x80, s23, s20, $0xb8;
	[tilespmem:$0x1E480] =	vst v63  }
0x1c6: {  	_ =	swait.ge [sflag:s18], $0x4000  }
0x1c7: {  	[sflag:s18] =	ssyncset.done $0x0  }
0x1c8: {  	s26 =	simm.s32 $0x0;
	[sflag:s18] =	ssyncadd.s32 $0xFFFFC000  }
0x1c9: {  	[tilespmem:s26], [sflag:$0x3] =	stream.linear.gather [hbm4b:s9+s26], $0x1400, $0x38;
	[tilespmem:$0x1E480] =	vst v63  }
0x1ca: {  	_ =	swait.ge [sflag:s18], $0x1400  }
0x1cb: {  	[sflag:s18] =	ssyncset.done $0x0  }
0x1cc: {  	[sflag:s18] =	ssyncadd.s32 $0xFFFFEC00  }
0x1cd: {  	[tilespmem:s19], [sflag:$0x3] =	stream.linear.gather [hbm4b:s10+s26], $0x1400, $0x38;
	[tilespmem:$0x1E480] =	vst v63  }
0x1ce: {  	_ =	swait.ge [sflag:s18], $0x1400  }
0x1cf: {  	[sflag:s18] =	ssyncset.done $0x0  }
0x1d0: {  	[sflag:s18] =	ssyncadd.s32 $0xFFFFEC00  }
0x1d1: {  	[tilespmem:s17], [sflag:$0x1] =	stream.indirect.gather [hbm4b:s1+s20], $0x80, s26, s20, $0xb8;
	[tilespmem:$0x1E480] =	vst v63  }
0x1d2: {  	_ = 	snop  }
0x1d3: {  	[tilespmem:s21], [sflag:$0x2] =	stream.indirect.gather [hbm4b:s1+s20], $0x80, s20, s20, $0xb8;
	[tilespmem:$0x1E480] =	vst v63  }
0x1d4: {  	_ =	swait.ge [sflag:s22], $0x4000  }
0x1d5: {  	[sflag:s22] =	ssyncset.done $0x0  }
0x1d6: {  	s31 =	simm.s32 $0x0;
	[sflag:s22] =	ssyncadd.s32 $0xFFFFC000  }
0x1d7: {  	v1 =	vld [tilespmem:s31+$0x1400];
	_ =	sdelay $0x4  }
0x1d8: {  	[tilespmem:$0x2800] =	vst v1  }
0x1d9: {  	v1 =	vld [tilespmem:s31+$0x1410];
	_ =	sdelay $0x4  }
0x1da: {  	[tilespmem:$0x2810] =	vst v1  }
0x1db: {  	v1 =	vld [tilespmem:s31+$0x1420];
	_ =	sdelay $0x4  }
0x1dc: {  	[tilespmem:$0x2820] =	vst v1  }
0x1dd: {  	v1 =	vld [tilespmem:s31+$0x1430];
	_ =	sdelay $0x4  }
0x1de: {  	[tilespmem:$0x2830] =	vst v1  }
0x1df: {  	v1 =	vld [tilespmem:s31+$0x1440];
	_ =	sdelay $0x4  }
0x1e0: {  	[tilespmem:$0x2840] =	vst v1  }
0x1e1: {  	v1 =	vld [tilespmem:s31+$0x1450];
	_ =	sdelay $0x4  }
0x1e2: {  	[tilespmem:$0x2850] =	vst v1  }
0x1e3: {  	v1 =	vld [tilespmem:s31+$0x1460];
	_ =	sdelay $0x4  }
0x1e4: {  	[tilespmem:$0x2860] =	vst v1  }
0x1e5: {  	v1 =	vld [tilespmem:s31+$0x1470];
	_ =	sdelay $0x4  }
0x1e6: {  	[tilespmem:$0x2870] =	vst v1  }
0x1e7: {  	[spmem:s2] =	stream.indirect.scatter.add.f32 [tilespmem:s17], [sflag:$0x3], $0x80, s23, s20, $0xb8;
	[tilespmem:$0x1E480] =	vst v63  }
0x1e8: {  	_ =	swait.ge [sflag:s18], $0x4000  }
0x1e9: {  	[sflag:s18] =	ssyncset.done $0x0  }
0x1ea: {  	s28 =	simm.s32 $0x100;
	[sflag:s18] =	ssyncadd.s32 $0xFFFFC000  }
0x1eb: {  	[tilespmem:s17], [sflag:$0x1] =	stream.indirect.gather [hbm4b:s1+s20], $0x80, s28, s20, $0xb8;
	[tilespmem:$0x1E480] =	vst v63  }
0x1ec: {  	_ =	swait.ge [sflag:s24], $0x4000  }
0x1ed: {  	[sflag:s24] =	ssyncset.done $0x0  }
0x1ee: {  	[sflag:s24] =	ssyncadd.s32 $0xFFFFC000  }
0x1ef: {  	v1 =	vld [tilespmem:s31+$0x1480];
	_ =	sdelay $0x4  }
0x1f0: {  	[tilespmem:$0x2800] =	vst v1  }
0x1f1: {  	v1 =	vld [tilespmem:s31+$0x1490];
	_ =	sdelay $0x4  }
0x1f2: {  	[tilespmem:$0x2810] =	vst v1  }
0x1f3: {  	v1 =	vld [tilespmem:s31+$0x14A0];
	_ =	sdelay $0x4  }
0x1f4: {  	[tilespmem:$0x2820] =	vst v1  }
0x1f5: {  	v1 =	vld [tilespmem:s31+$0x14B0];
	_ =	sdelay $0x4  }
0x1f6: {  	[tilespmem:$0x2830] =	vst v1  }
0x1f7: {  	v1 =	vld [tilespmem:s31+$0x14C0];
	_ =	sdelay $0x4  }
0x1f8: {  	[tilespmem:$0x2840] =	vst v1  }
0x1f9: {  	v1 =	vld [tilespmem:s31+$0x14D0];
	_ =	sdelay $0x4  }
0x1fa: {  	[tilespmem:$0x2850] =	vst v1  }
0x1fb: {  	v1 =	vld [tilespmem:s31+$0x14E0];
	_ =	sdelay $0x4  }
0x1fc: {  	[tilespmem:$0x2860] =	vst v1  }
0x1fd: {  	v1 =	vld [tilespmem:s31+$0x14F0];
	_ =	sdelay $0x4  }
0x1fe: {  	[tilespmem:$0x2870] =	vst v1  }
0x1ff: {  	[spmem:s2] =	stream.indirect.scatter.add.f32 [tilespmem:s21], [sflag:$0x3], $0x80, s23, s20, $0xb8;
	[tilespmem:$0x1E480] =	vst v63  }
0x200: {  	_ =	swait.ge [sflag:s18], $0x4000  }
0x201: {  	[sflag:s18] =	ssyncset.done $0x0  }
0x202: {  	s26 =	simm.s32 $0x400;
	s28 =	simm.s32 $0x180;
	[sflag:s18] =	ssyncadd.s32 $0xFFFFC000  }
.LBB2_9:
0x203: {  	[tilespmem:s21], [sflag:$0x2] =	stream.indirect.gather [hbm4b:s1+s20], $0x80, s28, s20, $0xb8;
	[tilespmem:$0x1E480] =	vst v63  }
0x204: {  	s28 =	smov.u32 s26  }
0x205: {  	p2 =	seq.s32 s26, $0x4800;
	s26 =	sadd.s32 $0x400, s26;
	_ =	swait.ge [sflag:s22], $0x4000  }
0x206: {  	[sflag:s22] =	ssyncset.done $0x0  }
0x207: {  	s28 =	sshra.s32 s28, $0x2;
	[sflag:s22] =	ssyncadd.s32 $0xFFFFC000  }
0x208: {  	v1 =	vld [tilespmem:s28+$0x1400];
	_ =	sdelay $0x4  }
0x209: {  	[tilespmem:$0x2800] =	vst v1  }
0x20a: {  	v1 =	vld [tilespmem:s28+$0x1410];
	_ =	sdelay $0x4  }
0x20b: {  	[tilespmem:$0x2810] =	vst v1  }
0x20c: {  	v1 =	vld [tilespmem:s28+$0x1420];
	_ =	sdelay $0x4  }
0x20d: {  	[tilespmem:$0x2820] =	vst v1  }
0x20e: {  	v1 =	vld [tilespmem:s28+$0x1430];
	_ =	sdelay $0x4  }
0x20f: {  	[tilespmem:$0x2830] =	vst v1  }
0x210: {  	v1 =	vld [tilespmem:s28+$0x1440];
	_ =	sdelay $0x4  }
0x211: {  	[tilespmem:$0x2840] =	vst v1  }
0x212: {  	v1 =	vld [tilespmem:s28+$0x1450];
	_ =	sdelay $0x4  }
0x213: {  	[tilespmem:$0x2850] =	vst v1  }
0x214: {  	v1 =	vld [tilespmem:s28+$0x1460];
	_ =	sdelay $0x4  }
0x215: {  	[tilespmem:$0x2860] =	vst v1  }
0x216: {  	v1 =	vld [tilespmem:s28+$0x1470];
	_ =	sdelay $0x4  }
0x217: {  	[tilespmem:$0x2870] =	vst v1  }
0x218: {  	[spmem:s2] =	stream.indirect.scatter.add.f32 [tilespmem:s17], [sflag:$0x3], $0x80, s23, s20, $0xb8;
	[tilespmem:$0x1E480] =	vst v63  }
0x219: {  	_ =	swait.ge [sflag:s18], $0x4000  }
0x21a: {  	[sflag:s18] =	ssyncset.done $0x0  }
0x21b: {  	s29 =	sadd.s32 $0x100, s28;
	[sflag:s18] =	ssyncadd.s32 $0xFFFFC000  }
0x21c: {  	[tilespmem:s17], [sflag:$0x1] =	stream.indirect.gather [hbm4b:s1+s20], $0x80, s29, s20, $0xb8;
	[tilespmem:$0x1E480] =	vst v63  }
0x21d: {  	_ =	swait.ge [sflag:s24], $0x4000  }
0x21e: {  	[sflag:s24] =	ssyncset.done $0x0  }
0x21f: {  	[sflag:s24] =	ssyncadd.s32 $0xFFFFC000  }
0x220: {  	v1 =	vld [tilespmem:s28+$0x1480];
	_ =	sdelay $0x4  }
0x221: {  	[tilespmem:$0x2800] =	vst v1  }
0x222: {  	v1 =	vld [tilespmem:s28+$0x1490];
	_ =	sdelay $0x4  }
0x223: {  	[tilespmem:$0x2810] =	vst v1  }
0x224: {  	v1 =	vld [tilespmem:s28+$0x14A0];
	_ =	sdelay $0x4  }
0x225: {  	[tilespmem:$0x2820] =	vst v1  }
0x226: {  	v1 =	vld [tilespmem:s28+$0x14B0];
	_ =	sdelay $0x4  }
0x227: {  	[tilespmem:$0x2830] =	vst v1  }
0x228: {  	v1 =	vld [tilespmem:s28+$0x14C0];
	_ =	sdelay $0x4  }
0x229: {  	[tilespmem:$0x2840] =	vst v1  }
0x22a: {  	v1 =	vld [tilespmem:s28+$0x14D0];
	_ =	sdelay $0x4  }
0x22b: {  	[tilespmem:$0x2850] =	vst v1  }
0x22c: {  	v1 =	vld [tilespmem:s28+$0x14E0];
	_ =	sdelay $0x4  }
0x22d: {  	[tilespmem:$0x2860] =	vst v1  }
0x22e: {  	v1 =	vld [tilespmem:s28+$0x14F0];
	_ =	sdelay $0x4  }
.Ltmp8:
0x22f: {  	[tilespmem:$0x2870] =	vst v1;
	(pc) =	sbr.rel @!p2 .LBB2_9-.Ltmp8, $4  }
0x230: {  	[spmem:s2] =	stream.indirect.scatter.add.f32 [tilespmem:s21], [sflag:$0x3], $0x80, s23, s20, $0xb8;
	[tilespmem:$0x1E480] =	vst v63  }
0x231: {  	_ =	swait.ge [sflag:s18], $0x4000  }
0x232: {  	[sflag:s18] =	ssyncset.done $0x0  }
0x233: {  	s28 =	sadd.s32 $0x180, s28;
	[sflag:s18] =	ssyncadd.s32 $0xFFFFC000  }
0x234: {  	[tilespmem:s21], [sflag:$0x2] =	stream.indirect.gather [hbm4b:s1+s20], $0x80, s28, s20, $0xb8;
	[tilespmem:$0x1E480] =	vst v63  }
.LBB2_16:
0x235: {  	_ =	swait.ge [sflag:s22], $0x4000  }
0x236: {  	[sflag:s22] =	ssyncset.done $0x0  }
0x237: {  	[sflag:s22] =	ssyncadd.s32 $0xFFFFC000  }
0x238: {  	v1 =	vld [tilespmem:$0x2700]  }
0x239: {  	v2 =	vld [tilespmem:$0x2710]  }
0x23a: {  	v3 =	vld [tilespmem:$0x2720]  }
0x23b: {  	v4 =	vld [tilespmem:$0x2730]  }
0x23c: {  	v5 =	vld [tilespmem:$0x2740]  }
0x23d: {  	[tilespmem:$0x2800] =	vst v1;
	v1 =	vld [tilespmem:$0x2750]  }
0x23e: {  	[tilespmem:$0x2810] =	vst v2;
	v2 =	vld [tilespmem:$0x2760]  }
0x23f: {  	[tilespmem:$0x2820] =	vst v3;
	v3 =	vld [tilespmem:$0x2770]  }
0x240: {  	[tilespmem:$0x2830] =	vst v4  }
0x241: {  	[tilespmem:$0x2840] =	vst v5  }
0x242: {  	[tilespmem:$0x2850] =	vst v1  }
0x243: {  	[tilespmem:$0x2860] =	vst v2  }
0x244: {  	[tilespmem:$0x2870] =	vst v3  }
0x245: {  	[spmem:s2] =	stream.indirect.scatter.add.f32 [tilespmem:s17], [sflag:$0x3], $0x80, s23, s20, $0xb8;
	[tilespmem:$0x1E480] =	vst v63  }
0x246: {  	_ =	swait.ge [sflag:s18], $0x4000  }
0x247: {  	[sflag:s18] =	ssyncset.done $0x0  }
0x248: {  	[sflag:s18] =	ssyncadd.s32 $0xFFFFC000  }
0x249: {  	_ =	swait.ge [sflag:s24], $0x4000  }
0x24a: {  	[sflag:s24] =	ssyncset.done $0x0  }
0x24b: {  	[sflag:s24] =	ssyncadd.s32 $0xFFFFC000  }
0x24c: {  	v1 =	vld [tilespmem:$0x2780]  }
0x24d: {  	v2 =	vld [tilespmem:$0x2790]  }
0x24e: {  	v3 =	vld [tilespmem:$0x27A0]  }
0x24f: {  	v62 =	vld [tilespmem:$0x27B0]  }
0x250: {  	v63 =	vld [tilespmem:$0x27C0]  }
0x251: {  	[tilespmem:$0x2800] =	vst v1;
	v1 =	vld [tilespmem:$0x27D0]  }
0x252: {  	[tilespmem:$0x2810] =	vst v2;
	v2 =	vld [tilespmem:$0x27E0]  }
0x253: {  	[tilespmem:$0x2820] =	vst v3;
	v3 =	vld [tilespmem:$0x27F0]  }
0x254: {  	[tilespmem:$0x2830] =	vst v62  }
0x255: {  	[tilespmem:$0x2840] =	vst v63  }
0x256: {  	[tilespmem:$0x2850] =	vst v1  }
0x257: {  	[tilespmem:$0x2860] =	vst v2  }
0x258: {  	[tilespmem:$0x2870] =	vst v3  }
0x259: {  	[spmem:s2] =	stream.indirect.scatter.add.f32 [tilespmem:s21], [sflag:$0x3], $0x80, s23, s20, $0xb8;
	[tilespmem:$0x1E480] =	vst v63  }
0x25a: {  	_ =	swait.ge [sflag:s18], $0x4000  }
0x25b: {  	[sflag:s18] =	ssyncset.done $0x0  }
0x25c: {  	[sflag:s18] =	ssyncadd.s32 $0xFFFFC000  }
0x25d: {  	[bflag:$0x0] =	sbarrier.arrive $0xFFFF  }
0x25e: {  	[tilespmem:s17], [sflag:$0x3] =	stream.linear.gather [spmem:s6], $0x4000, $0x38;
	[tilespmem:$0x1E480] =	vst v63  }
0x25f: {  	_ =	swait.ge [sflag:s18], $0x4000  }
.Ltmp9:
0x260: {  	[sflag:s18] =	ssyncset.done $0x0;
	(pc) =	sbr.rel @!p1 .LBB2_18-.Ltmp9, $4  }
0x261: {  	[sflag:s18] =	ssyncadd.s32 $0xFFFFC000  }
0x262: {  	[hbm4b:s16+s4] =	stream.linear.scatter [tilespmem:s17], [sflag:$0x3], $0x4000, $0x38;
	[tilespmem:$0x1E480] =	vst v63  }
0x263: {  	s26 =	sadd.s32 $0xFFFFFFFF, s5;
	_ =	swait.ge [sflag:s18], $0x4000  }
0x264: {  	s28 =	smov.u32 s16;
	s29 =	smov.u32 s6;
	[sflag:s18] =	ssyncset.done $0x0  }
.LBB2_17:
0x265: {  	[sflag:s18] =	ssyncadd.s32 $0xFFFFC000;
	s28 =	sadd.s32 $0x8000, s28;
	s29 =	sadd.s32 $0x40000, s29  }
0x266: {  	[tilespmem:s17], [sflag:$0x3] =	stream.linear.gather [spmem:s29], $0x4000, $0x38;
	[tilespmem:$0x1E480] =	vst v63  }
0x267: {  	p1 =	sne.s32 s26, $0x1;
	s26 =	sadd.s32 $0xFFFFFFFF, s26;
	_ =	swait.ge [sflag:s18], $0x4000  }
.Ltmp10:
0x268: {  	[sflag:s18] =	ssyncset.done $0x0;
	(pc) =	sbr.rel @p1 .LBB2_17-.Ltmp10, $4  }
0x269: {  	[sflag:s18] =	ssyncadd.s32 $0xFFFFC000  }
0x26a: {  	[hbm4b:s28+s4] =	stream.linear.scatter [tilespmem:s17], [sflag:$0x3], $0x4000, $0x38;
	[tilespmem:$0x1E480] =	vst v63  }
0x26b: {  	_ =	swait.ge [sflag:s18], $0x4000  }
0x26c: {  	[sflag:s18] =	ssyncset.done $0x0  }
.LBB2_18:
0x26d: {  	s25 =	sadd.s32 $0x1, s25  }
0x26e: {  	p1 =	sne.s32 s25, s15  }
.Ltmp11:
0x26f: {  	_ = 	snop;
	(pc) =	sbr.rel @p1 .LBB2_1-.Ltmp11, $2  }
0x270: {  	_ =	sdelay $0x2  }
0x271: {  	[sflag:s18] =	ssyncadd.s32 $0xFFFFC000  }
0x272: {  	_ =	sfence.sel $0x180000  }
0x273: {  	[bflag:$0x0] =	sbarrier.arrive $0xFFFF  }
0x274: {  	p0 =	sne.s32 s3, $0x0;
	_ =	strace $0x9000004A  }
0x275: {  	s0 =	sadd.s32 @!p0 $0x100000, s0;
	[bflag:$0x2] =	sbarrier.arrive $0xFFFF  }
0x276: {  	[sflag:s0] =	ssyncadd.tile.s32 @!p0 $0x1;
	_ =	shalt  }
.Lfunc_end2:
_tile_overlayer_lowered:
.L_overlay_start_2:
0x277: {  	(tag) =	ssettag $0x2  }
0x278: {  	s0 =	rddreg [dreg:$0x0];
	s2 =	stileid.u32  }
0x279: {  	s1 =	rddreg [dreg:$0x1];
	p0 =	sne.s32 s2, $0x0  }
0x27a: {  	s3 =	rddreg [dreg:$0x2];
	[bflag:$0x3] =	sbarrier.arrive $0xFFFF;
	s2 =	simm.s32 @!p0 $0x1C03  }
0x27b: {  	[timem:s3], [sflag:s2] =	dma.local @!p0 [hbm:s0], s1  }
0x27c: {  	s0 =	simm.s32 @!p0 $0x3  }
0x27d: {  	_ =	swait.ge @!p0 [sflag:s0], s1  }
0x27e: {  	s1 =	ssub.s32 @!p0 $0x0, s1;
	[sflag:s0] =	ssyncset.done @!p0 $0x0  }
0x27f: {  	[sflag:s0] =	ssyncadd.s32 @!p0 s1  }
0x280: {  	[bflag:$0x3] =	sbarrier.arrive $0xFFFF  }
0x281: {  	_ =	shalt  }

// kernel: kernel.7.cloned.1.call-start
scs
__scs_entry_jumppad:
0x0: {  	(pc) =	sbr.rel $0x88, $3  }
0x1: {  	(tag) =	ssettag $0x0;
	lr =	simm.s32 $0x1  }
0x2: {  	[smem:$0x3F9D] =	sst lr;
	_ =	strace $0xD0000000  }
0x3: {  	_ = 	snop  }
0x4: {  	_ = 	snop  }
0x5: {  	_ = 	snop  }
0x6: {  	_ = 	snop  }
0x7: {  	_ = 	snop  }
__scs_overlays_trampoline_lowered:
0x8: {  	[smem:$0x3FAC] =	sst s0  }
0x9: {  	[smem:$0x3FAD] =	sst s1  }
0xa: {  	[smem:$0x3FAE] =	sst s2  }
0xb: {  	[smem:$0x3FAF] =	sst s3  }
0xc: {  	[smem:$0x3FB0] =	sst s4  }
0xd: {  	[smem:$0x3FB1] =	sst s5  }
0xe: {  	[smem:$0x3FB2] =	sst s6  }
0xf: {  	[smem:$0x3FB3] =	sst s7  }
0x10: {  	[smem:$0x3FB4] =	sst s8  }
0x11: {  	[smem:$0x3FB5] =	sst s9;
	s0 =	simm.s32 @!p0 $0x0  }
0x12: {  	s1 =	sld [smem:$0x3F9B];
	s0 =	simm.s32 @p0 $0x1  }
0x13: {  	[smem:$0x3FB6] =	sst s0;
	s0 =	simm.s32 @!p1 $0x0  }
0x14: {  	s2 =	sld [smem:$0x3F9A];
	s0 =	simm.s32 @p1 $0x1  }
0x15: {  	[smem:$0x3FB7] =	sst s0;
	s0 =	simm.s32 @!p2 $0x0  }
0x16: {  	s3 =	sld [smem:$0x3FDB];
	s0 =	simm.s32 @p2 $0x1  }
0x17: {  	s4 =	simm.s32 $0x1BF5;
	[smem:$0x3FB9] =	sst s0  }
0x18: {  	s0 =	sld [smem:$0x3F9C];
	_ =	swait.ge [sflag:s4], $0x0  }
0x19: {  	s7 =	sld [smem:$0x3F9D]  }
0x1a: {  	s8 =	sadd.s32 $0xFFFFE003, lr  }
0x1b: {  	s9 =	sadd.s32 $0xFFFFFEF7, lr;
	s5 =	simm.s32 $0xFFFFFFFF;
	p2 =	slt.u32 s8, $0xFFFFF086  }
0x1c: {  	p1 =	slt.u32 s9, $0xF7A;
	s5 =	simm.s32 @!p2 $0x0  }
0x1d: {  	s5 =	simm.s32 @p1 $0x1;
	p0 =	seq.s32 s7, s2  }
0x1e: {  	s7 =	smul.u32 @!p0 $0xF7A, s2;
	p2 =	seq.s32 @!p0 s5, $0x0  }
0x1f: {  	s9 =	smul.u32 $0xF7A, s1;
	s8 =	simm.s32 @!p0 $0x1BF5;
	p2 =	por !p2, p0  }
0x20: {  	[sflag:s8] =	ssyncset.s32 @!p0 $0xFFFFF086;
	s6 =	sadd.s32 @!p0 s3, s7;
	s7 =	simm.s32 @!p0 $0x108  }
0x21: {  	s3 =	sadd.s32 s3, s9;
	s6 =	sadd.s32 @!p0 $0x88, s6;
	s7 =	simm.s32 @p2 $0x1082  }
0x22: {  	[simem:s7], [sflag:s8] =	dma.local @!p0 [hbm:s6], $0xF7A  }
0x23: {  	s9 =	sor.u32 $0xD0000000, s2;
	s6 =	simm.s32 $0x108;
	_ =	swait.ge @!p0 [sflag:s8], $0x0  }
0x24: {  	s3 =	sadd.s32 $0x88, s3;
	s6 =	simm.s32 @!p1 $0x1082;
	[sflag:s4] =	ssyncset.s32 $0xFFFFF086  }
0x25: {  	[simem:s6], [sflag:s4] =	dma.local [hbm:s3], $0xF7A  }
0x26: {  	[smem:$0x3F9D] =	sst s1;
	(tag) =	ssettag s2;
	_ =	strace s9  }
0x27: {  	s1 =	sld [smem:$0x3FAD]  }
0x28: {  	s2 =	sld [smem:$0x3FAE]  }
0x29: {  	s4 =	sld [smem:$0x3FB0]  }
0x2a: {  	p0 =	seq.s32 s5, $0x0;
	s5 =	sld [smem:$0x3FB1]  }
0x2b: {  	s6 =	sld [smem:$0x3FB2]  }
0x2c: {  	s7 =	sld [smem:$0x3FB3]  }
0x2d: {  	s3 =	simm.s32 $0x108;
	s8 =	sld [smem:$0x3FB4]  }
0x2e: {  	s3 =	simm.s32 @!p0 $0x1082;
	s9 =	sld [smem:$0x3FB5]  }
0x2f: {  	lr =	sadd.s32 s0, s3;
	s0 =	sld [smem:$0x3FAC]  }
0x30: {  	s3 =	sld [smem:$0x3FAF]  }
0x31: {  	[smem:$0x3FB8] =	sst s10  }
0x32: {  	s10 =	sld [smem:$0x3FB6];
	_ =	sdelay $0x3  }
0x33: {  	p0 =	seq.s32 s10, $0x1;
	s10 =	sld [smem:$0x3FB8];
	_ =	sdelay $0x3  }
0x34: {  	[smem:$0x3FB8] =	sst s10  }
0x35: {  	s10 =	sld [smem:$0x3FB7];
	_ =	sdelay $0x3  }
0x36: {  	p1 =	seq.s32 s10, $0x1;
	s10 =	sld [smem:$0x3FB8];
	_ =	sdelay $0x3  }
0x37: {  	[smem:$0x3FB8] =	sst s10  }
0x38: {  	s10 =	sld [smem:$0x3FB9]  }
0x39: {  	_ = 	snop;
	(pc) =	sbr.ind lr, $3  }
0x3a: {  	_ = 	snop  }
0x3b: {  	_ = 	snop  }
0x3c: {  	p2 =	seq.s32 s10, $0x1;
	s10 =	sld [smem:$0x3FB8]  }
0x3d: {  	_ =	shalt  }
0x3e: {  	_ =	shalt  }
0x3f: {  	_ =	shalt  }
0x40: {  	_ =	shalt  }
0x41: {  	_ =	shalt  }
0x42: {  	_ =	shalt  }
0x43: {  	_ =	shalt  }
0x44: {  	_ =	shalt  }
0x45: {  	_ =	shalt  }
0x46: {  	_ =	shalt  }
0x47: {  	_ =	shalt  }
0x48: {  	_ =	shalt  }
0x49: {  	_ =	shalt  }
0x4a: {  	_ =	shalt  }
0x4b: {  	_ =	shalt  }
0x4c: {  	_ =	shalt  }
0x4d: {  	_ =	shalt  }
0x4e: {  	_ =	shalt  }
0x4f: {  	_ =	shalt  }
0x50: {  	_ =	shalt  }
0x51: {  	_ =	shalt  }
0x52: {  	_ =	shalt  }
0x53: {  	_ =	shalt  }
0x54: {  	_ =	shalt  }
0x55: {  	_ =	shalt  }
0x56: {  	_ =	shalt  }
0x57: {  	_ =	shalt  }
0x58: {  	_ =	shalt  }
0x59: {  	_ =	shalt  }
0x5a: {  	_ =	shalt  }
0x5b: {  	_ =	shalt  }
0x5c: {  	_ =	shalt  }
0x5d: {  	_ =	shalt  }
0x5e: {  	_ =	shalt  }
0x5f: {  	_ =	shalt  }
0x60: {  	_ =	shalt  }
0x61: {  	_ =	shalt  }
0x62: {  	_ =	shalt  }
0x63: {  	_ =	shalt  }
0x64: {  	_ =	shalt  }
0x65: {  	_ =	shalt  }
0x66: {  	_ =	shalt  }
0x67: {  	_ =	shalt  }
0x68: {  	_ =	shalt  }
0x69: {  	_ =	shalt  }
0x6a: {  	_ =	shalt  }
0x6b: {  	_ =	shalt  }
0x6c: {  	_ =	shalt  }
0x6d: {  	_ =	shalt  }
0x6e: {  	_ =	shalt  }
0x6f: {  	_ =	shalt  }
0x70: {  	_ =	shalt  }
0x71: {  	_ =	shalt  }
0x72: {  	_ =	shalt  }
0x73: {  	_ =	shalt  }
0x74: {  	_ =	shalt  }
0x75: {  	_ =	shalt  }
0x76: {  	_ =	shalt  }
0x77: {  	_ =	shalt  }
0x78: {  	_ =	shalt  }
0x79: {  	_ =	shalt  }
0x7a: {  	_ =	shalt  }
0x7b: {  	_ =	shalt  }
0x7c: {  	_ =	shalt  }
0x7d: {  	_ =	shalt  }
0x7e: {  	_ =	shalt  }
0x7f: {  	_ =	shalt  }
0x80: {  	_ =	shalt  }
0x81: {  	_ =	shalt  }
0x82: {  	_ =	shalt  }
0x83: {  	_ =	shalt  }
0x84: {  	_ =	shalt  }
0x85: {  	_ =	shalt  }
0x86: {  	_ =	shalt  }
0x87: {  	_ =	shalt  }
.Lfunc_end0:
.L_simem_size_0:
called_computation_lowered:
.L_overlay_start_0:
0x88: {  	s2 =	sld [smem:$0x3FD9]  }
0x89: {  	s3 =	sld [smem:$0x3FFE];
	_ =	sdelay $0x1  }
0x8a: {  	s1 =	srdreg.scid  }
0x8b: {  	s0 =	sand.u32 $0x1, s1  }
0x8c: {  	s17 =	sshll.u32 s0, $0xA;
	s2 =	sadd.s32 s3, s2  }
0x8d: {  	s2 =	sadd.s32 s2, s17  }
0x8e: {  	[smem:$0x3FC4] =	sst s2  }
0x8f: {  	_ = 	snop  }
0x90: {  	s2 =	sld [smem:$0x3FD0];
	(tm) =	ssettm $0x1  }
0x91: {  	s18 =	sld [smem:$0x3FFB];
	_ =	sdelay $0x3  }
0x92: {  	_ =	strace s18  }
0x93: {  	s3 =	sld [smem:$0x3FFC];
	_ =	sdelay $0x3  }
0x94: {  	_ =	strace s3  }
0x95: {  	s3 =	sld [smem:$0x3FFD];
	_ =	sdelay $0x3  }
0x96: {  	_ =	strace s3  }
0x97: {  	_ =	strace $0x8FFFFFFF  }
0x98: {  	s19 =	sld [smem:$0x3FDB];
	_ =	sdelay $0x1  }
0x99: {  	s4 =	simm.s32 $_scs_section_size  }
0x9a: {  	s5 =	simm.s32 $_size__tile_overlayer_lowered;
	s6 =	simm.s32 $_tile_overlayer_lowered  }
0x9b: {  	s22 =	simm.s32 $0x1BFF;
	s21 =	sshll.u32 s6, $0x1;
	s3 =	sadd.s32 s4, s19  }
0x9c: {  	s7 =	simm.s32 $0x0;
	s20 =	sshll.u32 s5, $0x1;
	s5 =	sadd.s32 s21, s3  }
0x9d: {  	[timem:s7], [sflag:s22] =	dma.local [hbm:s5], s20  }
0x9e: {  	_ =	swait.ge [sflag:s22], s20  }
0x9f: {  	s4 =	ssub.s32 $0x0, s20;
	[sflag:s22] =	ssyncset.done $0x0  }
0xa0: {  	[sflag:s22] =	ssyncadd.s32 s4;
	_ =	sdelay $0x1  }
0xa1: {  	s23 =	simm.s32 $0x1B8B  }
0xa2: {  	_ =	swait.ge [sflag:s23], $0x1  }
0xa3: {  	[sflag:s23] =	ssyncset.done $0x0  }
0xa4: {  	s25 =	simm.s32 $0x1B8E;
	s24 =	sld [smem:$0x3FFE];
	[sflag:s23] =	ssyncadd.s32 $0xFFFFFFFF  }
0xa5: {  	s26 =	simm.s32 $execute0_lowered;
	[smem:$0x3FD2] =	sst s25  }
0xa6: {  	s5 =	sshll.u32 s26, $0x1;
	_ =	strace $0x80000046;
	[dreg:$0x1] =	wrdreg $0xFFFFFFFF  }
0xa7: {  	s28 =	simm.s32 $_size_execute0_lowered;
	s3 =	sadd.s32 s3, s5;
	[dreg:$0x0] =	wrdreg $0x0  }
0xa8: {  	s5 =	sshll.u32 s28, $0x1;
	[dreg:$0x2] =	wrdreg s3  }
0xa9: {  	[dreg:$0x3] =	wrdreg s5  }
0xaa: {  	[dreg:$0x4] =	wrdreg $0xC0  }
0xab: {  	_ =	task [dreg:s7], $0x5FFFF  }
0xac: {  	[dreg:$0x1] =	wrdreg $0xFFFFFFFF  }
0xad: {  	[dreg:$0x0] =	wrdreg $0x60  }
0xae: {  	[dreg:$0x2] =	wrdreg s24  }
0xaf: {  	[dreg:$0x3] =	wrdreg s2  }
0xb0: {  	[dreg:$0x4] =	wrdreg $0x29800  }
0xb1: {  	[dreg:$0x5] =	wrdreg $0x9  }
0xb2: {  	_ =	task.clear_ibuf [dreg:s7], $0x6FFFF;
	_ =	strace $0x90000046  }
0xb3: {  	s29 =	simm.s32 $0x9;
	_ =	strace $0x80000048  }
0xb4: {  	_ =	swait.ge [sflag:s29], $0x1  }
0xb5: {  	[sflag:s29] =	ssyncadd.s32 $0xFFFFFFFF  }
0xb6: {  	_ =	strace $0x90000048  }
0xb7: {  	_ =	sfence  }
0xb8: {  	s30 =	sld [smem:$0x0];
	_ =	sdelay $0x2  }
0xb9: {  	s31 =	sshll.u32 s1, $0xD;
	s1 =	sshrl.u32 s1, $0x2  }
0xba: {  	s3 =	sand.u32 $0x4000, s31;
	s1 =	sadd.s32 s1, s30  }
0xbb: {  	s0 =	sor.u32 s3, s0;
	s1 =	sshll.u32 s1, $0x11  }
0xbc: {  	s0 =	sor.u32 s1, s0  }
0xbd: {  	s0 =	sadd.s32 $0x8F2B, s0  }
0xbe: {  	[sflag:s0] =	ssyncadd.remote.s32 $0x1  }
0xbf: {  	_ =	sfence.sel $0xFFFF  }
0xc0: {  	[dreg:$0x0] =	wrdreg $0xFFFFFFFF;
	(pc) =	sbr.abs _section_cstart, $3  }
0xc1: {  	[dreg:$0x1] =	wrdreg $0xFFFFFFFF  }
0xc2: {  	_ =	task.clear_ibuf [dreg:s7], $0x2FFFF;
	_ =	strace $0x9FFFFFFF  }
0xc3: {  	(tm) =	ssettm $0x7FFFFFFF  }
tec
execute0_lowered:
.L_overlay_start_1:
0x0: {  	(tag) =	ssettag $0x1  }
0x1: {  	s4 =	rddreg [dreg:$0x0];
	s1 =	srdreg.scid  }
0x2: {  	s0 =	stileid.u32;
	s19 =	rddreg [dreg:$0x1]  }
0x3: {  	s2 =	rddreg [dreg:$0x2];
	s3 =	simm.s32 $0x0;
	s22 =	simm.s32 $0x80  }
0x4: {  	s23 =	simm.s32 $0x2800;
	s24 =	simm.s32 $0x2880;
	s25 =	simm.s32 $0x0  }
0x5: {  	s5 =	sand.u32 $0x1, s1;
	s29 =	sshll.u32 s0, $0x1;
	s1 =	rddreg [dreg:$0x3]  }
0x6: {  	[smem:$0x7FF] =	sst s3;
	s15 =	sshll.u32 s0, $0x7;
	s6 =	sor.u32 s5, s29  }
0x7: {  	s7 =	ssub.s32 $0x2, s5;
	_ =	strace $0x80000047;
	s16 =	smul.u32 $0x2800, s5  }
0x8: {  	s12 =	sor.u32 $0x800, s15;
	s17 =	sor.u32 $0x1000, s15;
	s18 =	sor.u32 $0x1800, s15  }
0x9: {  	s20 =	sor.u32 $0x2000, s15;
	s6 =	smul.u32 $0x500, s6;
	s30 =	sshrl.u32 s7, $0x1  }
0xa: {  	s14 =	sadd.s32 s17, s2;
	s7 =	ssub.s32 s7, s30;
	s10 =	sor.u32 s16, s15  }
0xb: {  	s13 =	sadd.s32 s16, s12;
	s12 =	sadd.s32 s12, s2;
	s17 =	sadd.s32 s16, s17  }
0xc: {  	s31 =	sadd.s32 s16, s18;
	s21 =	sadd.s32 s16, s20;
	s16 =	sadd.s32 s18, s2  }
0xd: {  	s18 =	sadd.s32 s20, s2;
	s20 =	simm.s32 $0x2900;
	s6 =	sadd.s32 s6, s4  }
0xe: {  	s4 =	sadd.s32 s15, s2;
	s11 =	sshrl.u32 s10, $0x3;
	s13 =	sshrl.u32 s13, $0x3  }
0xf: {  	s17 =	sshrl.u32 s17, $0x3;
	s21 =	sshrl.u32 s21, $0x3;
	s5 =	sadd.s32 $0xBC00, s6  }
0x10: {  	s6 =	smax.u32 s7, $0x1;
	s7 =	sadd.s32 $0x800, s4;
	s8 =	sadd.s32 $0x1000, s4  }
0x11: {  	s9 =	sadd.s32 $0x1800, s4;
	s10 =	sadd.s32 $0x2000, s4;
	s11 =	sadd.s32 s19, s11  }
0x12: {  	s13 =	sadd.s32 s19, s13;
	s15 =	sadd.s32 s19, s17;
	s17 =	sshrl.u32 s31, $0x3  }
0x13: {  	v0 =	vimm.f32 $1.000000000e+00;
	v1 =	vimm.f32 $0.0e+00;
	s17 =	sadd.s32 s19, s17;
	s19 =	sadd.s32 s19, s21;
	s21 =	simm.s32 $0x1  }
.LBB2_1:
0x14: {  	[tilespmem:$0x2880] =	vst v0  }
0x15: {  	[tilespmem:$0x2900] =	vst v1  }
0x16: {  	[tilespmem:$0x2890] =	vst v0  }
0x17: {  	[tilespmem:$0x2910] =	vst v1  }
0x18: {  	[tilespmem:$0x28A0] =	vst v0  }
0x19: {  	[tilespmem:$0x2920] =	vst v1  }
0x1a: {  	[tilespmem:$0x28B0] =	vst v0  }
0x1b: {  	[tilespmem:$0x2930] =	vst v1  }
0x1c: {  	[tilespmem:$0x28C0] =	vst v0  }
0x1d: {  	[tilespmem:$0x2940] =	vst v1  }
0x1e: {  	[tilespmem:$0x28D0] =	vst v0  }
0x1f: {  	[tilespmem:$0x2950] =	vst v1  }
0x20: {  	[tilespmem:$0x28E0] =	vst v0  }
0x21: {  	[tilespmem:$0x2960] =	vst v1  }
0x22: {  	[tilespmem:$0x28F0] =	vst v0  }
0x23: {  	[tilespmem:$0x2970] =	vst v1  }
0x24: {  	[spmem:s4] =	stream.linear.scatter [tilespmem:s20], [sflag:$0x1], $0x80, $0x38;
	[tilespmem:$0x2C00] =	vst v63  }
0x25: {  	_ =	swait.ge [sflag:s21], $0x80  }
0x26: {  	[sflag:s21] =	ssyncset.done $0x0  }
0x27: {  	[sflag:s21] =	ssyncadd.s32 $0xFFFFFF80  }
0x28: {  	[spmem:s7] =	stream.linear.scatter [tilespmem:s20], [sflag:$0x1], $0x80, $0x38;
	[tilespmem:$0x2C00] =	vst v63  }
0x29: {  	_ =	swait.ge [sflag:s21], $0x80  }
0x2a: {  	[sflag:s21] =	ssyncset.done $0x0  }
0x2b: {  	[sflag:s21] =	ssyncadd.s32 $0xFFFFFF80  }
0x2c: {  	[spmem:s8] =	stream.linear.scatter [tilespmem:s20], [sflag:$0x1], $0x80, $0x38;
	[tilespmem:$0x2C00] =	vst v63  }
0x2d: {  	_ =	swait.ge [sflag:s21], $0x80  }
0x2e: {  	[sflag:s21] =	ssyncset.done $0x0  }
0x2f: {  	[sflag:s21] =	ssyncadd.s32 $0xFFFFFF80  }
0x30: {  	[spmem:s9] =	stream.linear.scatter [tilespmem:s20], [sflag:$0x1], $0x80, $0x38;
	[tilespmem:$0x2C00] =	vst v63  }
0x31: {  	_ =	swait.ge [sflag:s21], $0x80  }
0x32: {  	[sflag:s21] =	ssyncset.done $0x0  }
0x33: {  	[sflag:s21] =	ssyncadd.s32 $0xFFFFFF80  }
0x34: {  	[spmem:s10] =	stream.linear.scatter [tilespmem:s20], [sflag:$0x1], $0x80, $0x38;
	[tilespmem:$0x2C00] =	vst v63  }
0x35: {  	_ =	swait.ge [sflag:s21], $0x80  }
0x36: {  	[sflag:s21] =	ssyncset.done $0x0  }
0x37: {  	[sflag:s21] =	ssyncadd.s32 $0xFFFFFF80  }
0x38: {  	[tilespmem:s3], [sflag:$0x1] =	stream.linear.gather [hbm4b:s5+s3], $0x2800, $0x38;
	[tilespmem:$0x2C00] =	vst v63  }
0x39: {  	_ =	swait.ge [sflag:s21], $0x2800  }
0x3a: {  	[sflag:s21] =	ssyncset.done $0x0  }
0x3b: {  	[sflag:s21] =	ssyncadd.s32 $0xFFFFD800  }
0x3c: {  	s26 =	simm.s32 $0x0;
	[bflag:$0x0] =	sbarrier.arrive $0xFFFF  }
0x3d: {  	v2 =	vld [tilespmem:s26+$0x0];
	_ =	sdelay $0x4  }
0x3e: {  	[tilespmem:$0x2800] =	vst v2  }
0x3f: {  	v2 =	vld [tilespmem:s26+$0x10];
	_ =	sdelay $0x4  }
0x40: {  	[tilespmem:$0x2810] =	vst v2  }
0x41: {  	v2 =	vld [tilespmem:s26+$0x20];
	_ =	sdelay $0x4  }
0x42: {  	[tilespmem:$0x2820] =	vst v2  }
0x43: {  	v2 =	vld [tilespmem:s26+$0x30];
	_ =	sdelay $0x4  }
0x44: {  	[tilespmem:$0x2830] =	vst v2  }
0x45: {  	v2 =	vld [tilespmem:s26+$0x40];
	_ =	sdelay $0x4  }
0x46: {  	[tilespmem:$0x2840] =	vst v2  }
0x47: {  	v2 =	vld [tilespmem:s26+$0x50];
	_ =	sdelay $0x4  }
0x48: {  	[tilespmem:$0x2850] =	vst v2  }
0x49: {  	v2 =	vld [tilespmem:s26+$0x60];
	_ =	sdelay $0x4  }
0x4a: {  	[tilespmem:$0x2860] =	vst v2  }
0x4b: {  	v2 =	vld [tilespmem:s26+$0x70];
	_ =	sdelay $0x4  }
0x4c: {  	[tilespmem:$0x2870] =	vst v2  }
0x4d: {  	[spmem:s2] =	stream.indirect.scatter.add.f32 [tilespmem:s24], [sflag:$0x1], $0x1, s23, s22, $0xb8;
	[tilespmem:$0x2C00] =	vst v63  }
0x4e: {  	_ =	swait.ge [sflag:s21], $0x80  }
0x4f: {  	s29 =	simm.s32 $0x400;
	s26 =	simm.s32 $0x200;
	[sflag:s21] =	ssyncset.done $0x0  }
.LBB2_2:
0x50: {  	s30 =	sshra.s32 s26, $0x2  }
0x51: {  	[sflag:s21] =	ssyncadd.s32 $0xFFFFFF80;
	s26 =	smov.u32 s29;
	s28 =	sadd.s32 $0x200, s29  }
0x52: {  	p0 =	sne.s32 s29, $0x9E00;
	v2 =	vld [tilespmem:s30+$0x0];
	_ =	sdelay $0x4  }
0x53: {  	[tilespmem:$0x2800] =	vst v2  }
0x54: {  	v2 =	vld [tilespmem:s30+$0x10];
	_ =	sdelay $0x4  }
0x55: {  	[tilespmem:$0x2810] =	vst v2  }
0x56: {  	v2 =	vld [tilespmem:s30+$0x20];
	_ =	sdelay $0x4  }
0x57: {  	[tilespmem:$0x2820] =	vst v2  }
0x58: {  	v2 =	vld [tilespmem:s30+$0x30];
	_ =	sdelay $0x4  }
0x59: {  	[tilespmem:$0x2830] =	vst v2  }
0x5a: {  	v2 =	vld [tilespmem:s30+$0x40];
	_ =	sdelay $0x4  }
0x5b: {  	[tilespmem:$0x2840] =	vst v2  }
0x5c: {  	v2 =	vld [tilespmem:s30+$0x50];
	_ =	sdelay $0x4  }
0x5d: {  	[tilespmem:$0x2850] =	vst v2  }
0x5e: {  	v2 =	vld [tilespmem:s30+$0x60];
	_ =	sdelay $0x4  }
0x5f: {  	[tilespmem:$0x2860] =	vst v2  }
0x60: {  	v2 =	vld [tilespmem:s30+$0x70];
	_ =	sdelay $0x3  }
.Ltmp0:
0x61: {  	(pc) =	sbr.rel @p0 .LBB2_2-.Ltmp0, $4  }
0x62: {  	[tilespmem:$0x2870] =	vst v2  }
0x63: {  	[spmem:s2] =	stream.indirect.scatter.add.f32 [tilespmem:s24], [sflag:$0x1], $0x1, s23, s22, $0xb8;
	[tilespmem:$0x2C00] =	vst v63  }
0x64: {  	_ =	swait.ge [sflag:s21], $0x80  }
0x65: {  	s29 =	smov.u32 s28;
	[sflag:s21] =	ssyncset.done $0x0  }
0x66: {  	s26 =	sshra.s32 s26, $0x2;
	[sflag:s21] =	ssyncadd.s32 $0xFFFFFF80  }
0x67: {  	v2 =	vld [tilespmem:s26+$0x0];
	_ =	sdelay $0x4  }
0x68: {  	[tilespmem:$0x2800] =	vst v2  }
0x69: {  	v2 =	vld [tilespmem:s26+$0x10];
	_ =	sdelay $0x4  }
0x6a: {  	[tilespmem:$0x2810] =	vst v2  }
0x6b: {  	v2 =	vld [tilespmem:s26+$0x20];
	_ =	sdelay $0x4  }
0x6c: {  	[tilespmem:$0x2820] =	vst v2  }
0x6d: {  	v2 =	vld [tilespmem:s26+$0x30];
	_ =	sdelay $0x4  }
0x6e: {  	[tilespmem:$0x2830] =	vst v2  }
0x6f: {  	v2 =	vld [tilespmem:s26+$0x40];
	_ =	sdelay $0x4  }
0x70: {  	[tilespmem:$0x2840] =	vst v2  }
0x71: {  	v2 =	vld [tilespmem:s26+$0x50];
	_ =	sdelay $0x4  }
0x72: {  	[tilespmem:$0x2850] =	vst v2  }
0x73: {  	v2 =	vld [tilespmem:s26+$0x60];
	_ =	sdelay $0x4  }
0x74: {  	[tilespmem:$0x2860] =	vst v2  }
0x75: {  	v2 =	vld [tilespmem:s26+$0x70];
	_ =	sdelay $0x4  }
0x76: {  	[tilespmem:$0x2870] =	vst v2  }
0x77: {  	[spmem:s2] =	stream.indirect.scatter.add.f32 [tilespmem:s24], [sflag:$0x1], $0x1, s23, s22, $0xb8;
	[tilespmem:$0x2C00] =	vst v63  }
0x78: {  	_ =	swait.ge [sflag:s21], $0x80  }
0x79: {  	[sflag:s21] =	ssyncset.done $0x0  }
0x7a: {  	[sflag:s21] =	ssyncadd.s32 $0xFFFFFF80  }
0x7b: {  	[bflag:$0x0] =	sbarrier.arrive $0xFFFF  }
0x7c: {  	[tilespmem:s20], [sflag:$0x1] =	stream.linear.gather [spmem:s4], $0x80, $0x38;
	[tilespmem:$0x2C00] =	vst v63  }
0x7d: {  	_ =	swait.ge [sflag:s21], $0x80  }
0x7e: {  	[sflag:s21] =	ssyncset.done $0x0  }
0x7f: {  	[sflag:s21] =	ssyncadd.s32 $0xFFFFFF80  }
0x80: {  	[hbm4b:s11+s3] =	stream.linear.scatter [tilespmem:s20], [sflag:$0x1], $0x80, $0x38;
	[tilespmem:$0x2C00] =	vst v63  }
0x81: {  	_ =	swait.ge [sflag:s21], $0x80  }
0x82: {  	[sflag:s21] =	ssyncset.done $0x0  }
0x83: {  	[sflag:s21] =	ssyncadd.s32 $0xFFFFFF80  }
0x84: {  	[tilespmem:s20], [sflag:$0x1] =	stream.linear.gather [spmem:s12], $0x80, $0x38;
	[tilespmem:$0x2C00] =	vst v63  }
0x85: {  	_ =	swait.ge [sflag:s21], $0x80  }
0x86: {  	[sflag:s21] =	ssyncset.done $0x0  }
0x87: {  	[sflag:s21] =	ssyncadd.s32 $0xFFFFFF80  }
0x88: {  	[hbm4b:s13+s3] =	stream.linear.scatter [tilespmem:s20], [sflag:$0x1], $0x80, $0x38;
	[tilespmem:$0x2C00] =	vst v63  }
0x89: {  	_ =	swait.ge [sflag:s21], $0x80  }
0x8a: {  	[sflag:s21] =	ssyncset.done $0x0  }
0x8b: {  	[sflag:s21] =	ssyncadd.s32 $0xFFFFFF80  }
0x8c: {  	[tilespmem:s20], [sflag:$0x1] =	stream.linear.gather [spmem:s14], $0x80, $0x38;
	[tilespmem:$0x2C00] =	vst v63  }
0x8d: {  	_ =	swait.ge [sflag:s21], $0x80  }
0x8e: {  	[sflag:s21] =	ssyncset.done $0x0  }
0x8f: {  	[sflag:s21] =	ssyncadd.s32 $0xFFFFFF80  }
0x90: {  	[hbm4b:s15+s3] =	stream.linear.scatter [tilespmem:s20], [sflag:$0x1], $0x80, $0x38;
	[tilespmem:$0x2C00] =	vst v63  }
0x91: {  	_ =	swait.ge [sflag:s21], $0x80  }
0x92: {  	[sflag:s21] =	ssyncset.done $0x0  }
0x93: {  	[sflag:s21] =	ssyncadd.s32 $0xFFFFFF80  }
0x94: {  	[tilespmem:s20], [sflag:$0x1] =	stream.linear.gather [spmem:s16], $0x80, $0x38;
	[tilespmem:$0x2C00] =	vst v63  }
0x95: {  	_ =	swait.ge [sflag:s21], $0x80  }
0x96: {  	[sflag:s21] =	ssyncset.done $0x0  }
0x97: {  	[sflag:s21] =	ssyncadd.s32 $0xFFFFFF80  }
0x98: {  	[hbm4b:s17+s3] =	stream.linear.scatter [tilespmem:s20], [sflag:$0x1], $0x80, $0x38;
	[tilespmem:$0x2C00] =	vst v63  }
0x99: {  	_ =	swait.ge [sflag:s21], $0x80  }
0x9a: {  	[sflag:s21] =	ssyncset.done $0x0  }
0x9b: {  	[sflag:s21] =	ssyncadd.s32 $0xFFFFFF80  }
0x9c: {  	[tilespmem:s20], [sflag:$0x1] =	stream.linear.gather [spmem:s18], $0x80, $0x38;
	[tilespmem:$0x2C00] =	vst v63  }
0x9d: {  	s25 =	sadd.s32 $0x1, s25;
	_ =	swait.ge [sflag:s21], $0x80  }
0x9e: {  	p0 =	sne.s32 s25, s6;
	[sflag:s21] =	ssyncset.done $0x0  }
.Ltmp1:
0x9f: {  	[sflag:s21] =	ssyncadd.s32 $0xFFFFFF80;
	(pc) =	sbr.rel @p0 .LBB2_1-.Ltmp1, $4  }
0xa0: {  	[hbm4b:s19+s3] =	stream.linear.scatter [tilespmem:s20], [sflag:$0x1], $0x80, $0x38;
	[tilespmem:$0x2C00] =	vst v63  }
0xa1: {  	_ =	swait.ge [sflag:s21], $0x80  }
0xa2: {  	[sflag:s21] =	ssyncset.done $0x0  }
0xa3: {  	[sflag:s21] =	ssyncadd.s32 $0xFFFFFF80  }
0xa4: {  	_ =	sfence.sel $0x180000  }
0xa5: {  	[bflag:$0x0] =	sbarrier.arrive $0xFFFF  }
0xa6: {  	p0 =	sne.s32 s0, $0x0;
	_ =	strace $0x90000047  }
0xa7: {  	s0 =	sadd.s32 @!p0 $0x100000, s1;
	[bflag:$0x2] =	sbarrier.arrive $0xFFFF  }
0xa8: {  	[sflag:s0] =	ssyncadd.tile.s32 @!p0 $0x1;
	_ =	shalt  }
.Lfunc_end2:
_tile_overlayer_lowered:
.L_overlay_start_2:
0xa9: {  	(tag) =	ssettag $0x2  }
0xaa: {  	s0 =	rddreg [dreg:$0x0];
	s2 =	stileid.u32  }
0xab: {  	s1 =	rddreg [dreg:$0x1];
	p0 =	sne.s32 s2, $0x0  }
0xac: {  	s3 =	rddreg [dreg:$0x2];
	[bflag:$0x3] =	sbarrier.arrive $0xFFFF;
	s2 =	simm.s32 @!p0 $0x1C01  }
0xad: {  	[timem:s3], [sflag:s2] =	dma.local @!p0 [hbm:s0], s1  }
0xae: {  	s0 =	simm.s32 @!p0 $0x1  }
0xaf: {  	_ =	swait.ge @!p0 [sflag:s0], s1  }
0xb0: {  	s1 =	ssub.s32 @!p0 $0x0, s1;
	[sflag:s0] =	ssyncset.done @!p0 $0x0  }
0xb1: {  	[sflag:s0] =	ssyncadd.s32 @!p0 s1  }
0xb2: {  	[bflag:$0x3] =	sbarrier.arrive $0xFFFF  }
0xb3: {  	_ =	shalt  }

</sc_bundles>
